<compile_context>
chip_gen: v7x
topology: tpu7x:2x2x1
jax: 0.10.2.dev20260603
libtpu: 0.0.44.dev20260713+nightly
codegen_flags: <defaults>
</compile_context>

<pallas_src>
import functools

import jax
import jax.numpy as jnp
from jax import lax
from jax.experimental import pallas as pl
from jax.experimental.pallas import tpu as pltpu
from jax.experimental.pallas import tpu_sc as plsc

S = 128
N_VOX = 100000
HALF = 64 * S * S
DUMP = 1024
SPM = HALF + DUMP
NSUB = 16
NCORE = 2
CHUNK = 6272
ROWS = CHUNK // 128
OUT_SHARE = HALF // NSUB
BOUNCE = 16384


def _scatter_body(c_hbm, f_hbm, out_hbm,
                  cv, fv, idxv, b0, b1, shared,
                  sem_s, sem_z, sem_a, sem_i, sem_o):
    c = lax.axis_index("c")
    s = lax.axis_index("s")
    start = s * CHUNK
    base = jnp.minimum(start, N_VOX - CHUNK)
    lo = start - base

    st0 = pltpu.async_copy(c_hbm.at[pl.ds(base, CHUNK)], cv, sem_s)
    st1 = pltpu.async_copy(f_hbm.at[pl.ds(base, CHUNK)], fv, sem_s)

    def zstep(i, carry):
        for u in range(4):
            b0[pl.ds(i * 64 + u * 16, 16)] = jnp.zeros((16,), jnp.float32)
        return carry

    lax.fori_loop(0, BOUNCE // 64, zstep, 0)
    zb = s * OUT_SHARE
    zcps = [pltpu.async_copy(b0, shared.at[pl.ds(zb + t * BOUNCE, BOUNCE)],
                             sem_z)
            for t in range(OUT_SHARE // BOUNCE)]

    st0.wait(); st1.wait()
    off = c * HALF
    lane = lax.iota(jnp.int32, 16)

    def row(j, carry):
        for k in range(8):
            o = k * 16
            p0 = j * 128 + o
            flat = cv[pl.ds(p0, 16)]
            loc = flat - off
            ok = (loc >= 0) & (loc < HALF) & (p0 + lane >= lo)
            dump = HALF + ((p0 + lane) & (DUMP - 1))
            idxv[j, pl.ds(o, 16)] = jnp.where(ok, loc, dump)
        return carry

    lax.fori_loop(0, ROWS, row, 0)

    for cp in zcps:
        cp.wait()

    plsc.subcore_barrier()

    acps = [pltpu.async_copy(fv.at[pl.ds(j * 128, 128)],
                             shared.at[idxv.at[j]], sem_a, add=True)
            for j in range(ROWS)]
    for cp in acps:
        cp.wait()

    plsc.subcore_barrier()

    nchunks = OUT_SHARE // BOUNCE
    bufs = [b0, b1]
    src = s * OUT_SHARE
    dst = c * HALF + s * OUT_SHARE
    incs = [pltpu.async_copy(shared.at[pl.ds(src, BOUNCE)], b0, sem_i)]
    outs = []
    for t in range(nchunks):
        incs[t].wait()
        if t + 1 < nchunks:
            if t >= 1:
                outs[t - 1].wait()
            incs.append(pltpu.async_copy(
                shared.at[pl.ds(src + (t + 1) * BOUNCE, BOUNCE)],
                bufs[(t + 1) % 2], sem_i))
        outs.append(pltpu.async_copy(
            bufs[t % 2], out_hbm.at[pl.ds(dst + t * BOUNCE, BOUNCE)], sem_o))
    outs[nchunks - 2].wait()
    outs[nchunks - 1].wait()


@functools.cache
def _scatter_fn():
    return pl.kernel(
        _scatter_body,
        out_type=jax.ShapeDtypeStruct((NCORE * HALF,), jnp.float32),
        mesh=plsc.VectorSubcoreMesh(core_axis_name="c", subcore_axis_name="s",
                                    num_cores=NCORE, num_subcores=NSUB),
        scratch_types=[
            pltpu.VMEM((CHUNK,), jnp.int32),
            pltpu.VMEM((CHUNK,), jnp.float32),
            pltpu.VMEM((ROWS, 128), jnp.int32),
            pltpu.VMEM((BOUNCE,), jnp.float32),
            pltpu.VMEM((BOUNCE,), jnp.float32),
            pltpu.VMEM_SHARED((SPM,), jnp.float32),
            pltpu.SemaphoreType.DMA,
            pltpu.SemaphoreType.DMA,
            pltpu.SemaphoreType.DMA,
            pltpu.SemaphoreType.DMA,
            pltpu.SemaphoreType.DMA,
        ],
    )


def _box5_sub(x, axis):
    pads = [(0, 0)] * 3
    pads[axis] = (2, 2)
    p = jnp.pad(x, pads)
    sl = [slice(None)] * 3
    acc = None
    for d in range(5):
        sl[axis] = slice(d, d + x.shape[axis])
        t = p[tuple(sl)]
        acc = t if acc is None else acc + t
    return acc


NB = 4


def _conv_body(top_ref, x_ref, bot_ref, o_ref):
    i = pl.program_id(0)
    top = jnp.where(i == 0, 0.0, top_ref[...])
    bot = jnp.where(i == NB - 1, 0.0, bot_ref[...])
    ext = jnp.concatenate([top, x_ref[...], bot], axis=0)
    nz = x_ref.shape[0]
    z = (ext[0:nz] + ext[1:nz + 1] + ext[2:nz + 2]
         + ext[3:nz + 3] + ext[4:nz + 4])
    y = _box5_sub(z, 1)
    r = lax.broadcasted_iota(jnp.int32, (S, S), 0)
    q = lax.broadcasted_iota(jnp.int32, (S, S), 1)
    band = (jnp.abs(r - q) <= 2).astype(jnp.float32)
    out = jnp.dot(y.reshape(nz * S, S), band,
                  preferred_element_type=jnp.float32)
    o_ref[...] = out.reshape(nz, S, S)


def _conv(dense3d):
    bz = S // NB
    hb = bz // 2
    return pl.pallas_call(
        _conv_body,
        grid=(NB,),
        in_specs=[
            pl.BlockSpec((2, S, S), lambda i: (lax.max(hb * i - 1, 0), 0, 0)),
            pl.BlockSpec((bz, S, S), lambda i: (i, 0, 0)),
            pl.BlockSpec((2, S, S),
                         lambda i: (lax.min(hb * i + hb, S // 2 - 1), 0, 0)),
        ],
        out_specs=pl.BlockSpec((bz, S, S), lambda i: (i, 0, 0)),
        out_shape=jax.ShapeDtypeStruct((S, S, S), jnp.float32),
    )(dense3d, dense3d, dense3d)


def kernel(features, coords):
    flat = coords[:, 0] * (S * S) + coords[:, 1] * S + coords[:, 2]
    dense = _scatter_fn()(flat, features.reshape(-1))
    return _conv(dense.reshape(S, S, S))[None, :, :, :, None]

# --- scband reference (transcript-rebuilt; emitter-appended) ---
"""Pipeline reference for scband-sparse-conv-net-44607530336719 (READ-ONLY COPY).

The authoritative reference and input builder live on the scoring server;
editing this copy changes nothing except your own understanding.
"""

import jax, jax.numpy as jnp
import numpy as np

SPATIAL = 128
N_VOX = 100000
K = 5
PAD = 2

def setup_inputs(seed: int = 0) -> dict:
    key = jax.random.key(seed)
    k1, k2 = jax.random.split(key)
    features = jax.random.normal(k1, (N_VOX, 1), dtype=jnp.float32)
    coords = jax.random.randint(k2, (N_VOX, 3), 0, SPATIAL, dtype=jnp.int32)
    return {"features": features, "coords": coords}


def reference(features, coords):
    # SparseConvNet: spconv.SparseConv3d(1,1,k=5,s=1,p=2,bias=False) with all-ones
    # frozen weight, followed by .dense(). With stride 1 / pad 2 and an all-ones
    # kernel, the densified output equals a dense 3D convolution (5x5x5 box-sum)
    # applied to the densified sparse input (inactive sites contribute 0, and
    # output sites with no active input in their receptive field are 0, matching
    # the zero-fill of .dense()).
    # Scatter sparse features into a dense voxel grid (scatter-add; duplicate
    # coordinates accumulate).
    dense = jnp.zeros((SPATIAL, SPATIAL, SPATIAL), dtype=jnp.float32)
    dense = dense.at[coords[:, 0], coords[:, 1], coords[:, 2]].add(features[:, 0])
    x = dense[None, :, :, :, None]  # NDHWC, batch=1, C=1
    kernel = jnp.ones((K, K, K, 1, 1), dtype=jnp.float32)  # DHWIO
    out = jax.lax.conv_general_dilated(
        x, kernel,
        window_strides=(1, 1, 1),
        padding=[(PAD, PAD)] * 3,
        dimension_numbers=("NDHWC", "DHWIO", "NDHWC"),
    )
    # forward returned a list of dense tensors (one per sparse tensor in the
    # input list); we model a single-element batch list -> return the tensor.
    return out

if __name__ == "__main__":
    import jax
    _d = setup_inputs()
    print(jax.jit(kernel)(*tuple(_d.values())))

</pallas_src>

<mosaic_0001>
#map = affine_map<(d0, d1) -> (0)>
module attributes {stable_mosaic.version = 14 : i64} {
  func.func @_scatter_body(%arg0: i32, %arg1: i32, %arg2: memref<100000xi32, #tpu.memory_space<hbm>>, %arg3: memref<100000xf32, #tpu.memory_space<hbm>>, %arg4: memref<2097152xf32, #tpu.memory_space<hbm>>, %arg5: memref<6272xi32, #tpu.memory_space<vmem>>, %arg6: memref<6272xf32, #tpu.memory_space<vmem>>, %arg7: memref<49x128xi32, #tpu.memory_space<vmem>>, %arg8: memref<16384xf32, #tpu.memory_space<vmem>>, %arg9: memref<16384xf32, #tpu.memory_space<vmem>>, %arg10: memref<1049600xf32, #tpu.memory_space<vmem_shared>>, %arg11: memref<!tpu.dma_semaphore, #tpu.memory_space<semaphore_mem>>, %arg12: memref<!tpu.dma_semaphore, #tpu.memory_space<semaphore_mem>>, %arg13: memref<!tpu.dma_semaphore, #tpu.memory_space<semaphore_mem>>, %arg14: memref<!tpu.dma_semaphore, #tpu.memory_space<semaphore_mem>>, %arg15: memref<!tpu.dma_semaphore, #tpu.memory_space<semaphore_mem>>) attributes {dimension_semantics = [#tpu.dimension_semantics<core_parallel>, #tpu.dimension_semantics<subcore_parallel>], iteration_bounds = array<i64: 2, 16>, scalar_prefetch = 0 : i64, scratch_operands = 11 : i64, tpu.core_type = #tpu.core_type<sc_vector_subcore>, window_params = [{transform_indices = #map}, {transform_indices = #map}, {transform_indices = #map}]} {
    %mul3A = arith.constant 6272 : i32
    %mul3A_0 = arith.muli %arg1, %mul3A : i32
    %min3A = arith.constant 93728 : i32
    %min3A_1 = arith.minsi %mul3A_0, %min3A : i32
    %sub3A = arith.subi %mul3A_0, %min3A_1 : i32
    %dma_start3A = tpu.memref_slice %arg2[%min3A_1] : memref<100000xi32, #tpu.memory_space<hbm>> -> memref<6272xi32, #tpu.memory_space<hbm>>
    %dma_start3A_2 = tpu.memref_slice %arg2[%min3A_1] : memref<100000xi32, #tpu.memory_space<hbm>> -> memref<6272xi32, #tpu.memory_space<hbm>>
    tpu.enqueue_dma source(%dma_start3A_2 : memref<6272xi32, #tpu.memory_space<hbm>>) target(%arg5 : memref<6272xi32, #tpu.memory_space<vmem>>) target_semaphore(%arg11 : memref<!tpu.dma_semaphore, #tpu.memory_space<semaphore_mem>>)
    %dma_start3A_3 = tpu.memref_slice %arg3[%min3A_1] : memref<100000xf32, #tpu.memory_space<hbm>> -> memref<6272xf32, #tpu.memory_space<hbm>>
    %dma_start3A_4 = tpu.memref_slice %arg3[%min3A_1] : memref<100000xf32, #tpu.memory_space<hbm>> -> memref<6272xf32, #tpu.memory_space<hbm>>
    tpu.enqueue_dma source(%dma_start3A_4 : memref<6272xf32, #tpu.memory_space<hbm>>) target(%arg6 : memref<6272xf32, #tpu.memory_space<vmem>>) target_semaphore(%arg11 : memref<!tpu.dma_semaphore, #tpu.memory_space<semaphore_mem>>)
    %scan3A = arith.constant 0 : i32
    %scan3A_5 = arith.constant 0 : i32
    %scan3A_6 = arith.constant 256 : i32
    %scan3A_7 = arith.addi %scan3A_5, %scan3A_6 : i32
    %scan3A_8 = arith.constant 1 : i32
    scf.for %scan3A_884 = %scan3A_5 to %scan3A_7 step %scan3A_8  : i32 {
      %broadcast_in_dim3A = arith.constant 0.000000e+00 : f32
      %broadcast_in_dim3A_885 = vector.broadcast %broadcast_in_dim3A : f32 to vector<16xf32>
      %mul3A_886 = arith.constant 64 : i32
      %mul3A_887 = arith.muli %scan3A_884, %mul3A_886 : i32
      %add3A_888 = arith.constant 0 : i32
      %add3A_889 = arith.addi %mul3A_887, %add3A_888 : i32
      %swap3A = arith.index_cast %add3A_889 : i32 to index
      %swap3A_890 = tpu.vector_load %arg8[%swap3A] {strides = array<i32>} : memref<16384xf32, #tpu.memory_space<vmem>>, vector<16xf32>,
      %swap3A_891 = vector.shape_cast %swap3A_890 : vector<16xf32> to vector<16xf32>
      %swap3A_892 = vector.shape_cast %broadcast_in_dim3A_885 : vector<16xf32> to vector<16xf32>
      tpu.vector_store %arg8[%swap3A], %swap3A_892 {strides = array<i32>} : memref<16384xf32, #tpu.memory_space<vmem>>, vector<16xf32>,
      %broadcast_in_dim3A_893 = arith.constant 0.000000e+00 : f32
      %broadcast_in_dim3A_894 = vector.broadcast %broadcast_in_dim3A_893 : f32 to vector<16xf32>
      %mul3A_895 = arith.constant 64 : i32
      %mul3A_896 = arith.muli %scan3A_884, %mul3A_895 : i32
      %add3A_897 = arith.constant 16 : i32
      %add3A_898 = arith.addi %mul3A_896, %add3A_897 : i32
      %swap3A_899 = arith.index_cast %add3A_898 : i32 to index
      %swap3A_900 = tpu.vector_load %arg8[%swap3A_899] {strides = array<i32>} : memref<16384xf32, #tpu.memory_space<vmem>>, vector<16xf32>,
      %swap3A_901 = vector.shape_cast %swap3A_900 : vector<16xf32> to vector<16xf32>
      %swap3A_902 = vector.shape_cast %broadcast_in_dim3A_894 : vector<16xf32> to vector<16xf32>
      tpu.vector_store %arg8[%swap3A_899], %swap3A_902 {strides = array<i32>} : memref<16384xf32, #tpu.memory_space<vmem>>, vector<16xf32>,
      %broadcast_in_dim3A_903 = arith.constant 0.000000e+00 : f32
      %broadcast_in_dim3A_904 = vector.broadcast %broadcast_in_dim3A_903 : f32 to vector<16xf32>
      %mul3A_905 = arith.constant 64 : i32
      %mul3A_906 = arith.muli %scan3A_884, %mul3A_905 : i32
      %add3A_907 = arith.constant 32 : i32
      %add3A_908 = arith.addi %mul3A_906, %add3A_907 : i32
      %swap3A_909 = arith.index_cast %add3A_908 : i32 to index
      %swap3A_910 = tpu.vector_load %arg8[%swap3A_909] {strides = array<i32>} : memref<16384xf32, #tpu.memory_space<vmem>>, vector<16xf32>,
      %swap3A_911 = vector.shape_cast %swap3A_910 : vector<16xf32> to vector<16xf32>
      %swap3A_912 = vector.shape_cast %broadcast_in_dim3A_904 : vector<16xf32> to vector<16xf32>
      tpu.vector_store %arg8[%swap3A_909], %swap3A_912 {strides = array<i32>} : memref<16384xf32, #tpu.memory_space<vmem>>, vector<16xf32>,
      %broadcast_in_dim3A_913 = arith.constant 0.000000e+00 : f32
      %broadcast_in_dim3A_914 = vector.broadcast %broadcast_in_dim3A_913 : f32 to vector<16xf32>
      %mul3A_915 = arith.constant 64 : i32
      %mul3A_916 = arith.muli %scan3A_884, %mul3A_915 : i32
      %add3A_917 = arith.constant 48 : i32
      %add3A_918 = arith.addi %mul3A_916, %add3A_917 : i32
      %swap3A_919 = arith.index_cast %add3A_918 : i32 to index
      %swap3A_920 = tpu.vector_load %arg8[%swap3A_919] {strides = array<i32>} : memref<16384xf32, #tpu.memory_space<vmem>>, vector<16xf32>,
      %swap3A_921 = vector.shape_cast %swap3A_920 : vector<16xf32> to vector<16xf32>
      %swap3A_922 = vector.shape_cast %broadcast_in_dim3A_914 : vector<16xf32> to vector<16xf32>
      tpu.vector_store %arg8[%swap3A_919], %swap3A_922 {strides = array<i32>} : memref<16384xf32, #tpu.memory_space<vmem>>, vector<16xf32>,
    }
    %scan3A_9 = arith.constant 256 : i32
    %mul3A_10 = arith.constant 65536 : i32
    %mul3A_11 = arith.muli %arg1, %mul3A_10 : i32
    %add3A = arith.constant 0 : i32
    %add3A_12 = arith.addi %mul3A_11, %add3A : i32
    %dma_start3A_13 = tpu.memref_slice %arg10[%add3A_12] : memref<1049600xf32, #tpu.memory_space<vmem_shared>> -> memref<16384xf32, #tpu.memory_space<vmem_shared>>
    %dma_start3A_14 = tpu.memref_slice %arg10[%add3A_12] : memref<1049600xf32, #tpu.memory_space<vmem_shared>> -> memref<16384xf32, #tpu.memory_space<vmem_shared>>
    tpu.enqueue_dma source(%arg8 : memref<16384xf32, #tpu.memory_space<vmem>>) target(%dma_start3A_14 : memref<16384xf32, #tpu.memory_space<vmem_shared>>) target_semaphore(%arg12 : memref<!tpu.dma_semaphore, #tpu.memory_space<semaphore_mem>>)
    %add3A_15 = arith.constant 16384 : i32
    %add3A_16 = arith.addi %mul3A_11, %add3A_15 : i32
    %dma_start3A_17 = tpu.memref_slice %arg10[%add3A_16] : memref<1049600xf32, #tpu.memory_space<vmem_shared>> -> memref<16384xf32, #tpu.memory_space<vmem_shared>>
    %dma_start3A_18 = tpu.memref_slice %arg10[%add3A_16] : memref<1049600xf32, #tpu.memory_space<vmem_shared>> -> memref<16384xf32, #tpu.memory_space<vmem_shared>>
    tpu.enqueue_dma source(%arg8 : memref<16384xf32, #tpu.memory_space<vmem>>) target(%dma_start3A_18 : memref<16384xf32, #tpu.memory_space<vmem_shared>>) target_semaphore(%arg12 : memref<!tpu.dma_semaphore, #tpu.memory_space<semaphore_mem>>)
    %add3A_19 = arith.constant 32768 : i32
    %add3A_20 = arith.addi %mul3A_11, %add3A_19 : i32
    %dma_start3A_21 = tpu.memref_slice %arg10[%add3A_20] : memref<1049600xf32, #tpu.memory_space<vmem_shared>> -> memref<16384xf32, #tpu.memory_space<vmem_shared>>
    %dma_start3A_22 = tpu.memref_slice %arg10[%add3A_20] : memref<1049600xf32, #tpu.memory_space<vmem_shared>> -> memref<16384xf32, #tpu.memory_space<vmem_shared>>
    tpu.enqueue_dma source(%arg8 : memref<16384xf32, #tpu.memory_space<vmem>>) target(%dma_start3A_22 : memref<16384xf32, #tpu.memory_space<vmem_shared>>) target_semaphore(%arg12 : memref<!tpu.dma_semaphore, #tpu.memory_space<semaphore_mem>>)
    %add3A_23 = arith.constant 49152 : i32
    %add3A_24 = arith.addi %mul3A_11, %add3A_23 : i32
    %dma_start3A_25 = tpu.memref_slice %arg10[%add3A_24] : memref<1049600xf32, #tpu.memory_space<vmem_shared>> -> memref<16384xf32, #tpu.memory_space<vmem_shared>>
    %dma_start3A_26 = tpu.memref_slice %arg10[%add3A_24] : memref<1049600xf32, #tpu.memory_space<vmem_shared>> -> memref<16384xf32, #tpu.memory_space<vmem_shared>>
    tpu.enqueue_dma source(%arg8 : memref<16384xf32, #tpu.memory_space<vmem>>) target(%dma_start3A_26 : memref<16384xf32, #tpu.memory_space<vmem_shared>>) target_semaphore(%arg12 : memref<!tpu.dma_semaphore, #tpu.memory_space<semaphore_mem>>)
    %dma_wait3A = tpu.memref_slice %arg2[%min3A_1] : memref<100000xi32, #tpu.memory_space<hbm>> -> memref<6272xi32, #tpu.memory_space<hbm>>
    %dma_wait3A_27 = tpu.memref_slice %arg2[%min3A_1] : memref<100000xi32, #tpu.memory_space<hbm>> -> memref<6272xi32, #tpu.memory_space<hbm>>
    tpu.wait_dma2 semaphore(%arg11 : memref<!tpu.dma_semaphore, #tpu.memory_space<semaphore_mem>>) src(%dma_wait3A_27 : memref<6272xi32, #tpu.memory_space<hbm>>) dst(%arg5 : memref<6272xi32, #tpu.memory_space<vmem>>)
    %dma_wait3A_28 = tpu.memref_slice %arg3[%min3A_1] : memref<100000xf32, #tpu.memory_space<hbm>> -> memref<6272xf32, #tpu.memory_space<hbm>>
    %dma_wait3A_29 = tpu.memref_slice %arg3[%min3A_1] : memref<100000xf32, #tpu.memory_space<hbm>> -> memref<6272xf32, #tpu.memory_space<hbm>>
    tpu.wait_dma2 semaphore(%arg11 : memref<!tpu.dma_semaphore, #tpu.memory_space<semaphore_mem>>) src(%dma_wait3A_29 : memref<6272xf32, #tpu.memory_space<hbm>>) dst(%arg6 : memref<6272xf32, #tpu.memory_space<vmem>>)
    %mul3A_30 = arith.constant 1048576 : i32
    %mul3A_31 = arith.muli %arg0, %mul3A_30 : i32
    %iota3A = tpu.iota {dimensions = array<i32: 0>} : vector<16xi32>
    %scan3A_32 = arith.constant 0 : i32
    %scan3A_33 = arith.constant 0 : i32
    %scan3A_34 = arith.constant 49 : i32
    %scan3A_35 = arith.addi %scan3A_33, %scan3A_34 : i32
    %scan3A_36 = arith.constant 1 : i32
    scf.for %scan3A_884 = %scan3A_33 to %scan3A_35 step %scan3A_36  : i32 {
      %mul3A_885 = arith.constant 128 : i32
      %mul3A_886 = arith.muli %scan3A_884, %mul3A_885 : i32
      %add3A_887 = arith.constant 0 : i32
      %add3A_888 = arith.addi %mul3A_886, %add3A_887 : i32
      %get3A = arith.index_cast %add3A_888 : i32 to index
      %get3A_889 = tpu.vector_load %arg5[%get3A] {strides = array<i32>} : memref<6272xi32, #tpu.memory_space<vmem>>, vector<16xi32>,
      %get3A_890 = vector.shape_cast %get3A_889 : vector<16xi32> to vector<16xi32>
      %sub3A_891 = vector.broadcast %mul3A_31 : i32 to vector<16xi32>
      %sub3A_892 = arith.subi %get3A_890, %sub3A_891 : vector<16xi32>
      %ge3A = arith.constant 0 : i32
      %ge3A_893 = vector.broadcast %ge3A : i32 to vector<16xi32>
      %ge3A_894 = arith.cmpi sge, %sub3A_892, %ge3A_893 : vector<16xi32>
      %lt3A = arith.constant 1048576 : i32
      %lt3A_895 = vector.broadcast %lt3A : i32 to vector<16xi32>
      %lt3A_896 = arith.cmpi slt, %sub3A_892, %lt3A_895 : vector<16xi32>
      %and3A = arith.andi %ge3A_894, %lt3A_896 : vector<16xi1>
      %add3A_897 = vector.broadcast %add3A_888 : i32 to vector<16xi32>
      %add3A_898 = arith.addi %add3A_897, %iota3A : vector<16xi32>
      %ge3A_899 = vector.broadcast %sub3A : i32 to vector<16xi32>
      %ge3A_900 = arith.cmpi sge, %add3A_898, %ge3A_899 : vector<16xi32>
      %and3A_901 = arith.andi %and3A, %ge3A_900 : vector<16xi1>
      %add3A_902 = vector.broadcast %add3A_888 : i32 to vector<16xi32>
      %add3A_903 = arith.addi %add3A_902, %iota3A : vector<16xi32>
      %and3A_904 = arith.constant 1023 : i32
      %and3A_905 = vector.broadcast %and3A_904 : i32 to vector<16xi32>
      %and3A_906 = arith.andi %add3A_903, %and3A_905 : vector<16xi32>
      %add3A_907 = arith.constant 1048576 : i32
      %add3A_908 = vector.broadcast %add3A_907 : i32 to vector<16xi32>
      %add3A_909 = arith.addi %add3A_908, %and3A_906 : vector<16xi32>
      %select_n3A = arith.select %and3A_901, %sub3A_892, %add3A_909 : vector<16xi1>, vector<16xi32>
      %swap3A = arith.index_cast %scan3A_884 : i32 to index
      %swap3A_910 = arith.constant 0 : index
      %swap3A_911 = tpu.vector_load %arg7[%swap3A, %swap3A_910] {strides = array<i32>} : memref<49x128xi32, #tpu.memory_space<vmem>>, vector<1x16xi32>,
      %swap3A_912 = vector.shape_cast %swap3A_911 : vector<1x16xi32> to vector<16xi32>
      %swap3A_913 = vector.shape_cast %select_n3A : vector<16xi32> to vector<1x16xi32>
      tpu.vector_store %arg7[%swap3A, %swap3A_910], %swap3A_913 {strides = array<i32>} : memref<49x128xi32, #tpu.memory_space<vmem>>, vector<1x16xi32>,
      %mul3A_914 = arith.constant 128 : i32
      %mul3A_915 = arith.muli %scan3A_884, %mul3A_914 : i32
      %add3A_916 = arith.constant 16 : i32
      %add3A_917 = arith.addi %mul3A_915, %add3A_916 : i32
      %get3A_918 = arith.index_cast %add3A_917 : i32 to index
      %get3A_919 = tpu.vector_load %arg5[%get3A_918] {strides = array<i32>} : memref<6272xi32, #tpu.memory_space<vmem>>, vector<16xi32>,
      %get3A_920 = vector.shape_cast %get3A_919 : vector<16xi32> to vector<16xi32>
      %sub3A_921 = vector.broadcast %mul3A_31 : i32 to vector<16xi32>
      %sub3A_922 = arith.subi %get3A_920, %sub3A_921 : vector<16xi32>
      %ge3A_923 = arith.constant 0 : i32
      %ge3A_924 = vector.broadcast %ge3A_923 : i32 to vector<16xi32>
      %ge3A_925 = arith.cmpi sge, %sub3A_922, %ge3A_924 : vector<16xi32>
      %lt3A_926 = arith.constant 1048576 : i32
      %lt3A_927 = vector.broadcast %lt3A_926 : i32 to vector<16xi32>
      %lt3A_928 = arith.cmpi slt, %sub3A_922, %lt3A_927 : vector<16xi32>
      %and3A_929 = arith.andi %ge3A_925, %lt3A_928 : vector<16xi1>
      %add3A_930 = vector.broadcast %add3A_917 : i32 to vector<16xi32>
      %add3A_931 = arith.addi %add3A_930, %iota3A : vector<16xi32>
      %ge3A_932 = vector.broadcast %sub3A : i32 to vector<16xi32>
      %ge3A_933 = arith.cmpi sge, %add3A_931, %ge3A_932 : vector<16xi32>
      %and3A_934 = arith.andi %and3A_929, %ge3A_933 : vector<16xi1>
      %add3A_935 = vector.broadcast %add3A_917 : i32 to vector<16xi32>
      %add3A_936 = arith.addi %add3A_935, %iota3A : vector<16xi32>
      %and3A_937 = arith.constant 1023 : i32
      %and3A_938 = vector.broadcast %and3A_937 : i32 to vector<16xi32>
      %and3A_939 = arith.andi %add3A_936, %and3A_938 : vector<16xi32>
      %add3A_940 = arith.constant 1048576 : i32
      %add3A_941 = vector.broadcast %add3A_940 : i32 to vector<16xi32>
      %add3A_942 = arith.addi %add3A_941, %and3A_939 : vector<16xi32>
      %select_n3A_943 = arith.select %and3A_934, %sub3A_922, %add3A_942 : vector<16xi1>, vector<16xi32>
      %swap3A_944 = arith.index_cast %scan3A_884 : i32 to index
      %swap3A_945 = arith.constant 16 : index
      %swap3A_946 = tpu.vector_load %arg7[%swap3A_944, %swap3A_945] {strides = array<i32>} : memref<49x128xi32, #tpu.memory_space<vmem>>, vector<1x16xi32>,
      %swap3A_947 = vector.shape_cast %swap3A_946 : vector<1x16xi32> to vector<16xi32>
      %swap3A_948 = vector.shape_cast %select_n3A_943 : vector<16xi32> to vector<1x16xi32>
      tpu.vector_store %arg7[%swap3A_944, %swap3A_945], %swap3A_948 {strides = array<i32>} : memref<49x128xi32, #tpu.memory_space<vmem>>, vector<1x16xi32>,
      %mul3A_949 = arith.constant 128 : i32
      %mul3A_950 = arith.muli %scan3A_884, %mul3A_949 : i32
      %add3A_951 = arith.constant 32 : i32
      %add3A_952 = arith.addi %mul3A_950, %add3A_951 : i32
      %get3A_953 = arith.index_cast %add3A_952 : i32 to index
      %get3A_954 = tpu.vector_load %arg5[%get3A_953] {strides = array<i32>} : memref<6272xi32, #tpu.memory_space<vmem>>, vector<16xi32>,
      %get3A_955 = vector.shape_cast %get3A_954 : vector<16xi32> to vector<16xi32>
      %sub3A_956 = vector.broadcast %mul3A_31 : i32 to vector<16xi32>
      %sub3A_957 = arith.subi %get3A_955, %sub3A_956 : vector<16xi32>
      %ge3A_958 = arith.constant 0 : i32
      %ge3A_959 = vector.broadcast %ge3A_958 : i32 to vector<16xi32>
      %ge3A_960 = arith.cmpi sge, %sub3A_957, %ge3A_959 : vector<16xi32>
      %lt3A_961 = arith.constant 1048576 : i32
      %lt3A_962 = vector.broadcast %lt3A_961 : i32 to vector<16xi32>
      %lt3A_963 = arith.cmpi slt, %sub3A_957, %lt3A_962 : vector<16xi32>
      %and3A_964 = arith.andi %ge3A_960, %lt3A_963 : vector<16xi1>
      %add3A_965 = vector.broadcast %add3A_952 : i32 to vector<16xi32>
      %add3A_966 = arith.addi %add3A_965, %iota3A : vector<16xi32>
      %ge3A_967 = vector.broadcast %sub3A : i32 to vector<16xi32>
      %ge3A_968 = arith.cmpi sge, %add3A_966, %ge3A_967 : vector<16xi32>
      %and3A_969 = arith.andi %and3A_964, %ge3A_968 : vector<16xi1>
      %add3A_970 = vector.broadcast %add3A_952 : i32 to vector<16xi32>
      %add3A_971 = arith.addi %add3A_970, %iota3A : vector<16xi32>
      %and3A_972 = arith.constant 1023 : i32
      %and3A_973 = vector.broadcast %and3A_972 : i32 to vector<16xi32>
      %and3A_974 = arith.andi %add3A_971, %and3A_973 : vector<16xi32>
      %add3A_975 = arith.constant 1048576 : i32
      %add3A_976 = vector.broadcast %add3A_975 : i32 to vector<16xi32>
      %add3A_977 = arith.addi %add3A_976, %and3A_974 : vector<16xi32>
      %select_n3A_978 = arith.select %and3A_969, %sub3A_957, %add3A_977 : vector<16xi1>, vector<16xi32>
      %swap3A_979 = arith.index_cast %scan3A_884 : i32 to index
      %swap3A_980 = arith.constant 32 : index
      %swap3A_981 = tpu.vector_load %arg7[%swap3A_979, %swap3A_980] {strides = array<i32>} : memref<49x128xi32, #tpu.memory_space<vmem>>, vector<1x16xi32>,
      %swap3A_982 = vector.shape_cast %swap3A_981 : vector<1x16xi32> to vector<16xi32>
      %swap3A_983 = vector.shape_cast %select_n3A_978 : vector<16xi32> to vector<1x16xi32>
      tpu.vector_store %arg7[%swap3A_979, %swap3A_980], %swap3A_983 {strides = array<i32>} : memref<49x128xi32, #tpu.memory_space<vmem>>, vector<1x16xi32>,
      %mul3A_984 = arith.constant 128 : i32
      %mul3A_985 = arith.muli %scan3A_884, %mul3A_984 : i32
      %add3A_986 = arith.constant 48 : i32
      %add3A_987 = arith.addi %mul3A_985, %add3A_986 : i32
      %get3A_988 = arith.index_cast %add3A_987 : i32 to index
      %get3A_989 = tpu.vector_load %arg5[%get3A_988] {strides = array<i32>} : memref<6272xi32, #tpu.memory_space<vmem>>, vector<16xi32>,
      %get3A_990 = vector.shape_cast %get3A_989 : vector<16xi32> to vector<16xi32>
      %sub3A_991 = vector.broadcast %mul3A_31 : i32 to vector<16xi32>
      %sub3A_992 = arith.subi %get3A_990, %sub3A_991 : vector<16xi32>
      %ge3A_993 = arith.constant 0 : i32
      %ge3A_994 = vector.broadcast %ge3A_993 : i32 to vector<16xi32>
      %ge3A_995 = arith.cmpi sge, %sub3A_992, %ge3A_994 : vector<16xi32>
      %lt3A_996 = arith.constant 1048576 : i32
      %lt3A_997 = vector.broadcast %lt3A_996 : i32 to vector<16xi32>
      %lt3A_998 = arith.cmpi slt, %sub3A_992, %lt3A_997 : vector<16xi32>
      %and3A_999 = arith.andi %ge3A_995, %lt3A_998 : vector<16xi1>
      %add3A_1000 = vector.broadcast %add3A_987 : i32 to vector<16xi32>
      %add3A_1001 = arith.addi %add3A_1000, %iota3A : vector<16xi32>
      %ge3A_1002 = vector.broadcast %sub3A : i32 to vector<16xi32>
      %ge3A_1003 = arith.cmpi sge, %add3A_1001, %ge3A_1002 : vector<16xi32>
      %and3A_1004 = arith.andi %and3A_999, %ge3A_1003 : vector<16xi1>
      %add3A_1005 = vector.broadcast %add3A_987 : i32 to vector<16xi32>
      %add3A_1006 = arith.addi %add3A_1005, %iota3A : vector<16xi32>
      %and3A_1007 = arith.constant 1023 : i32
      %and3A_1008 = vector.broadcast %and3A_1007 : i32 to vector<16xi32>
      %and3A_1009 = arith.andi %add3A_1006, %and3A_1008 : vector<16xi32>
      %add3A_1010 = arith.constant 1048576 : i32
      %add3A_1011 = vector.broadcast %add3A_1010 : i32 to vector<16xi32>
      %add3A_1012 = arith.addi %add3A_1011, %and3A_1009 : vector<16xi32>
      %select_n3A_1013 = arith.select %and3A_1004, %sub3A_992, %add3A_1012 : vector<16xi1>, vector<16xi32>
      %swap3A_1014 = arith.index_cast %scan3A_884 : i32 to index
      %swap3A_1015 = arith.constant 48 : index
      %swap3A_1016 = tpu.vector_load %arg7[%swap3A_1014, %swap3A_1015] {strides = array<i32>} : memref<49x128xi32, #tpu.memory_space<vmem>>, vector<1x16xi32>,
      %swap3A_1017 = vector.shape_cast %swap3A_1016 : vector<1x16xi32> to vector<16xi32>
      %swap3A_1018 = vector.shape_cast %select_n3A_1013 : vector<16xi32> to vector<1x16xi32>
      tpu.vector_store %arg7[%swap3A_1014, %swap3A_1015], %swap3A_1018 {strides = array<i32>} : memref<49x128xi32, #tpu.memory_space<vmem>>, vector<1x16xi32>,
      %mul3A_1019 = arith.constant 128 : i32
      %mul3A_1020 = arith.muli %scan3A_884, %mul3A_1019 : i32
      %add3A_1021 = arith.constant 64 : i32
      %add3A_1022 = arith.addi %mul3A_1020, %add3A_1021 : i32
      %get3A_1023 = arith.index_cast %add3A_1022 : i32 to index
      %get3A_1024 = tpu.vector_load %arg5[%get3A_1023] {strides = array<i32>} : memref<6272xi32, #tpu.memory_space<vmem>>, vector<16xi32>,
      %get3A_1025 = vector.shape_cast %get3A_1024 : vector<16xi32> to vector<16xi32>
      %sub3A_1026 = vector.broadcast %mul3A_31 : i32 to vector<16xi32>
      %sub3A_1027 = arith.subi %get3A_1025, %sub3A_1026 : vector<16xi32>
      %ge3A_1028 = arith.constant 0 : i32
      %ge3A_1029 = vector.broadcast %ge3A_1028 : i32 to vector<16xi32>
      %ge3A_1030 = arith.cmpi sge, %sub3A_1027, %ge3A_1029 : vector<16xi32>
      %lt3A_1031 = arith.constant 1048576 : i32
      %lt3A_1032 = vector.broadcast %lt3A_1031 : i32 to vector<16xi32>
      %lt3A_1033 = arith.cmpi slt, %sub3A_1027, %lt3A_1032 : vector<16xi32>
      %and3A_1034 = arith.andi %ge3A_1030, %lt3A_1033 : vector<16xi1>
      %add3A_1035 = vector.broadcast %add3A_1022 : i32 to vector<16xi32>
      %add3A_1036 = arith.addi %add3A_1035, %iota3A : vector<16xi32>
      %ge3A_1037 = vector.broadcast %sub3A : i32 to vector<16xi32>
      %ge3A_1038 = arith.cmpi sge, %add3A_1036, %ge3A_1037 : vector<16xi32>
      %and3A_1039 = arith.andi %and3A_1034, %ge3A_1038 : vector<16xi1>
      %add3A_1040 = vector.broadcast %add3A_1022 : i32 to vector<16xi32>
      %add3A_1041 = arith.addi %add3A_1040, %iota3A : vector<16xi32>
      %and3A_1042 = arith.constant 1023 : i32
      %and3A_1043 = vector.broadcast %and3A_1042 : i32 to vector<16xi32>
      %and3A_1044 = arith.andi %add3A_1041, %and3A_1043 : vector<16xi32>
      %add3A_1045 = arith.constant 1048576 : i32
      %add3A_1046 = vector.broadcast %add3A_1045 : i32 to vector<16xi32>
      %add3A_1047 = arith.addi %add3A_1046, %and3A_1044 : vector<16xi32>
      %select_n3A_1048 = arith.select %and3A_1039, %sub3A_1027, %add3A_1047 : vector<16xi1>, vector<16xi32>
      %swap3A_1049 = arith.index_cast %scan3A_884 : i32 to index
      %swap3A_1050 = arith.constant 64 : index
      %swap3A_1051 = tpu.vector_load %arg7[%swap3A_1049, %swap3A_1050] {strides = array<i32>} : memref<49x128xi32, #tpu.memory_space<vmem>>, vector<1x16xi32>,
      %swap3A_1052 = vector.shape_cast %swap3A_1051 : vector<1x16xi32> to vector<16xi32>
      %swap3A_1053 = vector.shape_cast %select_n3A_1048 : vector<16xi32> to vector<1x16xi32>
      tpu.vector_store %arg7[%swap3A_1049, %swap3A_1050], %swap3A_1053 {strides = array<i32>} : memref<49x128xi32, #tpu.memory_space<vmem>>, vector<1x16xi32>,
      %mul3A_1054 = arith.constant 128 : i32
      %mul3A_1055 = arith.muli %scan3A_884, %mul3A_1054 : i32
      %add3A_1056 = arith.constant 80 : i32
      %add3A_1057 = arith.addi %mul3A_1055, %add3A_1056 : i32
      %get3A_1058 = arith.index_cast %add3A_1057 : i32 to index
      %get3A_1059 = tpu.vector_load %arg5[%get3A_1058] {strides = array<i32>} : memref<6272xi32, #tpu.memory_space<vmem>>, vector<16xi32>,
      %get3A_1060 = vector.shape_cast %get3A_1059 : vector<16xi32> to vector<16xi32>
      %sub3A_1061 = vector.broadcast %mul3A_31 : i32 to vector<16xi32>
      %sub3A_1062 = arith.subi %get3A_1060, %sub3A_1061 : vector<16xi32>
      %ge3A_1063 = arith.constant 0 : i32
      %ge3A_1064 = vector.broadcast %ge3A_1063 : i32 to vector<16xi32>
      %ge3A_1065 = arith.cmpi sge, %sub3A_1062, %ge3A_1064 : vector<16xi32>
      %lt3A_1066 = arith.constant 1048576 : i32
      %lt3A_1067 = vector.broadcast %lt3A_1066 : i32 to vector<16xi32>
      %lt3A_1068 = arith.cmpi slt, %sub3A_1062, %lt3A_1067 : vector<16xi32>
      %and3A_1069 = arith.andi %ge3A_1065, %lt3A_1068 : vector<16xi1>
      %add3A_1070 = vector.broadcast %add3A_1057 : i32 to vector<16xi32>
      %add3A_1071 = arith.addi %add3A_1070, %iota3A : vector<16xi32>
      %ge3A_1072 = vector.broadcast %sub3A : i32 to vector<16xi32>
      %ge3A_1073 = arith.cmpi sge, %add3A_1071, %ge3A_1072 : vector<16xi32>
      %and3A_1074 = arith.andi %and3A_1069, %ge3A_1073 : vector<16xi1>
      %add3A_1075 = vector.broadcast %add3A_1057 : i32 to vector<16xi32>
      %add3A_1076 = arith.addi %add3A_1075, %iota3A : vector<16xi32>
      %and3A_1077 = arith.constant 1023 : i32
      %and3A_1078 = vector.broadcast %and3A_1077 : i32 to vector<16xi32>
      %and3A_1079 = arith.andi %add3A_1076, %and3A_1078 : vector<16xi32>
      %add3A_1080 = arith.constant 1048576 : i32
      %add3A_1081 = vector.broadcast %add3A_1080 : i32 to vector<16xi32>
      %add3A_1082 = arith.addi %add3A_1081, %and3A_1079 : vector<16xi32>
      %select_n3A_1083 = arith.select %and3A_1074, %sub3A_1062, %add3A_1082 : vector<16xi1>, vector<16xi32>
      %swap3A_1084 = arith.index_cast %scan3A_884 : i32 to index
      %swap3A_1085 = arith.constant 80 : index
      %swap3A_1086 = tpu.vector_load %arg7[%swap3A_1084, %swap3A_1085] {strides = array<i32>} : memref<49x128xi32, #tpu.memory_space<vmem>>, vector<1x16xi32>,
      %swap3A_1087 = vector.shape_cast %swap3A_1086 : vector<1x16xi32> to vector<16xi32>
      %swap3A_1088 = vector.shape_cast %select_n3A_1083 : vector<16xi32> to vector<1x16xi32>
      tpu.vector_store %arg7[%swap3A_1084, %swap3A_1085], %swap3A_1088 {strides = array<i32>} : memref<49x128xi32, #tpu.memory_space<vmem>>, vector<1x16xi32>,
      %mul3A_1089 = arith.constant 128 : i32
      %mul3A_1090 = arith.muli %scan3A_884, %mul3A_1089 : i32
      %add3A_1091 = arith.constant 96 : i32
      %add3A_1092 = arith.addi %mul3A_1090, %add3A_1091 : i32
      %get3A_1093 = arith.index_cast %add3A_1092 : i32 to index
      %get3A_1094 = tpu.vector_load %arg5[%get3A_1093] {strides = array<i32>} : memref<6272xi32, #tpu.memory_space<vmem>>, vector<16xi32>,
      %get3A_1095 = vector.shape_cast %get3A_1094 : vector<16xi32> to vector<16xi32>
      %sub3A_1096 = vector.broadcast %mul3A_31 : i32 to vector<16xi32>
      %sub3A_1097 = arith.subi %get3A_1095, %sub3A_1096 : vector<16xi32>
      %ge3A_1098 = arith.constant 0 : i32
      %ge3A_1099 = vector.broadcast %ge3A_1098 : i32 to vector<16xi32>
      %ge3A_1100 = arith.cmpi sge, %sub3A_1097, %ge3A_1099 : vector<16xi32>
      %lt3A_1101 = arith.constant 1048576 : i32
      %lt3A_1102 = vector.broadcast %lt3A_1101 : i32 to vector<16xi32>
      %lt3A_1103 = arith.cmpi slt, %sub3A_1097, %lt3A_1102 : vector<16xi32>
      %and3A_1104 = arith.andi %ge3A_1100, %lt3A_1103 : vector<16xi1>
      %add3A_1105 = vector.broadcast %add3A_1092 : i32 to vector<16xi32>
      %add3A_1106 = arith.addi %add3A_1105, %iota3A : vector<16xi32>
      %ge3A_1107 = vector.broadcast %sub3A : i32 to vector<16xi32>
      %ge3A_1108 = arith.cmpi sge, %add3A_1106, %ge3A_1107 : vector<16xi32>
      %and3A_1109 = arith.andi %and3A_1104, %ge3A_1108 : vector<16xi1>
      %add3A_1110 = vector.broadcast %add3A_1092 : i32 to vector<16xi32>
      %add3A_1111 = arith.addi %add3A_1110, %iota3A : vector<16xi32>
      %and3A_1112 = arith.constant 1023 : i32
      %and3A_1113 = vector.broadcast %and3A_1112 : i32 to vector<16xi32>
      %and3A_1114 = arith.andi %add3A_1111, %and3A_1113 : vector<16xi32>
      %add3A_1115 = arith.constant 1048576 : i32
      %add3A_1116 = vector.broadcast %add3A_1115 : i32 to vector<16xi32>
      %add3A_1117 = arith.addi %add3A_1116, %and3A_1114 : vector<16xi32>
      %select_n3A_1118 = arith.select %and3A_1109, %sub3A_1097, %add3A_1117 : vector<16xi1>, vector<16xi32>
      %swap3A_1119 = arith.index_cast %scan3A_884 : i32 to index
      %swap3A_1120 = arith.constant 96 : index
      %swap3A_1121 = tpu.vector_load %arg7[%swap3A_1119, %swap3A_1120] {strides = array<i32>} : memref<49x128xi32, #tpu.memory_space<vmem>>, vector<1x16xi32>,
      %swap3A_1122 = vector.shape_cast %swap3A_1121 : vector<1x16xi32> to vector<16xi32>
      %swap3A_1123 = vector.shape_cast %select_n3A_1118 : vector<16xi32> to vector<1x16xi32>
      tpu.vector_store %arg7[%swap3A_1119, %swap3A_1120], %swap3A_1123 {strides = array<i32>} : memref<49x128xi32, #tpu.memory_space<vmem>>, vector<1x16xi32>,
      %mul3A_1124 = arith.constant 128 : i32
      %mul3A_1125 = arith.muli %scan3A_884, %mul3A_1124 : i32
      %add3A_1126 = arith.constant 112 : i32
      %add3A_1127 = arith.addi %mul3A_1125, %add3A_1126 : i32
      %get3A_1128 = arith.index_cast %add3A_1127 : i32 to index
      %get3A_1129 = tpu.vector_load %arg5[%get3A_1128] {strides = array<i32>} : memref<6272xi32, #tpu.memory_space<vmem>>, vector<16xi32>,
      %get3A_1130 = vector.shape_cast %get3A_1129 : vector<16xi32> to vector<16xi32>
      %sub3A_1131 = vector.broadcast %mul3A_31 : i32 to vector<16xi32>
      %sub3A_1132 = arith.subi %get3A_1130, %sub3A_1131 : vector<16xi32>
      %ge3A_1133 = arith.constant 0 : i32
      %ge3A_1134 = vector.broadcast %ge3A_1133 : i32 to vector<16xi32>
      %ge3A_1135 = arith.cmpi sge, %sub3A_1132, %ge3A_1134 : vector<16xi32>
      %lt3A_1136 = arith.constant 1048576 : i32
      %lt3A_1137 = vector.broadcast %lt3A_1136 : i32 to vector<16xi32>
      %lt3A_1138 = arith.cmpi slt, %sub3A_1132, %lt3A_1137 : vector<16xi32>
      %and3A_1139 = arith.andi %ge3A_1135, %lt3A_1138 : vector<16xi1>
      %add3A_1140 = vector.broadcast %add3A_1127 : i32 to vector<16xi32>
      %add3A_1141 = arith.addi %add3A_1140, %iota3A : vector<16xi32>
      %ge3A_1142 = vector.broadcast %sub3A : i32 to vector<16xi32>
      %ge3A_1143 = arith.cmpi sge, %add3A_1141, %ge3A_1142 : vector<16xi32>
      %and3A_1144 = arith.andi %and3A_1139, %ge3A_1143 : vector<16xi1>
      %add3A_1145 = vector.broadcast %add3A_1127 : i32 to vector<16xi32>
      %add3A_1146 = arith.addi %add3A_1145, %iota3A : vector<16xi32>
      %and3A_1147 = arith.constant 1023 : i32
      %and3A_1148 = vector.broadcast %and3A_1147 : i32 to vector<16xi32>
      %and3A_1149 = arith.andi %add3A_1146, %and3A_1148 : vector<16xi32>
      %add3A_1150 = arith.constant 1048576 : i32
      %add3A_1151 = vector.broadcast %add3A_1150 : i32 to vector<16xi32>
      %add3A_1152 = arith.addi %add3A_1151, %and3A_1149 : vector<16xi32>
      %select_n3A_1153 = arith.select %and3A_1144, %sub3A_1132, %add3A_1152 : vector<16xi1>, vector<16xi32>
      %swap3A_1154 = arith.index_cast %scan3A_884 : i32 to index
      %swap3A_1155 = arith.constant 112 : index
      %swap3A_1156 = tpu.vector_load %arg7[%swap3A_1154, %swap3A_1155] {strides = array<i32>} : memref<49x128xi32, #tpu.memory_space<vmem>>, vector<1x16xi32>,
      %swap3A_1157 = vector.shape_cast %swap3A_1156 : vector<1x16xi32> to vector<16xi32>
      %swap3A_1158 = vector.shape_cast %select_n3A_1153 : vector<16xi32> to vector<1x16xi32>
      tpu.vector_store %arg7[%swap3A_1154, %swap3A_1155], %swap3A_1158 {strides = array<i32>} : memref<49x128xi32, #tpu.memory_space<vmem>>, vector<1x16xi32>,
    }
    %scan3A_37 = arith.constant 49 : i32
    %dma_wait3A_38 = tpu.memref_slice %arg10[%add3A_12] : memref<1049600xf32, #tpu.memory_space<vmem_shared>> -> memref<16384xf32, #tpu.memory_space<vmem_shared>>
    %dma_wait3A_39 = tpu.memref_slice %arg10[%add3A_12] : memref<1049600xf32, #tpu.memory_space<vmem_shared>> -> memref<16384xf32, #tpu.memory_space<vmem_shared>>
    tpu.wait_dma2 semaphore(%arg12 : memref<!tpu.dma_semaphore, #tpu.memory_space<semaphore_mem>>) src(%arg8 : memref<16384xf32, #tpu.memory_space<vmem>>) dst(%dma_wait3A_39 : memref<16384xf32, #tpu.memory_space<vmem_shared>>)
    %dma_wait3A_40 = tpu.memref_slice %arg10[%add3A_16] : memref<1049600xf32, #tpu.memory_space<vmem_shared>> -> memref<16384xf32, #tpu.memory_space<vmem_shared>>
    %dma_wait3A_41 = tpu.memref_slice %arg10[%add3A_16] : memref<1049600xf32, #tpu.memory_space<vmem_shared>> -> memref<16384xf32, #tpu.memory_space<vmem_shared>>
    tpu.wait_dma2 semaphore(%arg12 : memref<!tpu.dma_semaphore, #tpu.memory_space<semaphore_mem>>) src(%arg8 : memref<16384xf32, #tpu.memory_space<vmem>>) dst(%dma_wait3A_41 : memref<16384xf32, #tpu.memory_space<vmem_shared>>)
    %dma_wait3A_42 = tpu.memref_slice %arg10[%add3A_20] : memref<1049600xf32, #tpu.memory_space<vmem_shared>> -> memref<16384xf32, #tpu.memory_space<vmem_shared>>
    %dma_wait3A_43 = tpu.memref_slice %arg10[%add3A_20] : memref<1049600xf32, #tpu.memory_space<vmem_shared>> -> memref<16384xf32, #tpu.memory_space<vmem_shared>>
    tpu.wait_dma2 semaphore(%arg12 : memref<!tpu.dma_semaphore, #tpu.memory_space<semaphore_mem>>) src(%arg8 : memref<16384xf32, #tpu.memory_space<vmem>>) dst(%dma_wait3A_43 : memref<16384xf32, #tpu.memory_space<vmem_shared>>)
    %dma_wait3A_44 = tpu.memref_slice %arg10[%add3A_24] : memref<1049600xf32, #tpu.memory_space<vmem_shared>> -> memref<16384xf32, #tpu.memory_space<vmem_shared>>
    %dma_wait3A_45 = tpu.memref_slice %arg10[%add3A_24] : memref<1049600xf32, #tpu.memory_space<vmem_shared>> -> memref<16384xf32, #tpu.memory_space<vmem_shared>>
    tpu.wait_dma2 semaphore(%arg12 : memref<!tpu.dma_semaphore, #tpu.memory_space<semaphore_mem>>) src(%arg8 : memref<16384xf32, #tpu.memory_space<vmem>>) dst(%dma_wait3A_45 : memref<16384xf32, #tpu.memory_space<vmem_shared>>)
    %barrier3A = arith.constant 0 : index
    tpu.barrier barrier_id(%barrier3A)
    %dma_start3A_46 = arith.constant 0 : i32
    %dma_start3A_47 = arith.constant 0 : i32
    %dma_start3A_48 = tpu.memref_slice %arg6[%dma_start3A_47] : memref<6272xf32, #tpu.memory_space<vmem>> -> memref<128xf32, #tpu.memory_space<vmem>>
    %dma_start3A_49 = arith.constant 0 : i32
    %dma_start3A_50 = tpu.memref_slice %arg7[%dma_start3A_46, %dma_start3A_49] : memref<49x128xi32, #tpu.memory_space<vmem>> -> memref<1x128xi32, #tpu.memory_space<vmem>>
    %dma_start3A_51 = tpu.memref_squeeze %dma_start3A_50 : memref<1x128xi32, #tpu.memory_space<vmem>> -> memref<128xi32, #tpu.memory_space<vmem>>
    %dma_start3A_52 = arith.constant 0 : i32
    %dma_start3A_53 = tpu.memref_slice %arg10[%dma_start3A_52] : memref<1049600xf32, #tpu.memory_space<vmem_shared>> -> memref<1049600xf32, #tpu.memory_space<vmem_shared>>
    tpu.enqueue_indirect_dma source(%dma_start3A_48 : memref<128xf32, #tpu.memory_space<vmem>>) target(%dma_start3A_53 : memref<1049600xf32, #tpu.memory_space<vmem_shared>>) offsets(%dma_start3A_51 : memref<128xi32, #tpu.memory_space<vmem>>) semaphore(%arg13 : memref<!tpu.dma_semaphore, #tpu.memory_space<semaphore_mem>>) {add = true}
    %dma_start3A_54 = arith.constant 1 : i32
    %dma_start3A_55 = arith.constant 128 : i32
    %dma_start3A_56 = tpu.memref_slice %arg6[%dma_start3A_55] : memref<6272xf32, #tpu.memory_space<vmem>> -> memref<128xf32, #tpu.memory_space<vmem>>
    %dma_start3A_57 = arith.constant 0 : i32
    %dma_start3A_58 = tpu.memref_slice %arg7[%dma_start3A_54, %dma_start3A_57] : memref<49x128xi32, #tpu.memory_space<vmem>> -> memref<1x128xi32, #tpu.memory_space<vmem>>
    %dma_start3A_59 = tpu.memref_squeeze %dma_start3A_58 : memref<1x128xi32, #tpu.memory_space<vmem>> -> memref<128xi32, #tpu.memory_space<vmem>>
    %dma_start3A_60 = arith.constant 0 : i32
    %dma_start3A_61 = tpu.memref_slice %arg10[%dma_start3A_60] : memref<1049600xf32, #tpu.memory_space<vmem_shared>> -> memref<1049600xf32, #tpu.memory_space<vmem_shared>>
    tpu.enqueue_indirect_dma source(%dma_start3A_56 : memref<128xf32, #tpu.memory_space<vmem>>) target(%dma_start3A_61 : memref<1049600xf32, #tpu.memory_space<vmem_shared>>) offsets(%dma_start3A_59 : memref<128xi32, #tpu.memory_space<vmem>>) semaphore(%arg13 : memref<!tpu.dma_semaphore, #tpu.memory_space<semaphore_mem>>) {add = true}
    %dma_start3A_62 = arith.constant 2 : i32
    %dma_start3A_63 = arith.constant 256 : i32
    %dma_start3A_64 = tpu.memref_slice %arg6[%dma_start3A_63] : memref<6272xf32, #tpu.memory_space<vmem>> -> memref<128xf32, #tpu.memory_space<vmem>>
    %dma_start3A_65 = arith.constant 0 : i32
    %dma_start3A_66 = tpu.memref_slice %arg7[%dma_start3A_62, %dma_start3A_65] : memref<49x128xi32, #tpu.memory_space<vmem>> -> memref<1x128xi32, #tpu.memory_space<vmem>>
    %dma_start3A_67 = tpu.memref_squeeze %dma_start3A_66 : memref<1x128xi32, #tpu.memory_space<vmem>> -> memref<128xi32, #tpu.memory_space<vmem>>
    %dma_start3A_68 = arith.constant 0 : i32
    %dma_start3A_69 = tpu.memref_slice %arg10[%dma_start3A_68] : memref<1049600xf32, #tpu.memory_space<vmem_shared>> -> memref<1049600xf32, #tpu.memory_space<vmem_shared>>
    tpu.enqueue_indirect_dma source(%dma_start3A_64 : memref<128xf32, #tpu.memory_space<vmem>>) target(%dma_start3A_69 : memref<1049600xf32, #tpu.memory_space<vmem_shared>>) offsets(%dma_start3A_67 : memref<128xi32, #tpu.memory_space<vmem>>) semaphore(%arg13 : memref<!tpu.dma_semaphore, #tpu.memory_space<semaphore_mem>>) {add = true}
    %dma_start3A_70 = arith.constant 3 : i32
    %dma_start3A_71 = arith.constant 384 : i32
    %dma_start3A_72 = tpu.memref_slice %arg6[%dma_start3A_71] : memref<6272xf32, #tpu.memory_space<vmem>> -> memref<128xf32, #tpu.memory_space<vmem>>
    %dma_start3A_73 = arith.constant 0 : i32
    %dma_start3A_74 = tpu.memref_slice %arg7[%dma_start3A_70, %dma_start3A_73] : memref<49x128xi32, #tpu.memory_space<vmem>> -> memref<1x128xi32, #tpu.memory_space<vmem>>
    %dma_start3A_75 = tpu.memref_squeeze %dma_start3A_74 : memref<1x128xi32, #tpu.memory_space<vmem>> -> memref<128xi32, #tpu.memory_space<vmem>>
    %dma_start3A_76 = arith.constant 0 : i32
    %dma_start3A_77 = tpu.memref_slice %arg10[%dma_start3A_76] : memref<1049600xf32, #tpu.memory_space<vmem_shared>> -> memref<1049600xf32, #tpu.memory_space<vmem_shared>>
    tpu.enqueue_indirect_dma source(%dma_start3A_72 : memref<128xf32, #tpu.memory_space<vmem>>) target(%dma_start3A_77 : memref<1049600xf32, #tpu.memory_space<vmem_shared>>) offsets(%dma_start3A_75 : memref<128xi32, #tpu.memory_space<vmem>>) semaphore(%arg13 : memref<!tpu.dma_semaphore, #tpu.memory_space<semaphore_mem>>) {add = true}
    %dma_start3A_78 = arith.constant 4 : i32
    %dma_start3A_79 = arith.constant 512 : i32
    %dma_start3A_80 = tpu.memref_slice %arg6[%dma_start3A_79] : memref<6272xf32, #tpu.memory_space<vmem>> -> memref<128xf32, #tpu.memory_space<vmem>>
    %dma_start3A_81 = arith.constant 0 : i32
    %dma_start3A_82 = tpu.memref_slice %arg7[%dma_start3A_78, %dma_start3A_81] : memref<49x128xi32, #tpu.memory_space<vmem>> -> memref<1x128xi32, #tpu.memory_space<vmem>>
    %dma_start3A_83 = tpu.memref_squeeze %dma_start3A_82 : memref<1x128xi32, #tpu.memory_space<vmem>> -> memref<128xi32, #tpu.memory_space<vmem>>
    %dma_start3A_84 = arith.constant 0 : i32
    %dma_start3A_85 = tpu.memref_slice %arg10[%dma_start3A_84] : memref<1049600xf32, #tpu.memory_space<vmem_shared>> -> memref<1049600xf32, #tpu.memory_space<vmem_shared>>
    tpu.enqueue_indirect_dma source(%dma_start3A_80 : memref<128xf32, #tpu.memory_space<vmem>>) target(%dma_start3A_85 : memref<1049600xf32, #tpu.memory_space<vmem_shared>>) offsets(%dma_start3A_83 : memref<128xi32, #tpu.memory_space<vmem>>) semaphore(%arg13 : memref<!tpu.dma_semaphore, #tpu.memory_space<semaphore_mem>>) {add = true}
    %dma_start3A_86 = arith.constant 5 : i32
    %dma_start3A_87 = arith.constant 640 : i32
    %dma_start3A_88 = tpu.memref_slice %arg6[%dma_start3A_87] : memref<6272xf32, #tpu.memory_space<vmem>> -> memref<128xf32, #tpu.memory_space<vmem>>
    %dma_start3A_89 = arith.constant 0 : i32
    %dma_start3A_90 = tpu.memref_slice %arg7[%dma_start3A_86, %dma_start3A_89] : memref<49x128xi32, #tpu.memory_space<vmem>> -> memref<1x128xi32, #tpu.memory_space<vmem>>
    %dma_start3A_91 = tpu.memref_squeeze %dma_start3A_90 : memref<1x128xi32, #tpu.memory_space<vmem>> -> memref<128xi32, #tpu.memory_space<vmem>>
    %dma_start3A_92 = arith.constant 0 : i32
    %dma_start3A_93 = tpu.memref_slice %arg10[%dma_start3A_92] : memref<1049600xf32, #tpu.memory_space<vmem_shared>> -> memref<1049600xf32, #tpu.memory_space<vmem_shared>>
    tpu.enqueue_indirect_dma source(%dma_start3A_88 : memref<128xf32, #tpu.memory_space<vmem>>) target(%dma_start3A_93 : memref<1049600xf32, #tpu.memory_space<vmem_shared>>) offsets(%dma_start3A_91 : memref<128xi32, #tpu.memory_space<vmem>>) semaphore(%arg13 : memref<!tpu.dma_semaphore, #tpu.memory_space<semaphore_mem>>) {add = true}
    %dma_start3A_94 = arith.constant 6 : i32
    %dma_start3A_95 = arith.constant 768 : i32
    %dma_start3A_96 = tpu.memref_slice %arg6[%dma_start3A_95] : memref<6272xf32, #tpu.memory_space<vmem>> -> memref<128xf32, #tpu.memory_space<vmem>>
    %dma_start3A_97 = arith.constant 0 : i32
    %dma_start3A_98 = tpu.memref_slice %arg7[%dma_start3A_94, %dma_start3A_97] : memref<49x128xi32, #tpu.memory_space<vmem>> -> memref<1x128xi32, #tpu.memory_space<vmem>>
    %dma_start3A_99 = tpu.memref_squeeze %dma_start3A_98 : memref<1x128xi32, #tpu.memory_space<vmem>> -> memref<128xi32, #tpu.memory_space<vmem>>
    %dma_start3A_100 = arith.constant 0 : i32
    %dma_start3A_101 = tpu.memref_slice %arg10[%dma_start3A_100] : memref<1049600xf32, #tpu.memory_space<vmem_shared>> -> memref<1049600xf32, #tpu.memory_space<vmem_shared>>
    tpu.enqueue_indirect_dma source(%dma_start3A_96 : memref<128xf32, #tpu.memory_space<vmem>>) target(%dma_start3A_101 : memref<1049600xf32, #tpu.memory_space<vmem_shared>>) offsets(%dma_start3A_99 : memref<128xi32, #tpu.memory_space<vmem>>) semaphore(%arg13 : memref<!tpu.dma_semaphore, #tpu.memory_space<semaphore_mem>>) {add = true}
    %dma_start3A_102 = arith.constant 7 : i32
    %dma_start3A_103 = arith.constant 896 : i32
    %dma_start3A_104 = tpu.memref_slice %arg6[%dma_start3A_103] : memref<6272xf32, #tpu.memory_space<vmem>> -> memref<128xf32, #tpu.memory_space<vmem>>
    %dma_start3A_105 = arith.constant 0 : i32
    %dma_start3A_106 = tpu.memref_slice %arg7[%dma_start3A_102, %dma_start3A_105] : memref<49x128xi32, #tpu.memory_space<vmem>> -> memref<1x128xi32, #tpu.memory_space<vmem>>
    %dma_start3A_107 = tpu.memref_squeeze %dma_start3A_106 : memref<1x128xi32, #tpu.memory_space<vmem>> -> memref<128xi32, #tpu.memory_space<vmem>>
    %dma_start3A_108 = arith.constant 0 : i32
    %dma_start3A_109 = tpu.memref_slice %arg10[%dma_start3A_108] : memref<1049600xf32, #tpu.memory_space<vmem_shared>> -> memref<1049600xf32, #tpu.memory_space<vmem_shared>>
    tpu.enqueue_indirect_dma source(%dma_start3A_104 : memref<128xf32, #tpu.memory_space<vmem>>) target(%dma_start3A_109 : memref<1049600xf32, #tpu.memory_space<vmem_shared>>) offsets(%dma_start3A_107 : memref<128xi32, #tpu.memory_space<vmem>>) semaphore(%arg13 : memref<!tpu.dma_semaphore, #tpu.memory_space<semaphore_mem>>) {add = true}
    %dma_start3A_110 = arith.constant 8 : i32
    %dma_start3A_111 = arith.constant 1024 : i32
    %dma_start3A_112 = tpu.memref_slice %arg6[%dma_start3A_111] : memref<6272xf32, #tpu.memory_space<vmem>> -> memref<128xf32, #tpu.memory_space<vmem>>
    %dma_start3A_113 = arith.constant 0 : i32
    %dma_start3A_114 = tpu.memref_slice %arg7[%dma_start3A_110, %dma_start3A_113] : memref<49x128xi32, #tpu.memory_space<vmem>> -> memref<1x128xi32, #tpu.memory_space<vmem>>
    %dma_start3A_115 = tpu.memref_squeeze %dma_start3A_114 : memref<1x128xi32, #tpu.memory_space<vmem>> -> memref<128xi32, #tpu.memory_space<vmem>>
    %dma_start3A_116 = arith.constant 0 : i32
    %dma_start3A_117 = tpu.memref_slice %arg10[%dma_start3A_116] : memref<1049600xf32, #tpu.memory_space<vmem_shared>> -> memref<1049600xf32, #tpu.memory_space<vmem_shared>>
    tpu.enqueue_indirect_dma source(%dma_start3A_112 : memref<128xf32, #tpu.memory_space<vmem>>) target(%dma_start3A_117 : memref<1049600xf32, #tpu.memory_space<vmem_shared>>) offsets(%dma_start3A_115 : memref<128xi32, #tpu.memory_space<vmem>>) semaphore(%arg13 : memref<!tpu.dma_semaphore, #tpu.memory_space<semaphore_mem>>) {add = true}
    %dma_start3A_118 = arith.constant 9 : i32
    %dma_start3A_119 = arith.constant 1152 : i32
    %dma_start3A_120 = tpu.memref_slice %arg6[%dma_start3A_119] : memref<6272xf32, #tpu.memory_space<vmem>> -> memref<128xf32, #tpu.memory_space<vmem>>
    %dma_start3A_121 = arith.constant 0 : i32
    %dma_start3A_122 = tpu.memref_slice %arg7[%dma_start3A_118, %dma_start3A_121] : memref<49x128xi32, #tpu.memory_space<vmem>> -> memref<1x128xi32, #tpu.memory_space<vmem>>
    %dma_start3A_123 = tpu.memref_squeeze %dma_start3A_122 : memref<1x128xi32, #tpu.memory_space<vmem>> -> memref<128xi32, #tpu.memory_space<vmem>>
    %dma_start3A_124 = arith.constant 0 : i32
    %dma_start3A_125 = tpu.memref_slice %arg10[%dma_start3A_124] : memref<1049600xf32, #tpu.memory_space<vmem_shared>> -> memref<1049600xf32, #tpu.memory_space<vmem_shared>>
    tpu.enqueue_indirect_dma source(%dma_start3A_120 : memref<128xf32, #tpu.memory_space<vmem>>) target(%dma_start3A_125 : memref<1049600xf32, #tpu.memory_space<vmem_shared>>) offsets(%dma_start3A_123 : memref<128xi32, #tpu.memory_space<vmem>>) semaphore(%arg13 : memref<!tpu.dma_semaphore, #tpu.memory_space<semaphore_mem>>) {add = true}
    %dma_start3A_126 = arith.constant 10 : i32
    %dma_start3A_127 = arith.constant 1280 : i32
    %dma_start3A_128 = tpu.memref_slice %arg6[%dma_start3A_127] : memref<6272xf32, #tpu.memory_space<vmem>> -> memref<128xf32, #tpu.memory_space<vmem>>
    %dma_start3A_129 = arith.constant 0 : i32
    %dma_start3A_130 = tpu.memref_slice %arg7[%dma_start3A_126, %dma_start3A_129] : memref<49x128xi32, #tpu.memory_space<vmem>> -> memref<1x128xi32, #tpu.memory_space<vmem>>
    %dma_start3A_131 = tpu.memref_squeeze %dma_start3A_130 : memref<1x128xi32, #tpu.memory_space<vmem>> -> memref<128xi32, #tpu.memory_space<vmem>>
    %dma_start3A_132 = arith.constant 0 : i32
    %dma_start3A_133 = tpu.memref_slice %arg10[%dma_start3A_132] : memref<1049600xf32, #tpu.memory_space<vmem_shared>> -> memref<1049600xf32, #tpu.memory_space<vmem_shared>>
    tpu.enqueue_indirect_dma source(%dma_start3A_128 : memref<128xf32, #tpu.memory_space<vmem>>) target(%dma_start3A_133 : memref<1049600xf32, #tpu.memory_space<vmem_shared>>) offsets(%dma_start3A_131 : memref<128xi32, #tpu.memory_space<vmem>>) semaphore(%arg13 : memref<!tpu.dma_semaphore, #tpu.memory_space<semaphore_mem>>) {add = true}
    %dma_start3A_134 = arith.constant 11 : i32
    %dma_start3A_135 = arith.constant 1408 : i32
    %dma_start3A_136 = tpu.memref_slice %arg6[%dma_start3A_135] : memref<6272xf32, #tpu.memory_space<vmem>> -> memref<128xf32, #tpu.memory_space<vmem>>
    %dma_start3A_137 = arith.constant 0 : i32
    %dma_start3A_138 = tpu.memref_slice %arg7[%dma_start3A_134, %dma_start3A_137] : memref<49x128xi32, #tpu.memory_space<vmem>> -> memref<1x128xi32, #tpu.memory_space<vmem>>
    %dma_start3A_139 = tpu.memref_squeeze %dma_start3A_138 : memref<1x128xi32, #tpu.memory_space<vmem>> -> memref<128xi32, #tpu.memory_space<vmem>>
    %dma_start3A_140 = arith.constant 0 : i32
    %dma_start3A_141 = tpu.memref_slice %arg10[%dma_start3A_140] : memref<1049600xf32, #tpu.memory_space<vmem_shared>> -> memref<1049600xf32, #tpu.memory_space<vmem_shared>>
    tpu.enqueue_indirect_dma source(%dma_start3A_136 : memref<128xf32, #tpu.memory_space<vmem>>) target(%dma_start3A_141 : memref<1049600xf32, #tpu.memory_space<vmem_shared>>) offsets(%dma_start3A_139 : memref<128xi32, #tpu.memory_space<vmem>>) semaphore(%arg13 : memref<!tpu.dma_semaphore, #tpu.memory_space<semaphore_mem>>) {add = true}
    %dma_start3A_142 = arith.constant 12 : i32
    %dma_start3A_143 = arith.constant 1536 : i32
    %dma_start3A_144 = tpu.memref_slice %arg6[%dma_start3A_143] : memref<6272xf32, #tpu.memory_space<vmem>> -> memref<128xf32, #tpu.memory_space<vmem>>
    %dma_start3A_145 = arith.constant 0 : i32
    %dma_start3A_146 = tpu.memref_slice %arg7[%dma_start3A_142, %dma_start3A_145] : memref<49x128xi32, #tpu.memory_space<vmem>> -> memref<1x128xi32, #tpu.memory_space<vmem>>
    %dma_start3A_147 = tpu.memref_squeeze %dma_start3A_146 : memref<1x128xi32, #tpu.memory_space<vmem>> -> memref<128xi32, #tpu.memory_space<vmem>>
    %dma_start3A_148 = arith.constant 0 : i32
    %dma_start3A_149 = tpu.memref_slice %arg10[%dma_start3A_148] : memref<1049600xf32, #tpu.memory_space<vmem_shared>> -> memref<1049600xf32, #tpu.memory_space<vmem_shared>>
    tpu.enqueue_indirect_dma source(%dma_start3A_144 : memref<128xf32, #tpu.memory_space<vmem>>) target(%dma_start3A_149 : memref<1049600xf32, #tpu.memory_space<vmem_shared>>) offsets(%dma_start3A_147 : memref<128xi32, #tpu.memory_space<vmem>>) semaphore(%arg13 : memref<!tpu.dma_semaphore, #tpu.memory_space<semaphore_mem>>) {add = true}
    %dma_start3A_150 = arith.constant 13 : i32
    %dma_start3A_151 = arith.constant 1664 : i32
    %dma_start3A_152 = tpu.memref_slice %arg6[%dma_start3A_151] : memref<6272xf32, #tpu.memory_space<vmem>> -> memref<128xf32, #tpu.memory_space<vmem>>
    %dma_start3A_153 = arith.constant 0 : i32
    %dma_start3A_154 = tpu.memref_slice %arg7[%dma_start3A_150, %dma_start3A_153] : memref<49x128xi32, #tpu.memory_space<vmem>> -> memref<1x128xi32, #tpu.memory_space<vmem>>
    %dma_start3A_155 = tpu.memref_squeeze %dma_start3A_154 : memref<1x128xi32, #tpu.memory_space<vmem>> -> memref<128xi32, #tpu.memory_space<vmem>>
    %dma_start3A_156 = arith.constant 0 : i32
    %dma_start3A_157 = tpu.memref_slice %arg10[%dma_start3A_156] : memref<1049600xf32, #tpu.memory_space<vmem_shared>> -> memref<1049600xf32, #tpu.memory_space<vmem_shared>>
    tpu.enqueue_indirect_dma source(%dma_start3A_152 : memref<128xf32, #tpu.memory_space<vmem>>) target(%dma_start3A_157 : memref<1049600xf32, #tpu.memory_space<vmem_shared>>) offsets(%dma_start3A_155 : memref<128xi32, #tpu.memory_space<vmem>>) semaphore(%arg13 : memref<!tpu.dma_semaphore, #tpu.memory_space<semaphore_mem>>) {add = true}
    %dma_start3A_158 = arith.constant 14 : i32
    %dma_start3A_159 = arith.constant 1792 : i32
    %dma_start3A_160 = tpu.memref_slice %arg6[%dma_start3A_159] : memref<6272xf32, #tpu.memory_space<vmem>> -> memref<128xf32, #tpu.memory_space<vmem>>
    %dma_start3A_161 = arith.constant 0 : i32
    %dma_start3A_162 = tpu.memref_slice %arg7[%dma_start3A_158, %dma_start3A_161] : memref<49x128xi32, #tpu.memory_space<vmem>> -> memref<1x128xi32, #tpu.memory_space<vmem>>
    %dma_start3A_163 = tpu.memref_squeeze %dma_start3A_162 : memref<1x128xi32, #tpu.memory_space<vmem>> -> memref<128xi32, #tpu.memory_space<vmem>>
    %dma_start3A_164 = arith.constant 0 : i32
    %dma_start3A_165 = tpu.memref_slice %arg10[%dma_start3A_164] : memref<1049600xf32, #tpu.memory_space<vmem_shared>> -> memref<1049600xf32, #tpu.memory_space<vmem_shared>>
    tpu.enqueue_indirect_dma source(%dma_start3A_160 : memref<128xf32, #tpu.memory_space<vmem>>) target(%dma_start3A_165 : memref<1049600xf32, #tpu.memory_space<vmem_shared>>) offsets(%dma_start3A_163 : memref<128xi32, #tpu.memory_space<vmem>>) semaphore(%arg13 : memref<!tpu.dma_semaphore, #tpu.memory_space<semaphore_mem>>) {add = true}
    %dma_start3A_166 = arith.constant 15 : i32
    %dma_start3A_167 = arith.constant 1920 : i32
    %dma_start3A_168 = tpu.memref_slice %arg6[%dma_start3A_167] : memref<6272xf32, #tpu.memory_space<vmem>> -> memref<128xf32, #tpu.memory_space<vmem>>
    %dma_start3A_169 = arith.constant 0 : i32
    %dma_start3A_170 = tpu.memref_slice %arg7[%dma_start3A_166, %dma_start3A_169] : memref<49x128xi32, #tpu.memory_space<vmem>> -> memref<1x128xi32, #tpu.memory_space<vmem>>
    %dma_start3A_171 = tpu.memref_squeeze %dma_start3A_170 : memref<1x128xi32, #tpu.memory_space<vmem>> -> memref<128xi32, #tpu.memory_space<vmem>>
    %dma_start3A_172 = arith.constant 0 : i32
    %dma_start3A_173 = tpu.memref_slice %arg10[%dma_start3A_172] : memref<1049600xf32, #tpu.memory_space<vmem_shared>> -> memref<1049600xf32, #tpu.memory_space<vmem_shared>>
    tpu.enqueue_indirect_dma source(%dma_start3A_168 : memref<128xf32, #tpu.memory_space<vmem>>) target(%dma_start3A_173 : memref<1049600xf32, #tpu.memory_space<vmem_shared>>) offsets(%dma_start3A_171 : memref<128xi32, #tpu.memory_space<vmem>>) semaphore(%arg13 : memref<!tpu.dma_semaphore, #tpu.memory_space<semaphore_mem>>) {add = true}
    %dma_start3A_174 = arith.constant 16 : i32
    %dma_start3A_175 = arith.constant 2048 : i32
    %dma_start3A_176 = tpu.memref_slice %arg6[%dma_start3A_175] : memref<6272xf32, #tpu.memory_space<vmem>> -> memref<128xf32, #tpu.memory_space<vmem>>
    %dma_start3A_177 = arith.constant 0 : i32
    %dma_start3A_178 = tpu.memref_slice %arg7[%dma_start3A_174, %dma_start3A_177] : memref<49x128xi32, #tpu.memory_space<vmem>> -> memref<1x128xi32, #tpu.memory_space<vmem>>
    %dma_start3A_179 = tpu.memref_squeeze %dma_start3A_178 : memref<1x128xi32, #tpu.memory_space<vmem>> -> memref<128xi32, #tpu.memory_space<vmem>>
    %dma_start3A_180 = arith.constant 0 : i32
    %dma_start3A_181 = tpu.memref_slice %arg10[%dma_start3A_180] : memref<1049600xf32, #tpu.memory_space<vmem_shared>> -> memref<1049600xf32, #tpu.memory_space<vmem_shared>>
    tpu.enqueue_indirect_dma source(%dma_start3A_176 : memref<128xf32, #tpu.memory_space<vmem>>) target(%dma_start3A_181 : memref<1049600xf32, #tpu.memory_space<vmem_shared>>) offsets(%dma_start3A_179 : memref<128xi32, #tpu.memory_space<vmem>>) semaphore(%arg13 : memref<!tpu.dma_semaphore, #tpu.memory_space<semaphore_mem>>) {add = true}
    %dma_start3A_182 = arith.constant 17 : i32
    %dma_start3A_183 = arith.constant 2176 : i32
    %dma_start3A_184 = tpu.memref_slice %arg6[%dma_start3A_183] : memref<6272xf32, #tpu.memory_space<vmem>> -> memref<128xf32, #tpu.memory_space<vmem>>
    %dma_start3A_185 = arith.constant 0 : i32
    %dma_start3A_186 = tpu.memref_slice %arg7[%dma_start3A_182, %dma_start3A_185] : memref<49x128xi32, #tpu.memory_space<vmem>> -> memref<1x128xi32, #tpu.memory_space<vmem>>
    %dma_start3A_187 = tpu.memref_squeeze %dma_start3A_186 : memref<1x128xi32, #tpu.memory_space<vmem>> -> memref<128xi32, #tpu.memory_space<vmem>>
    %dma_start3A_188 = arith.constant 0 : i32
    %dma_start3A_189 = tpu.memref_slice %arg10[%dma_start3A_188] : memref<1049600xf32, #tpu.memory_space<vmem_shared>> -> memref<1049600xf32, #tpu.memory_space<vmem_shared>>
    tpu.enqueue_indirect_dma source(%dma_start3A_184 : memref<128xf32, #tpu.memory_space<vmem>>) target(%dma_start3A_189 : memref<1049600xf32, #tpu.memory_space<vmem_shared>>) offsets(%dma_start3A_187 : memref<128xi32, #tpu.memory_space<vmem>>) semaphore(%arg13 : memref<!tpu.dma_semaphore, #tpu.memory_space<semaphore_mem>>) {add = true}
    %dma_start3A_190 = arith.constant 18 : i32
    %dma_start3A_191 = arith.constant 2304 : i32
    %dma_start3A_192 = tpu.memref_slice %arg6[%dma_start3A_191] : memref<6272xf32, #tpu.memory_space<vmem>> -> memref<128xf32, #tpu.memory_space<vmem>>
    %dma_start3A_193 = arith.constant 0 : i32
    %dma_start3A_194 = tpu.memref_slice %arg7[%dma_start3A_190, %dma_start3A_193] : memref<49x128xi32, #tpu.memory_space<vmem>> -> memref<1x128xi32, #tpu.memory_space<vmem>>
    %dma_start3A_195 = tpu.memref_squeeze %dma_start3A_194 : memref<1x128xi32, #tpu.memory_space<vmem>> -> memref<128xi32, #tpu.memory_space<vmem>>
    %dma_start3A_196 = arith.constant 0 : i32
    %dma_start3A_197 = tpu.memref_slice %arg10[%dma_start3A_196] : memref<1049600xf32, #tpu.memory_space<vmem_shared>> -> memref<1049600xf32, #tpu.memory_space<vmem_shared>>
    tpu.enqueue_indirect_dma source(%dma_start3A_192 : memref<128xf32, #tpu.memory_space<vmem>>) target(%dma_start3A_197 : memref<1049600xf32, #tpu.memory_space<vmem_shared>>) offsets(%dma_start3A_195 : memref<128xi32, #tpu.memory_space<vmem>>) semaphore(%arg13 : memref<!tpu.dma_semaphore, #tpu.memory_space<semaphore_mem>>) {add = true}
    %dma_start3A_198 = arith.constant 19 : i32
    %dma_start3A_199 = arith.constant 2432 : i32
    %dma_start3A_200 = tpu.memref_slice %arg6[%dma_start3A_199] : memref<6272xf32, #tpu.memory_space<vmem>> -> memref<128xf32, #tpu.memory_space<vmem>>
    %dma_start3A_201 = arith.constant 0 : i32
    %dma_start3A_202 = tpu.memref_slice %arg7[%dma_start3A_198, %dma_start3A_201] : memref<49x128xi32, #tpu.memory_space<vmem>> -> memref<1x128xi32, #tpu.memory_space<vmem>>
    %dma_start3A_203 = tpu.memref_squeeze %dma_start3A_202 : memref<1x128xi32, #tpu.memory_space<vmem>> -> memref<128xi32, #tpu.memory_space<vmem>>
    %dma_start3A_204 = arith.constant 0 : i32
    %dma_start3A_205 = tpu.memref_slice %arg10[%dma_start3A_204] : memref<1049600xf32, #tpu.memory_space<vmem_shared>> -> memref<1049600xf32, #tpu.memory_space<vmem_shared>>
    tpu.enqueue_indirect_dma source(%dma_start3A_200 : memref<128xf32, #tpu.memory_space<vmem>>) target(%dma_start3A_205 : memref<1049600xf32, #tpu.memory_space<vmem_shared>>) offsets(%dma_start3A_203 : memref<128xi32, #tpu.memory_space<vmem>>) semaphore(%arg13 : memref<!tpu.dma_semaphore, #tpu.memory_space<semaphore_mem>>) {add = true}
    %dma_start3A_206 = arith.constant 20 : i32
    %dma_start3A_207 = arith.constant 2560 : i32
    %dma_start3A_208 = tpu.memref_slice %arg6[%dma_start3A_207] : memref<6272xf32, #tpu.memory_space<vmem>> -> memref<128xf32, #tpu.memory_space<vmem>>
    %dma_start3A_209 = arith.constant 0 : i32
    %dma_start3A_210 = tpu.memref_slice %arg7[%dma_start3A_206, %dma_start3A_209] : memref<49x128xi32, #tpu.memory_space<vmem>> -> memref<1x128xi32, #tpu.memory_space<vmem>>
    %dma_start3A_211 = tpu.memref_squeeze %dma_start3A_210 : memref<1x128xi32, #tpu.memory_space<vmem>> -> memref<128xi32, #tpu.memory_space<vmem>>
    %dma_start3A_212 = arith.constant 0 : i32
    %dma_start3A_213 = tpu.memref_slice %arg10[%dma_start3A_212] : memref<1049600xf32, #tpu.memory_space<vmem_shared>> -> memref<1049600xf32, #tpu.memory_space<vmem_shared>>
    tpu.enqueue_indirect_dma source(%dma_start3A_208 : memref<128xf32, #tpu.memory_space<vmem>>) target(%dma_start3A_213 : memref<1049600xf32, #tpu.memory_space<vmem_shared>>) offsets(%dma_start3A_211 : memref<128xi32, #tpu.memory_space<vmem>>) semaphore(%arg13 : memref<!tpu.dma_semaphore, #tpu.memory_space<semaphore_mem>>) {add = true}
    %dma_start3A_214 = arith.constant 21 : i32
    %dma_start3A_215 = arith.constant 2688 : i32
    %dma_start3A_216 = tpu.memref_slice %arg6[%dma_start3A_215] : memref<6272xf32, #tpu.memory_space<vmem>> -> memref<128xf32, #tpu.memory_space<vmem>>
    %dma_start3A_217 = arith.constant 0 : i32
    %dma_start3A_218 = tpu.memref_slice %arg7[%dma_start3A_214, %dma_start3A_217] : memref<49x128xi32, #tpu.memory_space<vmem>> -> memref<1x128xi32, #tpu.memory_space<vmem>>
    %dma_start3A_219 = tpu.memref_squeeze %dma_start3A_218 : memref<1x128xi32, #tpu.memory_space<vmem>> -> memref<128xi32, #tpu.memory_space<vmem>>
    %dma_start3A_220 = arith.constant 0 : i32
    %dma_start3A_221 = tpu.memref_slice %arg10[%dma_start3A_220] : memref<1049600xf32, #tpu.memory_space<vmem_shared>> -> memref<1049600xf32, #tpu.memory_space<vmem_shared>>
    tpu.enqueue_indirect_dma source(%dma_start3A_216 : memref<128xf32, #tpu.memory_space<vmem>>) target(%dma_start3A_221 : memref<1049600xf32, #tpu.memory_space<vmem_shared>>) offsets(%dma_start3A_219 : memref<128xi32, #tpu.memory_space<vmem>>) semaphore(%arg13 : memref<!tpu.dma_semaphore, #tpu.memory_space<semaphore_mem>>) {add = true}
    %dma_start3A_222 = arith.constant 22 : i32
    %dma_start3A_223 = arith.constant 2816 : i32
    %dma_start3A_224 = tpu.memref_slice %arg6[%dma_start3A_223] : memref<6272xf32, #tpu.memory_space<vmem>> -> memref<128xf32, #tpu.memory_space<vmem>>
    %dma_start3A_225 = arith.constant 0 : i32
    %dma_start3A_226 = tpu.memref_slice %arg7[%dma_start3A_222, %dma_start3A_225] : memref<49x128xi32, #tpu.memory_space<vmem>> -> memref<1x128xi32, #tpu.memory_space<vmem>>
    %dma_start3A_227 = tpu.memref_squeeze %dma_start3A_226 : memref<1x128xi32, #tpu.memory_space<vmem>> -> memref<128xi32, #tpu.memory_space<vmem>>
    %dma_start3A_228 = arith.constant 0 : i32
    %dma_start3A_229 = tpu.memref_slice %arg10[%dma_start3A_228] : memref<1049600xf32, #tpu.memory_space<vmem_shared>> -> memref<1049600xf32, #tpu.memory_space<vmem_shared>>
    tpu.enqueue_indirect_dma source(%dma_start3A_224 : memref<128xf32, #tpu.memory_space<vmem>>) target(%dma_start3A_229 : memref<1049600xf32, #tpu.memory_space<vmem_shared>>) offsets(%dma_start3A_227 : memref<128xi32, #tpu.memory_space<vmem>>) semaphore(%arg13 : memref<!tpu.dma_semaphore, #tpu.memory_space<semaphore_mem>>) {add = true}
    %dma_start3A_230 = arith.constant 23 : i32
    %dma_start3A_231 = arith.constant 2944 : i32
    %dma_start3A_232 = tpu.memref_slice %arg6[%dma_start3A_231] : memref<6272xf32, #tpu.memory_space<vmem>> -> memref<128xf32, #tpu.memory_space<vmem>>
    %dma_start3A_233 = arith.constant 0 : i32
    %dma_start3A_234 = tpu.memref_slice %arg7[%dma_start3A_230, %dma_start3A_233] : memref<49x128xi32, #tpu.memory_space<vmem>> -> memref<1x128xi32, #tpu.memory_space<vmem>>
    %dma_start3A_235 = tpu.memref_squeeze %dma_start3A_234 : memref<1x128xi32, #tpu.memory_space<vmem>> -> memref<128xi32, #tpu.memory_space<vmem>>
    %dma_start3A_236 = arith.constant 0 : i32
    %dma_start3A_237 = tpu.memref_slice %arg10[%dma_start3A_236] : memref<1049600xf32, #tpu.memory_space<vmem_shared>> -> memref<1049600xf32, #tpu.memory_space<vmem_shared>>
    tpu.enqueue_indirect_dma source(%dma_start3A_232 : memref<128xf32, #tpu.memory_space<vmem>>) target(%dma_start3A_237 : memref<1049600xf32, #tpu.memory_space<vmem_shared>>) offsets(%dma_start3A_235 : memref<128xi32, #tpu.memory_space<vmem>>) semaphore(%arg13 : memref<!tpu.dma_semaphore, #tpu.memory_space<semaphore_mem>>) {add = true}
    %dma_start3A_238 = arith.constant 24 : i32
    %dma_start3A_239 = arith.constant 3072 : i32
    %dma_start3A_240 = tpu.memref_slice %arg6[%dma_start3A_239] : memref<6272xf32, #tpu.memory_space<vmem>> -> memref<128xf32, #tpu.memory_space<vmem>>
    %dma_start3A_241 = arith.constant 0 : i32
    %dma_start3A_242 = tpu.memref_slice %arg7[%dma_start3A_238, %dma_start3A_241] : memref<49x128xi32, #tpu.memory_space<vmem>> -> memref<1x128xi32, #tpu.memory_space<vmem>>
    %dma_start3A_243 = tpu.memref_squeeze %dma_start3A_242 : memref<1x128xi32, #tpu.memory_space<vmem>> -> memref<128xi32, #tpu.memory_space<vmem>>
    %dma_start3A_244 = arith.constant 0 : i32
    %dma_start3A_245 = tpu.memref_slice %arg10[%dma_start3A_244] : memref<1049600xf32, #tpu.memory_space<vmem_shared>> -> memref<1049600xf32, #tpu.memory_space<vmem_shared>>
    tpu.enqueue_indirect_dma source(%dma_start3A_240 : memref<128xf32, #tpu.memory_space<vmem>>) target(%dma_start3A_245 : memref<1049600xf32, #tpu.memory_space<vmem_shared>>) offsets(%dma_start3A_243 : memref<128xi32, #tpu.memory_space<vmem>>) semaphore(%arg13 : memref<!tpu.dma_semaphore, #tpu.memory_space<semaphore_mem>>) {add = true}
    %dma_start3A_246 = arith.constant 25 : i32
    %dma_start3A_247 = arith.constant 3200 : i32
    %dma_start3A_248 = tpu.memref_slice %arg6[%dma_start3A_247] : memref<6272xf32, #tpu.memory_space<vmem>> -> memref<128xf32, #tpu.memory_space<vmem>>
    %dma_start3A_249 = arith.constant 0 : i32
    %dma_start3A_250 = tpu.memref_slice %arg7[%dma_start3A_246, %dma_start3A_249] : memref<49x128xi32, #tpu.memory_space<vmem>> -> memref<1x128xi32, #tpu.memory_space<vmem>>
    %dma_start3A_251 = tpu.memref_squeeze %dma_start3A_250 : memref<1x128xi32, #tpu.memory_space<vmem>> -> memref<128xi32, #tpu.memory_space<vmem>>
    %dma_start3A_252 = arith.constant 0 : i32
    %dma_start3A_253 = tpu.memref_slice %arg10[%dma_start3A_252] : memref<1049600xf32, #tpu.memory_space<vmem_shared>> -> memref<1049600xf32, #tpu.memory_space<vmem_shared>>
    tpu.enqueue_indirect_dma source(%dma_start3A_248 : memref<128xf32, #tpu.memory_space<vmem>>) target(%dma_start3A_253 : memref<1049600xf32, #tpu.memory_space<vmem_shared>>) offsets(%dma_start3A_251 : memref<128xi32, #tpu.memory_space<vmem>>) semaphore(%arg13 : memref<!tpu.dma_semaphore, #tpu.memory_space<semaphore_mem>>) {add = true}
    %dma_start3A_254 = arith.constant 26 : i32
    %dma_start3A_255 = arith.constant 3328 : i32
    %dma_start3A_256 = tpu.memref_slice %arg6[%dma_start3A_255] : memref<6272xf32, #tpu.memory_space<vmem>> -> memref<128xf32, #tpu.memory_space<vmem>>
    %dma_start3A_257 = arith.constant 0 : i32
    %dma_start3A_258 = tpu.memref_slice %arg7[%dma_start3A_254, %dma_start3A_257] : memref<49x128xi32, #tpu.memory_space<vmem>> -> memref<1x128xi32, #tpu.memory_space<vmem>>
    %dma_start3A_259 = tpu.memref_squeeze %dma_start3A_258 : memref<1x128xi32, #tpu.memory_space<vmem>> -> memref<128xi32, #tpu.memory_space<vmem>>
    %dma_start3A_260 = arith.constant 0 : i32
    %dma_start3A_261 = tpu.memref_slice %arg10[%dma_start3A_260] : memref<1049600xf32, #tpu.memory_space<vmem_shared>> -> memref<1049600xf32, #tpu.memory_space<vmem_shared>>
    tpu.enqueue_indirect_dma source(%dma_start3A_256 : memref<128xf32, #tpu.memory_space<vmem>>) target(%dma_start3A_261 : memref<1049600xf32, #tpu.memory_space<vmem_shared>>) offsets(%dma_start3A_259 : memref<128xi32, #tpu.memory_space<vmem>>) semaphore(%arg13 : memref<!tpu.dma_semaphore, #tpu.memory_space<semaphore_mem>>) {add = true}
    %dma_start3A_262 = arith.constant 27 : i32
    %dma_start3A_263 = arith.constant 3456 : i32
    %dma_start3A_264 = tpu.memref_slice %arg6[%dma_start3A_263] : memref<6272xf32, #tpu.memory_space<vmem>> -> memref<128xf32, #tpu.memory_space<vmem>>
    %dma_start3A_265 = arith.constant 0 : i32
    %dma_start3A_266 = tpu.memref_slice %arg7[%dma_start3A_262, %dma_start3A_265] : memref<49x128xi32, #tpu.memory_space<vmem>> -> memref<1x128xi32, #tpu.memory_space<vmem>>
    %dma_start3A_267 = tpu.memref_squeeze %dma_start3A_266 : memref<1x128xi32, #tpu.memory_space<vmem>> -> memref<128xi32, #tpu.memory_space<vmem>>
    %dma_start3A_268 = arith.constant 0 : i32
    %dma_start3A_269 = tpu.memref_slice %arg10[%dma_start3A_268] : memref<1049600xf32, #tpu.memory_space<vmem_shared>> -> memref<1049600xf32, #tpu.memory_space<vmem_shared>>
    tpu.enqueue_indirect_dma source(%dma_start3A_264 : memref<128xf32, #tpu.memory_space<vmem>>) target(%dma_start3A_269 : memref<1049600xf32, #tpu.memory_space<vmem_shared>>) offsets(%dma_start3A_267 : memref<128xi32, #tpu.memory_space<vmem>>) semaphore(%arg13 : memref<!tpu.dma_semaphore, #tpu.memory_space<semaphore_mem>>) {add = true}
    %dma_start3A_270 = arith.constant 28 : i32
    %dma_start3A_271 = arith.constant 3584 : i32
    %dma_start3A_272 = tpu.memref_slice %arg6[%dma_start3A_271] : memref<6272xf32, #tpu.memory_space<vmem>> -> memref<128xf32, #tpu.memory_space<vmem>>
    %dma_start3A_273 = arith.constant 0 : i32
    %dma_start3A_274 = tpu.memref_slice %arg7[%dma_start3A_270, %dma_start3A_273] : memref<49x128xi32, #tpu.memory_space<vmem>> -> memref<1x128xi32, #tpu.memory_space<vmem>>
    %dma_start3A_275 = tpu.memref_squeeze %dma_start3A_274 : memref<1x128xi32, #tpu.memory_space<vmem>> -> memref<128xi32, #tpu.memory_space<vmem>>
    %dma_start3A_276 = arith.constant 0 : i32
    %dma_start3A_277 = tpu.memref_slice %arg10[%dma_start3A_276] : memref<1049600xf32, #tpu.memory_space<vmem_shared>> -> memref<1049600xf32, #tpu.memory_space<vmem_shared>>
    tpu.enqueue_indirect_dma source(%dma_start3A_272 : memref<128xf32, #tpu.memory_space<vmem>>) target(%dma_start3A_277 : memref<1049600xf32, #tpu.memory_space<vmem_shared>>) offsets(%dma_start3A_275 : memref<128xi32, #tpu.memory_space<vmem>>) semaphore(%arg13 : memref<!tpu.dma_semaphore, #tpu.memory_space<semaphore_mem>>) {add = true}
    %dma_start3A_278 = arith.constant 29 : i32
    %dma_start3A_279 = arith.constant 3712 : i32
    %dma_start3A_280 = tpu.memref_slice %arg6[%dma_start3A_279] : memref<6272xf32, #tpu.memory_space<vmem>> -> memref<128xf32, #tpu.memory_space<vmem>>
    %dma_start3A_281 = arith.constant 0 : i32
    %dma_start3A_282 = tpu.memref_slice %arg7[%dma_start3A_278, %dma_start3A_281] : memref<49x128xi32, #tpu.memory_space<vmem>> -> memref<1x128xi32, #tpu.memory_space<vmem>>
    %dma_start3A_283 = tpu.memref_squeeze %dma_start3A_282 : memref<1x128xi32, #tpu.memory_space<vmem>> -> memref<128xi32, #tpu.memory_space<vmem>>
    %dma_start3A_284 = arith.constant 0 : i32
    %dma_start3A_285 = tpu.memref_slice %arg10[%dma_start3A_284] : memref<1049600xf32, #tpu.memory_space<vmem_shared>> -> memref<1049600xf32, #tpu.memory_space<vmem_shared>>
    tpu.enqueue_indirect_dma source(%dma_start3A_280 : memref<128xf32, #tpu.memory_space<vmem>>) target(%dma_start3A_285 : memref<1049600xf32, #tpu.memory_space<vmem_shared>>) offsets(%dma_start3A_283 : memref<128xi32, #tpu.memory_space<vmem>>) semaphore(%arg13 : memref<!tpu.dma_semaphore, #tpu.memory_space<semaphore_mem>>) {add = true}
    %dma_start3A_286 = arith.constant 30 : i32
    %dma_start3A_287 = arith.constant 3840 : i32
    %dma_start3A_288 = tpu.memref_slice %arg6[%dma_start3A_287] : memref<6272xf32, #tpu.memory_space<vmem>> -> memref<128xf32, #tpu.memory_space<vmem>>
    %dma_start3A_289 = arith.constant 0 : i32
    %dma_start3A_290 = tpu.memref_slice %arg7[%dma_start3A_286, %dma_start3A_289] : memref<49x128xi32, #tpu.memory_space<vmem>> -> memref<1x128xi32, #tpu.memory_space<vmem>>
    %dma_start3A_291 = tpu.memref_squeeze %dma_start3A_290 : memref<1x128xi32, #tpu.memory_space<vmem>> -> memref<128xi32, #tpu.memory_space<vmem>>
    %dma_start3A_292 = arith.constant 0 : i32
    %dma_start3A_293 = tpu.memref_slice %arg10[%dma_start3A_292] : memref<1049600xf32, #tpu.memory_space<vmem_shared>> -> memref<1049600xf32, #tpu.memory_space<vmem_shared>>
    tpu.enqueue_indirect_dma source(%dma_start3A_288 : memref<128xf32, #tpu.memory_space<vmem>>) target(%dma_start3A_293 : memref<1049600xf32, #tpu.memory_space<vmem_shared>>) offsets(%dma_start3A_291 : memref<128xi32, #tpu.memory_space<vmem>>) semaphore(%arg13 : memref<!tpu.dma_semaphore, #tpu.memory_space<semaphore_mem>>) {add = true}
    %dma_start3A_294 = arith.constant 31 : i32
    %dma_start3A_295 = arith.constant 3968 : i32
    %dma_start3A_296 = tpu.memref_slice %arg6[%dma_start3A_295] : memref<6272xf32, #tpu.memory_space<vmem>> -> memref<128xf32, #tpu.memory_space<vmem>>
    %dma_start3A_297 = arith.constant 0 : i32
    %dma_start3A_298 = tpu.memref_slice %arg7[%dma_start3A_294, %dma_start3A_297] : memref<49x128xi32, #tpu.memory_space<vmem>> -> memref<1x128xi32, #tpu.memory_space<vmem>>
    %dma_start3A_299 = tpu.memref_squeeze %dma_start3A_298 : memref<1x128xi32, #tpu.memory_space<vmem>> -> memref<128xi32, #tpu.memory_space<vmem>>
    %dma_start3A_300 = arith.constant 0 : i32
    %dma_start3A_301 = tpu.memref_slice %arg10[%dma_start3A_300] : memref<1049600xf32, #tpu.memory_space<vmem_shared>> -> memref<1049600xf32, #tpu.memory_space<vmem_shared>>
    tpu.enqueue_indirect_dma source(%dma_start3A_296 : memref<128xf32, #tpu.memory_space<vmem>>) target(%dma_start3A_301 : memref<1049600xf32, #tpu.memory_space<vmem_shared>>) offsets(%dma_start3A_299 : memref<128xi32, #tpu.memory_space<vmem>>) semaphore(%arg13 : memref<!tpu.dma_semaphore, #tpu.memory_space<semaphore_mem>>) {add = true}
    %dma_start3A_302 = arith.constant 32 : i32
    %dma_start3A_303 = arith.constant 4096 : i32
    %dma_start3A_304 = tpu.memref_slice %arg6[%dma_start3A_303] : memref<6272xf32, #tpu.memory_space<vmem>> -> memref<128xf32, #tpu.memory_space<vmem>>
    %dma_start3A_305 = arith.constant 0 : i32
    %dma_start3A_306 = tpu.memref_slice %arg7[%dma_start3A_302, %dma_start3A_305] : memref<49x128xi32, #tpu.memory_space<vmem>> -> memref<1x128xi32, #tpu.memory_space<vmem>>
    %dma_start3A_307 = tpu.memref_squeeze %dma_start3A_306 : memref<1x128xi32, #tpu.memory_space<vmem>> -> memref<128xi32, #tpu.memory_space<vmem>>
    %dma_start3A_308 = arith.constant 0 : i32
    %dma_start3A_309 = tpu.memref_slice %arg10[%dma_start3A_308] : memref<1049600xf32, #tpu.memory_space<vmem_shared>> -> memref<1049600xf32, #tpu.memory_space<vmem_shared>>
    tpu.enqueue_indirect_dma source(%dma_start3A_304 : memref<128xf32, #tpu.memory_space<vmem>>) target(%dma_start3A_309 : memref<1049600xf32, #tpu.memory_space<vmem_shared>>) offsets(%dma_start3A_307 : memref<128xi32, #tpu.memory_space<vmem>>) semaphore(%arg13 : memref<!tpu.dma_semaphore, #tpu.memory_space<semaphore_mem>>) {add = true}
    %dma_start3A_310 = arith.constant 33 : i32
    %dma_start3A_311 = arith.constant 4224 : i32
    %dma_start3A_312 = tpu.memref_slice %arg6[%dma_start3A_311] : memref<6272xf32, #tpu.memory_space<vmem>> -> memref<128xf32, #tpu.memory_space<vmem>>
    %dma_start3A_313 = arith.constant 0 : i32
    %dma_start3A_314 = tpu.memref_slice %arg7[%dma_start3A_310, %dma_start3A_313] : memref<49x128xi32, #tpu.memory_space<vmem>> -> memref<1x128xi32, #tpu.memory_space<vmem>>
    %dma_start3A_315 = tpu.memref_squeeze %dma_start3A_314 : memref<1x128xi32, #tpu.memory_space<vmem>> -> memref<128xi32, #tpu.memory_space<vmem>>
    %dma_start3A_316 = arith.constant 0 : i32
    %dma_start3A_317 = tpu.memref_slice %arg10[%dma_start3A_316] : memref<1049600xf32, #tpu.memory_space<vmem_shared>> -> memref<1049600xf32, #tpu.memory_space<vmem_shared>>
    tpu.enqueue_indirect_dma source(%dma_start3A_312 : memref<128xf32, #tpu.memory_space<vmem>>) target(%dma_start3A_317 : memref<1049600xf32, #tpu.memory_space<vmem_shared>>) offsets(%dma_start3A_315 : memref<128xi32, #tpu.memory_space<vmem>>) semaphore(%arg13 : memref<!tpu.dma_semaphore, #tpu.memory_space<semaphore_mem>>) {add = true}
    %dma_start3A_318 = arith.constant 34 : i32
    %dma_start3A_319 = arith.constant 4352 : i32
    %dma_start3A_320 = tpu.memref_slice %arg6[%dma_start3A_319] : memref<6272xf32, #tpu.memory_space<vmem>> -> memref<128xf32, #tpu.memory_space<vmem>>
    %dma_start3A_321 = arith.constant 0 : i32
    %dma_start3A_322 = tpu.memref_slice %arg7[%dma_start3A_318, %dma_start3A_321] : memref<49x128xi32, #tpu.memory_space<vmem>> -> memref<1x128xi32, #tpu.memory_space<vmem>>
    %dma_start3A_323 = tpu.memref_squeeze %dma_start3A_322 : memref<1x128xi32, #tpu.memory_space<vmem>> -> memref<128xi32, #tpu.memory_space<vmem>>
    %dma_start3A_324 = arith.constant 0 : i32
    %dma_start3A_325 = tpu.memref_slice %arg10[%dma_start3A_324] : memref<1049600xf32, #tpu.memory_space<vmem_shared>> -> memref<1049600xf32, #tpu.memory_space<vmem_shared>>
    tpu.enqueue_indirect_dma source(%dma_start3A_320 : memref<128xf32, #tpu.memory_space<vmem>>) target(%dma_start3A_325 : memref<1049600xf32, #tpu.memory_space<vmem_shared>>) offsets(%dma_start3A_323 : memref<128xi32, #tpu.memory_space<vmem>>) semaphore(%arg13 : memref<!tpu.dma_semaphore, #tpu.memory_space<semaphore_mem>>) {add = true}
    %dma_start3A_326 = arith.constant 35 : i32
    %dma_start3A_327 = arith.constant 4480 : i32
    %dma_start3A_328 = tpu.memref_slice %arg6[%dma_start3A_327] : memref<6272xf32, #tpu.memory_space<vmem>> -> memref<128xf32, #tpu.memory_space<vmem>>
    %dma_start3A_329 = arith.constant 0 : i32
    %dma_start3A_330 = tpu.memref_slice %arg7[%dma_start3A_326, %dma_start3A_329] : memref<49x128xi32, #tpu.memory_space<vmem>> -> memref<1x128xi32, #tpu.memory_space<vmem>>
    %dma_start3A_331 = tpu.memref_squeeze %dma_start3A_330 : memref<1x128xi32, #tpu.memory_space<vmem>> -> memref<128xi32, #tpu.memory_space<vmem>>
    %dma_start3A_332 = arith.constant 0 : i32
    %dma_start3A_333 = tpu.memref_slice %arg10[%dma_start3A_332] : memref<1049600xf32, #tpu.memory_space<vmem_shared>> -> memref<1049600xf32, #tpu.memory_space<vmem_shared>>
    tpu.enqueue_indirect_dma source(%dma_start3A_328 : memref<128xf32, #tpu.memory_space<vmem>>) target(%dma_start3A_333 : memref<1049600xf32, #tpu.memory_space<vmem_shared>>) offsets(%dma_start3A_331 : memref<128xi32, #tpu.memory_space<vmem>>) semaphore(%arg13 : memref<!tpu.dma_semaphore, #tpu.memory_space<semaphore_mem>>) {add = true}
    %dma_start3A_334 = arith.constant 36 : i32
    %dma_start3A_335 = arith.constant 4608 : i32
    %dma_start3A_336 = tpu.memref_slice %arg6[%dma_start3A_335] : memref<6272xf32, #tpu.memory_space<vmem>> -> memref<128xf32, #tpu.memory_space<vmem>>
    %dma_start3A_337 = arith.constant 0 : i32
    %dma_start3A_338 = tpu.memref_slice %arg7[%dma_start3A_334, %dma_start3A_337] : memref<49x128xi32, #tpu.memory_space<vmem>> -> memref<1x128xi32, #tpu.memory_space<vmem>>
    %dma_start3A_339 = tpu.memref_squeeze %dma_start3A_338 : memref<1x128xi32, #tpu.memory_space<vmem>> -> memref<128xi32, #tpu.memory_space<vmem>>
    %dma_start3A_340 = arith.constant 0 : i32
    %dma_start3A_341 = tpu.memref_slice %arg10[%dma_start3A_340] : memref<1049600xf32, #tpu.memory_space<vmem_shared>> -> memref<1049600xf32, #tpu.memory_space<vmem_shared>>
    tpu.enqueue_indirect_dma source(%dma_start3A_336 : memref<128xf32, #tpu.memory_space<vmem>>) target(%dma_start3A_341 : memref<1049600xf32, #tpu.memory_space<vmem_shared>>) offsets(%dma_start3A_339 : memref<128xi32, #tpu.memory_space<vmem>>) semaphore(%arg13 : memref<!tpu.dma_semaphore, #tpu.memory_space<semaphore_mem>>) {add = true}
    %dma_start3A_342 = arith.constant 37 : i32
    %dma_start3A_343 = arith.constant 4736 : i32
    %dma_start3A_344 = tpu.memref_slice %arg6[%dma_start3A_343] : memref<6272xf32, #tpu.memory_space<vmem>> -> memref<128xf32, #tpu.memory_space<vmem>>
    %dma_start3A_345 = arith.constant 0 : i32
    %dma_start3A_346 = tpu.memref_slice %arg7[%dma_start3A_342, %dma_start3A_345] : memref<49x128xi32, #tpu.memory_space<vmem>> -> memref<1x128xi32, #tpu.memory_space<vmem>>
    %dma_start3A_347 = tpu.memref_squeeze %dma_start3A_346 : memref<1x128xi32, #tpu.memory_space<vmem>> -> memref<128xi32, #tpu.memory_space<vmem>>
    %dma_start3A_348 = arith.constant 0 : i32
    %dma_start3A_349 = tpu.memref_slice %arg10[%dma_start3A_348] : memref<1049600xf32, #tpu.memory_space<vmem_shared>> -> memref<1049600xf32, #tpu.memory_space<vmem_shared>>
    tpu.enqueue_indirect_dma source(%dma_start3A_344 : memref<128xf32, #tpu.memory_space<vmem>>) target(%dma_start3A_349 : memref<1049600xf32, #tpu.memory_space<vmem_shared>>) offsets(%dma_start3A_347 : memref<128xi32, #tpu.memory_space<vmem>>) semaphore(%arg13 : memref<!tpu.dma_semaphore, #tpu.memory_space<semaphore_mem>>) {add = true}
    %dma_start3A_350 = arith.constant 38 : i32
    %dma_start3A_351 = arith.constant 4864 : i32
    %dma_start3A_352 = tpu.memref_slice %arg6[%dma_start3A_351] : memref<6272xf32, #tpu.memory_space<vmem>> -> memref<128xf32, #tpu.memory_space<vmem>>
    %dma_start3A_353 = arith.constant 0 : i32
    %dma_start3A_354 = tpu.memref_slice %arg7[%dma_start3A_350, %dma_start3A_353] : memref<49x128xi32, #tpu.memory_space<vmem>> -> memref<1x128xi32, #tpu.memory_space<vmem>>
    %dma_start3A_355 = tpu.memref_squeeze %dma_start3A_354 : memref<1x128xi32, #tpu.memory_space<vmem>> -> memref<128xi32, #tpu.memory_space<vmem>>
    %dma_start3A_356 = arith.constant 0 : i32
    %dma_start3A_357 = tpu.memref_slice %arg10[%dma_start3A_356] : memref<1049600xf32, #tpu.memory_space<vmem_shared>> -> memref<1049600xf32, #tpu.memory_space<vmem_shared>>
    tpu.enqueue_indirect_dma source(%dma_start3A_352 : memref<128xf32, #tpu.memory_space<vmem>>) target(%dma_start3A_357 : memref<1049600xf32, #tpu.memory_space<vmem_shared>>) offsets(%dma_start3A_355 : memref<128xi32, #tpu.memory_space<vmem>>) semaphore(%arg13 : memref<!tpu.dma_semaphore, #tpu.memory_space<semaphore_mem>>) {add = true}
    %dma_start3A_358 = arith.constant 39 : i32
    %dma_start3A_359 = arith.constant 4992 : i32
    %dma_start3A_360 = tpu.memref_slice %arg6[%dma_start3A_359] : memref<6272xf32, #tpu.memory_space<vmem>> -> memref<128xf32, #tpu.memory_space<vmem>>
    %dma_start3A_361 = arith.constant 0 : i32
    %dma_start3A_362 = tpu.memref_slice %arg7[%dma_start3A_358, %dma_start3A_361] : memref<49x128xi32, #tpu.memory_space<vmem>> -> memref<1x128xi32, #tpu.memory_space<vmem>>
    %dma_start3A_363 = tpu.memref_squeeze %dma_start3A_362 : memref<1x128xi32, #tpu.memory_space<vmem>> -> memref<128xi32, #tpu.memory_space<vmem>>
    %dma_start3A_364 = arith.constant 0 : i32
    %dma_start3A_365 = tpu.memref_slice %arg10[%dma_start3A_364] : memref<1049600xf32, #tpu.memory_space<vmem_shared>> -> memref<1049600xf32, #tpu.memory_space<vmem_shared>>
    tpu.enqueue_indirect_dma source(%dma_start3A_360 : memref<128xf32, #tpu.memory_space<vmem>>) target(%dma_start3A_365 : memref<1049600xf32, #tpu.memory_space<vmem_shared>>) offsets(%dma_start3A_363 : memref<128xi32, #tpu.memory_space<vmem>>) semaphore(%arg13 : memref<!tpu.dma_semaphore, #tpu.memory_space<semaphore_mem>>) {add = true}
    %dma_start3A_366 = arith.constant 40 : i32
    %dma_start3A_367 = arith.constant 5120 : i32
    %dma_start3A_368 = tpu.memref_slice %arg6[%dma_start3A_367] : memref<6272xf32, #tpu.memory_space<vmem>> -> memref<128xf32, #tpu.memory_space<vmem>>
    %dma_start3A_369 = arith.constant 0 : i32
    %dma_start3A_370 = tpu.memref_slice %arg7[%dma_start3A_366, %dma_start3A_369] : memref<49x128xi32, #tpu.memory_space<vmem>> -> memref<1x128xi32, #tpu.memory_space<vmem>>
    %dma_start3A_371 = tpu.memref_squeeze %dma_start3A_370 : memref<1x128xi32, #tpu.memory_space<vmem>> -> memref<128xi32, #tpu.memory_space<vmem>>
    %dma_start3A_372 = arith.constant 0 : i32
    %dma_start3A_373 = tpu.memref_slice %arg10[%dma_start3A_372] : memref<1049600xf32, #tpu.memory_space<vmem_shared>> -> memref<1049600xf32, #tpu.memory_space<vmem_shared>>
    tpu.enqueue_indirect_dma source(%dma_start3A_368 : memref<128xf32, #tpu.memory_space<vmem>>) target(%dma_start3A_373 : memref<1049600xf32, #tpu.memory_space<vmem_shared>>) offsets(%dma_start3A_371 : memref<128xi32, #tpu.memory_space<vmem>>) semaphore(%arg13 : memref<!tpu.dma_semaphore, #tpu.memory_space<semaphore_mem>>) {add = true}
    %dma_start3A_374 = arith.constant 41 : i32
    %dma_start3A_375 = arith.constant 5248 : i32
    %dma_start3A_376 = tpu.memref_slice %arg6[%dma_start3A_375] : memref<6272xf32, #tpu.memory_space<vmem>> -> memref<128xf32, #tpu.memory_space<vmem>>
    %dma_start3A_377 = arith.constant 0 : i32
    %dma_start3A_378 = tpu.memref_slice %arg7[%dma_start3A_374, %dma_start3A_377] : memref<49x128xi32, #tpu.memory_space<vmem>> -> memref<1x128xi32, #tpu.memory_space<vmem>>
    %dma_start3A_379 = tpu.memref_squeeze %dma_start3A_378 : memref<1x128xi32, #tpu.memory_space<vmem>> -> memref<128xi32, #tpu.memory_space<vmem>>
    %dma_start3A_380 = arith.constant 0 : i32
    %dma_start3A_381 = tpu.memref_slice %arg10[%dma_start3A_380] : memref<1049600xf32, #tpu.memory_space<vmem_shared>> -> memref<1049600xf32, #tpu.memory_space<vmem_shared>>
    tpu.enqueue_indirect_dma source(%dma_start3A_376 : memref<128xf32, #tpu.memory_space<vmem>>) target(%dma_start3A_381 : memref<1049600xf32, #tpu.memory_space<vmem_shared>>) offsets(%dma_start3A_379 : memref<128xi32, #tpu.memory_space<vmem>>) semaphore(%arg13 : memref<!tpu.dma_semaphore, #tpu.memory_space<semaphore_mem>>) {add = true}
    %dma_start3A_382 = arith.constant 42 : i32
    %dma_start3A_383 = arith.constant 5376 : i32
    %dma_start3A_384 = tpu.memref_slice %arg6[%dma_start3A_383] : memref<6272xf32, #tpu.memory_space<vmem>> -> memref<128xf32, #tpu.memory_space<vmem>>
    %dma_start3A_385 = arith.constant 0 : i32
    %dma_start3A_386 = tpu.memref_slice %arg7[%dma_start3A_382, %dma_start3A_385] : memref<49x128xi32, #tpu.memory_space<vmem>> -> memref<1x128xi32, #tpu.memory_space<vmem>>
    %dma_start3A_387 = tpu.memref_squeeze %dma_start3A_386 : memref<1x128xi32, #tpu.memory_space<vmem>> -> memref<128xi32, #tpu.memory_space<vmem>>
    %dma_start3A_388 = arith.constant 0 : i32
    %dma_start3A_389 = tpu.memref_slice %arg10[%dma_start3A_388] : memref<1049600xf32, #tpu.memory_space<vmem_shared>> -> memref<1049600xf32, #tpu.memory_space<vmem_shared>>
    tpu.enqueue_indirect_dma source(%dma_start3A_384 : memref<128xf32, #tpu.memory_space<vmem>>) target(%dma_start3A_389 : memref<1049600xf32, #tpu.memory_space<vmem_shared>>) offsets(%dma_start3A_387 : memref<128xi32, #tpu.memory_space<vmem>>) semaphore(%arg13 : memref<!tpu.dma_semaphore, #tpu.memory_space<semaphore_mem>>) {add = true}
    %dma_start3A_390 = arith.constant 43 : i32
    %dma_start3A_391 = arith.constant 5504 : i32
    %dma_start3A_392 = tpu.memref_slice %arg6[%dma_start3A_391] : memref<6272xf32, #tpu.memory_space<vmem>> -> memref<128xf32, #tpu.memory_space<vmem>>
    %dma_start3A_393 = arith.constant 0 : i32
    %dma_start3A_394 = tpu.memref_slice %arg7[%dma_start3A_390, %dma_start3A_393] : memref<49x128xi32, #tpu.memory_space<vmem>> -> memref<1x128xi32, #tpu.memory_space<vmem>>
    %dma_start3A_395 = tpu.memref_squeeze %dma_start3A_394 : memref<1x128xi32, #tpu.memory_space<vmem>> -> memref<128xi32, #tpu.memory_space<vmem>>
    %dma_start3A_396 = arith.constant 0 : i32
    %dma_start3A_397 = tpu.memref_slice %arg10[%dma_start3A_396] : memref<1049600xf32, #tpu.memory_space<vmem_shared>> -> memref<1049600xf32, #tpu.memory_space<vmem_shared>>
    tpu.enqueue_indirect_dma source(%dma_start3A_392 : memref<128xf32, #tpu.memory_space<vmem>>) target(%dma_start3A_397 : memref<1049600xf32, #tpu.memory_space<vmem_shared>>) offsets(%dma_start3A_395 : memref<128xi32, #tpu.memory_space<vmem>>) semaphore(%arg13 : memref<!tpu.dma_semaphore, #tpu.memory_space<semaphore_mem>>) {add = true}
    %dma_start3A_398 = arith.constant 44 : i32
    %dma_start3A_399 = arith.constant 5632 : i32
    %dma_start3A_400 = tpu.memref_slice %arg6[%dma_start3A_399] : memref<6272xf32, #tpu.memory_space<vmem>> -> memref<128xf32, #tpu.memory_space<vmem>>
    %dma_start3A_401 = arith.constant 0 : i32
    %dma_start3A_402 = tpu.memref_slice %arg7[%dma_start3A_398, %dma_start3A_401] : memref<49x128xi32, #tpu.memory_space<vmem>> -> memref<1x128xi32, #tpu.memory_space<vmem>>
    %dma_start3A_403 = tpu.memref_squeeze %dma_start3A_402 : memref<1x128xi32, #tpu.memory_space<vmem>> -> memref<128xi32, #tpu.memory_space<vmem>>
    %dma_start3A_404 = arith.constant 0 : i32
    %dma_start3A_405 = tpu.memref_slice %arg10[%dma_start3A_404] : memref<1049600xf32, #tpu.memory_space<vmem_shared>> -> memref<1049600xf32, #tpu.memory_space<vmem_shared>>
    tpu.enqueue_indirect_dma source(%dma_start3A_400 : memref<128xf32, #tpu.memory_space<vmem>>) target(%dma_start3A_405 : memref<1049600xf32, #tpu.memory_space<vmem_shared>>) offsets(%dma_start3A_403 : memref<128xi32, #tpu.memory_space<vmem>>) semaphore(%arg13 : memref<!tpu.dma_semaphore, #tpu.memory_space<semaphore_mem>>) {add = true}
    %dma_start3A_406 = arith.constant 45 : i32
    %dma_start3A_407 = arith.constant 5760 : i32
    %dma_start3A_408 = tpu.memref_slice %arg6[%dma_start3A_407] : memref<6272xf32, #tpu.memory_space<vmem>> -> memref<128xf32, #tpu.memory_space<vmem>>
    %dma_start3A_409 = arith.constant 0 : i32
    %dma_start3A_410 = tpu.memref_slice %arg7[%dma_start3A_406, %dma_start3A_409] : memref<49x128xi32, #tpu.memory_space<vmem>> -> memref<1x128xi32, #tpu.memory_space<vmem>>
    %dma_start3A_411 = tpu.memref_squeeze %dma_start3A_410 : memref<1x128xi32, #tpu.memory_space<vmem>> -> memref<128xi32, #tpu.memory_space<vmem>>
    %dma_start3A_412 = arith.constant 0 : i32
    %dma_start3A_413 = tpu.memref_slice %arg10[%dma_start3A_412] : memref<1049600xf32, #tpu.memory_space<vmem_shared>> -> memref<1049600xf32, #tpu.memory_space<vmem_shared>>
    tpu.enqueue_indirect_dma source(%dma_start3A_408 : memref<128xf32, #tpu.memory_space<vmem>>) target(%dma_start3A_413 : memref<1049600xf32, #tpu.memory_space<vmem_shared>>) offsets(%dma_start3A_411 : memref<128xi32, #tpu.memory_space<vmem>>) semaphore(%arg13 : memref<!tpu.dma_semaphore, #tpu.memory_space<semaphore_mem>>) {add = true}
    %dma_start3A_414 = arith.constant 46 : i32
    %dma_start3A_415 = arith.constant 5888 : i32
    %dma_start3A_416 = tpu.memref_slice %arg6[%dma_start3A_415] : memref<6272xf32, #tpu.memory_space<vmem>> -> memref<128xf32, #tpu.memory_space<vmem>>
    %dma_start3A_417 = arith.constant 0 : i32
    %dma_start3A_418 = tpu.memref_slice %arg7[%dma_start3A_414, %dma_start3A_417] : memref<49x128xi32, #tpu.memory_space<vmem>> -> memref<1x128xi32, #tpu.memory_space<vmem>>
    %dma_start3A_419 = tpu.memref_squeeze %dma_start3A_418 : memref<1x128xi32, #tpu.memory_space<vmem>> -> memref<128xi32, #tpu.memory_space<vmem>>
    %dma_start3A_420 = arith.constant 0 : i32
    %dma_start3A_421 = tpu.memref_slice %arg10[%dma_start3A_420] : memref<1049600xf32, #tpu.memory_space<vmem_shared>> -> memref<1049600xf32, #tpu.memory_space<vmem_shared>>
    tpu.enqueue_indirect_dma source(%dma_start3A_416 : memref<128xf32, #tpu.memory_space<vmem>>) target(%dma_start3A_421 : memref<1049600xf32, #tpu.memory_space<vmem_shared>>) offsets(%dma_start3A_419 : memref<128xi32, #tpu.memory_space<vmem>>) semaphore(%arg13 : memref<!tpu.dma_semaphore, #tpu.memory_space<semaphore_mem>>) {add = true}
    %dma_start3A_422 = arith.constant 47 : i32
    %dma_start3A_423 = arith.constant 6016 : i32
    %dma_start3A_424 = tpu.memref_slice %arg6[%dma_start3A_423] : memref<6272xf32, #tpu.memory_space<vmem>> -> memref<128xf32, #tpu.memory_space<vmem>>
    %dma_start3A_425 = arith.constant 0 : i32
    %dma_start3A_426 = tpu.memref_slice %arg7[%dma_start3A_422, %dma_start3A_425] : memref<49x128xi32, #tpu.memory_space<vmem>> -> memref<1x128xi32, #tpu.memory_space<vmem>>
    %dma_start3A_427 = tpu.memref_squeeze %dma_start3A_426 : memref<1x128xi32, #tpu.memory_space<vmem>> -> memref<128xi32, #tpu.memory_space<vmem>>
    %dma_start3A_428 = arith.constant 0 : i32
    %dma_start3A_429 = tpu.memref_slice %arg10[%dma_start3A_428] : memref<1049600xf32, #tpu.memory_space<vmem_shared>> -> memref<1049600xf32, #tpu.memory_space<vmem_shared>>
    tpu.enqueue_indirect_dma source(%dma_start3A_424 : memref<128xf32, #tpu.memory_space<vmem>>) target(%dma_start3A_429 : memref<1049600xf32, #tpu.memory_space<vmem_shared>>) offsets(%dma_start3A_427 : memref<128xi32, #tpu.memory_space<vmem>>) semaphore(%arg13 : memref<!tpu.dma_semaphore, #tpu.memory_space<semaphore_mem>>) {add = true}
    %dma_start3A_430 = arith.constant 48 : i32
    %dma_start3A_431 = arith.constant 6144 : i32
    %dma_start3A_432 = tpu.memref_slice %arg6[%dma_start3A_431] : memref<6272xf32, #tpu.memory_space<vmem>> -> memref<128xf32, #tpu.memory_space<vmem>>
    %dma_start3A_433 = arith.constant 0 : i32
    %dma_start3A_434 = tpu.memref_slice %arg7[%dma_start3A_430, %dma_start3A_433] : memref<49x128xi32, #tpu.memory_space<vmem>> -> memref<1x128xi32, #tpu.memory_space<vmem>>
    %dma_start3A_435 = tpu.memref_squeeze %dma_start3A_434 : memref<1x128xi32, #tpu.memory_space<vmem>> -> memref<128xi32, #tpu.memory_space<vmem>>
    %dma_start3A_436 = arith.constant 0 : i32
    %dma_start3A_437 = tpu.memref_slice %arg10[%dma_start3A_436] : memref<1049600xf32, #tpu.memory_space<vmem_shared>> -> memref<1049600xf32, #tpu.memory_space<vmem_shared>>
    tpu.enqueue_indirect_dma source(%dma_start3A_432 : memref<128xf32, #tpu.memory_space<vmem>>) target(%dma_start3A_437 : memref<1049600xf32, #tpu.memory_space<vmem_shared>>) offsets(%dma_start3A_435 : memref<128xi32, #tpu.memory_space<vmem>>) semaphore(%arg13 : memref<!tpu.dma_semaphore, #tpu.memory_space<semaphore_mem>>) {add = true}
    %dma_wait3A_438 = arith.constant 0 : i32
    %dma_wait3A_439 = arith.constant 0 : i32
    %dma_wait3A_440 = tpu.memref_slice %arg6[%dma_wait3A_439] : memref<6272xf32, #tpu.memory_space<vmem>> -> memref<128xf32, #tpu.memory_space<vmem>>
    %dma_wait3A_441 = arith.constant 0 : i32
    %dma_wait3A_442 = tpu.memref_slice %arg7[%dma_wait3A_438, %dma_wait3A_441] : memref<49x128xi32, #tpu.memory_space<vmem>> -> memref<1x128xi32, #tpu.memory_space<vmem>>
    %dma_wait3A_443 = tpu.memref_squeeze %dma_wait3A_442 : memref<1x128xi32, #tpu.memory_space<vmem>> -> memref<128xi32, #tpu.memory_space<vmem>>
    %dma_wait3A_444 = arith.constant 0 : i32
    %dma_wait3A_445 = tpu.memref_slice %arg10[%dma_wait3A_444] : memref<1049600xf32, #tpu.memory_space<vmem_shared>> -> memref<1049600xf32, #tpu.memory_space<vmem_shared>>
    tpu.wait_indirect_dma semaphore(%arg13 : memref<!tpu.dma_semaphore, #tpu.memory_space<semaphore_mem>>) src(%dma_wait3A_440 : memref<128xf32, #tpu.memory_space<vmem>>) dst(%dma_wait3A_445 : memref<1049600xf32, #tpu.memory_space<vmem_shared>>)
    %dma_wait3A_446 = arith.constant 1 : i32
    %dma_wait3A_447 = arith.constant 128 : i32
    %dma_wait3A_448 = tpu.memref_slice %arg6[%dma_wait3A_447] : memref<6272xf32, #tpu.memory_space<vmem>> -> memref<128xf32, #tpu.memory_space<vmem>>
    %dma_wait3A_449 = arith.constant 0 : i32
    %dma_wait3A_450 = tpu.memref_slice %arg7[%dma_wait3A_446, %dma_wait3A_449] : memref<49x128xi32, #tpu.memory_space<vmem>> -> memref<1x128xi32, #tpu.memory_space<vmem>>
    %dma_wait3A_451 = tpu.memref_squeeze %dma_wait3A_450 : memref<1x128xi32, #tpu.memory_space<vmem>> -> memref<128xi32, #tpu.memory_space<vmem>>
    %dma_wait3A_452 = arith.constant 0 : i32
    %dma_wait3A_453 = tpu.memref_slice %arg10[%dma_wait3A_452] : memref<1049600xf32, #tpu.memory_space<vmem_shared>> -> memref<1049600xf32, #tpu.memory_space<vmem_shared>>
    tpu.wait_indirect_dma semaphore(%arg13 : memref<!tpu.dma_semaphore, #tpu.memory_space<semaphore_mem>>) src(%dma_wait3A_448 : memref<128xf32, #tpu.memory_space<vmem>>) dst(%dma_wait3A_453 : memref<1049600xf32, #tpu.memory_space<vmem_shared>>)
    %dma_wait3A_454 = arith.constant 2 : i32
    %dma_wait3A_455 = arith.constant 256 : i32
    %dma_wait3A_456 = tpu.memref_slice %arg6[%dma_wait3A_455] : memref<6272xf32, #tpu.memory_space<vmem>> -> memref<128xf32, #tpu.memory_space<vmem>>
    %dma_wait3A_457 = arith.constant 0 : i32
    %dma_wait3A_458 = tpu.memref_slice %arg7[%dma_wait3A_454, %dma_wait3A_457] : memref<49x128xi32, #tpu.memory_space<vmem>> -> memref<1x128xi32, #tpu.memory_space<vmem>>
    %dma_wait3A_459 = tpu.memref_squeeze %dma_wait3A_458 : memref<1x128xi32, #tpu.memory_space<vmem>> -> memref<128xi32, #tpu.memory_space<vmem>>
    %dma_wait3A_460 = arith.constant 0 : i32
    %dma_wait3A_461 = tpu.memref_slice %arg10[%dma_wait3A_460] : memref<1049600xf32, #tpu.memory_space<vmem_shared>> -> memref<1049600xf32, #tpu.memory_space<vmem_shared>>
    tpu.wait_indirect_dma semaphore(%arg13 : memref<!tpu.dma_semaphore, #tpu.memory_space<semaphore_mem>>) src(%dma_wait3A_456 : memref<128xf32, #tpu.memory_space<vmem>>) dst(%dma_wait3A_461 : memref<1049600xf32, #tpu.memory_space<vmem_shared>>)
    %dma_wait3A_462 = arith.constant 3 : i32
    %dma_wait3A_463 = arith.constant 384 : i32
    %dma_wait3A_464 = tpu.memref_slice %arg6[%dma_wait3A_463] : memref<6272xf32, #tpu.memory_space<vmem>> -> memref<128xf32, #tpu.memory_space<vmem>>
    %dma_wait3A_465 = arith.constant 0 : i32
    %dma_wait3A_466 = tpu.memref_slice %arg7[%dma_wait3A_462, %dma_wait3A_465] : memref<49x128xi32, #tpu.memory_space<vmem>> -> memref<1x128xi32, #tpu.memory_space<vmem>>
    %dma_wait3A_467 = tpu.memref_squeeze %dma_wait3A_466 : memref<1x128xi32, #tpu.memory_space<vmem>> -> memref<128xi32, #tpu.memory_space<vmem>>
    %dma_wait3A_468 = arith.constant 0 : i32
    %dma_wait3A_469 = tpu.memref_slice %arg10[%dma_wait3A_468] : memref<1049600xf32, #tpu.memory_space<vmem_shared>> -> memref<1049600xf32, #tpu.memory_space<vmem_shared>>
    tpu.wait_indirect_dma semaphore(%arg13 : memref<!tpu.dma_semaphore, #tpu.memory_space<semaphore_mem>>) src(%dma_wait3A_464 : memref<128xf32, #tpu.memory_space<vmem>>) dst(%dma_wait3A_469 : memref<1049600xf32, #tpu.memory_space<vmem_shared>>)
    %dma_wait3A_470 = arith.constant 4 : i32
    %dma_wait3A_471 = arith.constant 512 : i32
    %dma_wait3A_472 = tpu.memref_slice %arg6[%dma_wait3A_471] : memref<6272xf32, #tpu.memory_space<vmem>> -> memref<128xf32, #tpu.memory_space<vmem>>
    %dma_wait3A_473 = arith.constant 0 : i32
    %dma_wait3A_474 = tpu.memref_slice %arg7[%dma_wait3A_470, %dma_wait3A_473] : memref<49x128xi32, #tpu.memory_space<vmem>> -> memref<1x128xi32, #tpu.memory_space<vmem>>
    %dma_wait3A_475 = tpu.memref_squeeze %dma_wait3A_474 : memref<1x128xi32, #tpu.memory_space<vmem>> -> memref<128xi32, #tpu.memory_space<vmem>>
    %dma_wait3A_476 = arith.constant 0 : i32
    %dma_wait3A_477 = tpu.memref_slice %arg10[%dma_wait3A_476] : memref<1049600xf32, #tpu.memory_space<vmem_shared>> -> memref<1049600xf32, #tpu.memory_space<vmem_shared>>
    tpu.wait_indirect_dma semaphore(%arg13 : memref<!tpu.dma_semaphore, #tpu.memory_space<semaphore_mem>>) src(%dma_wait3A_472 : memref<128xf32, #tpu.memory_space<vmem>>) dst(%dma_wait3A_477 : memref<1049600xf32, #tpu.memory_space<vmem_shared>>)
    %dma_wait3A_478 = arith.constant 5 : i32
    %dma_wait3A_479 = arith.constant 640 : i32
    %dma_wait3A_480 = tpu.memref_slice %arg6[%dma_wait3A_479] : memref<6272xf32, #tpu.memory_space<vmem>> -> memref<128xf32, #tpu.memory_space<vmem>>
    %dma_wait3A_481 = arith.constant 0 : i32
    %dma_wait3A_482 = tpu.memref_slice %arg7[%dma_wait3A_478, %dma_wait3A_481] : memref<49x128xi32, #tpu.memory_space<vmem>> -> memref<1x128xi32, #tpu.memory_space<vmem>>
    %dma_wait3A_483 = tpu.memref_squeeze %dma_wait3A_482 : memref<1x128xi32, #tpu.memory_space<vmem>> -> memref<128xi32, #tpu.memory_space<vmem>>
    %dma_wait3A_484 = arith.constant 0 : i32
    %dma_wait3A_485 = tpu.memref_slice %arg10[%dma_wait3A_484] : memref<1049600xf32, #tpu.memory_space<vmem_shared>> -> memref<1049600xf32, #tpu.memory_space<vmem_shared>>
    tpu.wait_indirect_dma semaphore(%arg13 : memref<!tpu.dma_semaphore, #tpu.memory_space<semaphore_mem>>) src(%dma_wait3A_480 : memref<128xf32, #tpu.memory_space<vmem>>) dst(%dma_wait3A_485 : memref<1049600xf32, #tpu.memory_space<vmem_shared>>)
    %dma_wait3A_486 = arith.constant 6 : i32
    %dma_wait3A_487 = arith.constant 768 : i32
    %dma_wait3A_488 = tpu.memref_slice %arg6[%dma_wait3A_487] : memref<6272xf32, #tpu.memory_space<vmem>> -> memref<128xf32, #tpu.memory_space<vmem>>
    %dma_wait3A_489 = arith.constant 0 : i32
    %dma_wait3A_490 = tpu.memref_slice %arg7[%dma_wait3A_486, %dma_wait3A_489] : memref<49x128xi32, #tpu.memory_space<vmem>> -> memref<1x128xi32, #tpu.memory_space<vmem>>
    %dma_wait3A_491 = tpu.memref_squeeze %dma_wait3A_490 : memref<1x128xi32, #tpu.memory_space<vmem>> -> memref<128xi32, #tpu.memory_space<vmem>>
    %dma_wait3A_492 = arith.constant 0 : i32
    %dma_wait3A_493 = tpu.memref_slice %arg10[%dma_wait3A_492] : memref<1049600xf32, #tpu.memory_space<vmem_shared>> -> memref<1049600xf32, #tpu.memory_space<vmem_shared>>
    tpu.wait_indirect_dma semaphore(%arg13 : memref<!tpu.dma_semaphore, #tpu.memory_space<semaphore_mem>>) src(%dma_wait3A_488 : memref<128xf32, #tpu.memory_space<vmem>>) dst(%dma_wait3A_493 : memref<1049600xf32, #tpu.memory_space<vmem_shared>>)
    %dma_wait3A_494 = arith.constant 7 : i32
    %dma_wait3A_495 = arith.constant 896 : i32
    %dma_wait3A_496 = tpu.memref_slice %arg6[%dma_wait3A_495] : memref<6272xf32, #tpu.memory_space<vmem>> -> memref<128xf32, #tpu.memory_space<vmem>>
    %dma_wait3A_497 = arith.constant 0 : i32
    %dma_wait3A_498 = tpu.memref_slice %arg7[%dma_wait3A_494, %dma_wait3A_497] : memref<49x128xi32, #tpu.memory_space<vmem>> -> memref<1x128xi32, #tpu.memory_space<vmem>>
    %dma_wait3A_499 = tpu.memref_squeeze %dma_wait3A_498 : memref<1x128xi32, #tpu.memory_space<vmem>> -> memref<128xi32, #tpu.memory_space<vmem>>
    %dma_wait3A_500 = arith.constant 0 : i32
    %dma_wait3A_501 = tpu.memref_slice %arg10[%dma_wait3A_500] : memref<1049600xf32, #tpu.memory_space<vmem_shared>> -> memref<1049600xf32, #tpu.memory_space<vmem_shared>>
    tpu.wait_indirect_dma semaphore(%arg13 : memref<!tpu.dma_semaphore, #tpu.memory_space<semaphore_mem>>) src(%dma_wait3A_496 : memref<128xf32, #tpu.memory_space<vmem>>) dst(%dma_wait3A_501 : memref<1049600xf32, #tpu.memory_space<vmem_shared>>)
    %dma_wait3A_502 = arith.constant 8 : i32
    %dma_wait3A_503 = arith.constant 1024 : i32
    %dma_wait3A_504 = tpu.memref_slice %arg6[%dma_wait3A_503] : memref<6272xf32, #tpu.memory_space<vmem>> -> memref<128xf32, #tpu.memory_space<vmem>>
    %dma_wait3A_505 = arith.constant 0 : i32
    %dma_wait3A_506 = tpu.memref_slice %arg7[%dma_wait3A_502, %dma_wait3A_505] : memref<49x128xi32, #tpu.memory_space<vmem>> -> memref<1x128xi32, #tpu.memory_space<vmem>>
    %dma_wait3A_507 = tpu.memref_squeeze %dma_wait3A_506 : memref<1x128xi32, #tpu.memory_space<vmem>> -> memref<128xi32, #tpu.memory_space<vmem>>
    %dma_wait3A_508 = arith.constant 0 : i32
    %dma_wait3A_509 = tpu.memref_slice %arg10[%dma_wait3A_508] : memref<1049600xf32, #tpu.memory_space<vmem_shared>> -> memref<1049600xf32, #tpu.memory_space<vmem_shared>>
    tpu.wait_indirect_dma semaphore(%arg13 : memref<!tpu.dma_semaphore, #tpu.memory_space<semaphore_mem>>) src(%dma_wait3A_504 : memref<128xf32, #tpu.memory_space<vmem>>) dst(%dma_wait3A_509 : memref<1049600xf32, #tpu.memory_space<vmem_shared>>)
    %dma_wait3A_510 = arith.constant 9 : i32
    %dma_wait3A_511 = arith.constant 1152 : i32
    %dma_wait3A_512 = tpu.memref_slice %arg6[%dma_wait3A_511] : memref<6272xf32, #tpu.memory_space<vmem>> -> memref<128xf32, #tpu.memory_space<vmem>>
    %dma_wait3A_513 = arith.constant 0 : i32
    %dma_wait3A_514 = tpu.memref_slice %arg7[%dma_wait3A_510, %dma_wait3A_513] : memref<49x128xi32, #tpu.memory_space<vmem>> -> memref<1x128xi32, #tpu.memory_space<vmem>>
    %dma_wait3A_515 = tpu.memref_squeeze %dma_wait3A_514 : memref<1x128xi32, #tpu.memory_space<vmem>> -> memref<128xi32, #tpu.memory_space<vmem>>
    %dma_wait3A_516 = arith.constant 0 : i32
    %dma_wait3A_517 = tpu.memref_slice %arg10[%dma_wait3A_516] : memref<1049600xf32, #tpu.memory_space<vmem_shared>> -> memref<1049600xf32, #tpu.memory_space<vmem_shared>>
    tpu.wait_indirect_dma semaphore(%arg13 : memref<!tpu.dma_semaphore, #tpu.memory_space<semaphore_mem>>) src(%dma_wait3A_512 : memref<128xf32, #tpu.memory_space<vmem>>) dst(%dma_wait3A_517 : memref<1049600xf32, #tpu.memory_space<vmem_shared>>)
    %dma_wait3A_518 = arith.constant 10 : i32
    %dma_wait3A_519 = arith.constant 1280 : i32
    %dma_wait3A_520 = tpu.memref_slice %arg6[%dma_wait3A_519] : memref<6272xf32, #tpu.memory_space<vmem>> -> memref<128xf32, #tpu.memory_space<vmem>>
    %dma_wait3A_521 = arith.constant 0 : i32
    %dma_wait3A_522 = tpu.memref_slice %arg7[%dma_wait3A_518, %dma_wait3A_521] : memref<49x128xi32, #tpu.memory_space<vmem>> -> memref<1x128xi32, #tpu.memory_space<vmem>>
    %dma_wait3A_523 = tpu.memref_squeeze %dma_wait3A_522 : memref<1x128xi32, #tpu.memory_space<vmem>> -> memref<128xi32, #tpu.memory_space<vmem>>
    %dma_wait3A_524 = arith.constant 0 : i32
    %dma_wait3A_525 = tpu.memref_slice %arg10[%dma_wait3A_524] : memref<1049600xf32, #tpu.memory_space<vmem_shared>> -> memref<1049600xf32, #tpu.memory_space<vmem_shared>>
    tpu.wait_indirect_dma semaphore(%arg13 : memref<!tpu.dma_semaphore, #tpu.memory_space<semaphore_mem>>) src(%dma_wait3A_520 : memref<128xf32, #tpu.memory_space<vmem>>) dst(%dma_wait3A_525 : memref<1049600xf32, #tpu.memory_space<vmem_shared>>)
    %dma_wait3A_526 = arith.constant 11 : i32
    %dma_wait3A_527 = arith.constant 1408 : i32
    %dma_wait3A_528 = tpu.memref_slice %arg6[%dma_wait3A_527] : memref<6272xf32, #tpu.memory_space<vmem>> -> memref<128xf32, #tpu.memory_space<vmem>>
    %dma_wait3A_529 = arith.constant 0 : i32
    %dma_wait3A_530 = tpu.memref_slice %arg7[%dma_wait3A_526, %dma_wait3A_529] : memref<49x128xi32, #tpu.memory_space<vmem>> -> memref<1x128xi32, #tpu.memory_space<vmem>>
    %dma_wait3A_531 = tpu.memref_squeeze %dma_wait3A_530 : memref<1x128xi32, #tpu.memory_space<vmem>> -> memref<128xi32, #tpu.memory_space<vmem>>
    %dma_wait3A_532 = arith.constant 0 : i32
    %dma_wait3A_533 = tpu.memref_slice %arg10[%dma_wait3A_532] : memref<1049600xf32, #tpu.memory_space<vmem_shared>> -> memref<1049600xf32, #tpu.memory_space<vmem_shared>>
    tpu.wait_indirect_dma semaphore(%arg13 : memref<!tpu.dma_semaphore, #tpu.memory_space<semaphore_mem>>) src(%dma_wait3A_528 : memref<128xf32, #tpu.memory_space<vmem>>) dst(%dma_wait3A_533 : memref<1049600xf32, #tpu.memory_space<vmem_shared>>)
    %dma_wait3A_534 = arith.constant 12 : i32
    %dma_wait3A_535 = arith.constant 1536 : i32
    %dma_wait3A_536 = tpu.memref_slice %arg6[%dma_wait3A_535] : memref<6272xf32, #tpu.memory_space<vmem>> -> memref<128xf32, #tpu.memory_space<vmem>>
    %dma_wait3A_537 = arith.constant 0 : i32
    %dma_wait3A_538 = tpu.memref_slice %arg7[%dma_wait3A_534, %dma_wait3A_537] : memref<49x128xi32, #tpu.memory_space<vmem>> -> memref<1x128xi32, #tpu.memory_space<vmem>>
    %dma_wait3A_539 = tpu.memref_squeeze %dma_wait3A_538 : memref<1x128xi32, #tpu.memory_space<vmem>> -> memref<128xi32, #tpu.memory_space<vmem>>
    %dma_wait3A_540 = arith.constant 0 : i32
    %dma_wait3A_541 = tpu.memref_slice %arg10[%dma_wait3A_540] : memref<1049600xf32, #tpu.memory_space<vmem_shared>> -> memref<1049600xf32, #tpu.memory_space<vmem_shared>>
    tpu.wait_indirect_dma semaphore(%arg13 : memref<!tpu.dma_semaphore, #tpu.memory_space<semaphore_mem>>) src(%dma_wait3A_536 : memref<128xf32, #tpu.memory_space<vmem>>) dst(%dma_wait3A_541 : memref<1049600xf32, #tpu.memory_space<vmem_shared>>)
    %dma_wait3A_542 = arith.constant 13 : i32
    %dma_wait3A_543 = arith.constant 1664 : i32
    %dma_wait3A_544 = tpu.memref_slice %arg6[%dma_wait3A_543] : memref<6272xf32, #tpu.memory_space<vmem>> -> memref<128xf32, #tpu.memory_space<vmem>>
    %dma_wait3A_545 = arith.constant 0 : i32
    %dma_wait3A_546 = tpu.memref_slice %arg7[%dma_wait3A_542, %dma_wait3A_545] : memref<49x128xi32, #tpu.memory_space<vmem>> -> memref<1x128xi32, #tpu.memory_space<vmem>>
    %dma_wait3A_547 = tpu.memref_squeeze %dma_wait3A_546 : memref<1x128xi32, #tpu.memory_space<vmem>> -> memref<128xi32, #tpu.memory_space<vmem>>
    %dma_wait3A_548 = arith.constant 0 : i32
    %dma_wait3A_549 = tpu.memref_slice %arg10[%dma_wait3A_548] : memref<1049600xf32, #tpu.memory_space<vmem_shared>> -> memref<1049600xf32, #tpu.memory_space<vmem_shared>>
    tpu.wait_indirect_dma semaphore(%arg13 : memref<!tpu.dma_semaphore, #tpu.memory_space<semaphore_mem>>) src(%dma_wait3A_544 : memref<128xf32, #tpu.memory_space<vmem>>) dst(%dma_wait3A_549 : memref<1049600xf32, #tpu.memory_space<vmem_shared>>)
    %dma_wait3A_550 = arith.constant 14 : i32
    %dma_wait3A_551 = arith.constant 1792 : i32
    %dma_wait3A_552 = tpu.memref_slice %arg6[%dma_wait3A_551] : memref<6272xf32, #tpu.memory_space<vmem>> -> memref<128xf32, #tpu.memory_space<vmem>>
    %dma_wait3A_553 = arith.constant 0 : i32
    %dma_wait3A_554 = tpu.memref_slice %arg7[%dma_wait3A_550, %dma_wait3A_553] : memref<49x128xi32, #tpu.memory_space<vmem>> -> memref<1x128xi32, #tpu.memory_space<vmem>>
    %dma_wait3A_555 = tpu.memref_squeeze %dma_wait3A_554 : memref<1x128xi32, #tpu.memory_space<vmem>> -> memref<128xi32, #tpu.memory_space<vmem>>
    %dma_wait3A_556 = arith.constant 0 : i32
    %dma_wait3A_557 = tpu.memref_slice %arg10[%dma_wait3A_556] : memref<1049600xf32, #tpu.memory_space<vmem_shared>> -> memref<1049600xf32, #tpu.memory_space<vmem_shared>>
    tpu.wait_indirect_dma semaphore(%arg13 : memref<!tpu.dma_semaphore, #tpu.memory_space<semaphore_mem>>) src(%dma_wait3A_552 : memref<128xf32, #tpu.memory_space<vmem>>) dst(%dma_wait3A_557 : memref<1049600xf32, #tpu.memory_space<vmem_shared>>)
    %dma_wait3A_558 = arith.constant 15 : i32
    %dma_wait3A_559 = arith.constant 1920 : i32
    %dma_wait3A_560 = tpu.memref_slice %arg6[%dma_wait3A_559] : memref<6272xf32, #tpu.memory_space<vmem>> -> memref<128xf32, #tpu.memory_space<vmem>>
    %dma_wait3A_561 = arith.constant 0 : i32
    %dma_wait3A_562 = tpu.memref_slice %arg7[%dma_wait3A_558, %dma_wait3A_561] : memref<49x128xi32, #tpu.memory_space<vmem>> -> memref<1x128xi32, #tpu.memory_space<vmem>>
    %dma_wait3A_563 = tpu.memref_squeeze %dma_wait3A_562 : memref<1x128xi32, #tpu.memory_space<vmem>> -> memref<128xi32, #tpu.memory_space<vmem>>
    %dma_wait3A_564 = arith.constant 0 : i32
    %dma_wait3A_565 = tpu.memref_slice %arg10[%dma_wait3A_564] : memref<1049600xf32, #tpu.memory_space<vmem_shared>> -> memref<1049600xf32, #tpu.memory_space<vmem_shared>>
    tpu.wait_indirect_dma semaphore(%arg13 : memref<!tpu.dma_semaphore, #tpu.memory_space<semaphore_mem>>) src(%dma_wait3A_560 : memref<128xf32, #tpu.memory_space<vmem>>) dst(%dma_wait3A_565 : memref<1049600xf32, #tpu.memory_space<vmem_shared>>)
    %dma_wait3A_566 = arith.constant 16 : i32
    %dma_wait3A_567 = arith.constant 2048 : i32
    %dma_wait3A_568 = tpu.memref_slice %arg6[%dma_wait3A_567] : memref<6272xf32, #tpu.memory_space<vmem>> -> memref<128xf32, #tpu.memory_space<vmem>>
    %dma_wait3A_569 = arith.constant 0 : i32
    %dma_wait3A_570 = tpu.memref_slice %arg7[%dma_wait3A_566, %dma_wait3A_569] : memref<49x128xi32, #tpu.memory_space<vmem>> -> memref<1x128xi32, #tpu.memory_space<vmem>>
    %dma_wait3A_571 = tpu.memref_squeeze %dma_wait3A_570 : memref<1x128xi32, #tpu.memory_space<vmem>> -> memref<128xi32, #tpu.memory_space<vmem>>
    %dma_wait3A_572 = arith.constant 0 : i32
    %dma_wait3A_573 = tpu.memref_slice %arg10[%dma_wait3A_572] : memref<1049600xf32, #tpu.memory_space<vmem_shared>> -> memref<1049600xf32, #tpu.memory_space<vmem_shared>>
    tpu.wait_indirect_dma semaphore(%arg13 : memref<!tpu.dma_semaphore, #tpu.memory_space<semaphore_mem>>) src(%dma_wait3A_568 : memref<128xf32, #tpu.memory_space<vmem>>) dst(%dma_wait3A_573 : memref<1049600xf32, #tpu.memory_space<vmem_shared>>)
    %dma_wait3A_574 = arith.constant 17 : i32
    %dma_wait3A_575 = arith.constant 2176 : i32
    %dma_wait3A_576 = tpu.memref_slice %arg6[%dma_wait3A_575] : memref<6272xf32, #tpu.memory_space<vmem>> -> memref<128xf32, #tpu.memory_space<vmem>>
    %dma_wait3A_577 = arith.constant 0 : i32
    %dma_wait3A_578 = tpu.memref_slice %arg7[%dma_wait3A_574, %dma_wait3A_577] : memref<49x128xi32, #tpu.memory_space<vmem>> -> memref<1x128xi32, #tpu.memory_space<vmem>>
    %dma_wait3A_579 = tpu.memref_squeeze %dma_wait3A_578 : memref<1x128xi32, #tpu.memory_space<vmem>> -> memref<128xi32, #tpu.memory_space<vmem>>
    %dma_wait3A_580 = arith.constant 0 : i32
    %dma_wait3A_581 = tpu.memref_slice %arg10[%dma_wait3A_580] : memref<1049600xf32, #tpu.memory_space<vmem_shared>> -> memref<1049600xf32, #tpu.memory_space<vmem_shared>>
    tpu.wait_indirect_dma semaphore(%arg13 : memref<!tpu.dma_semaphore, #tpu.memory_space<semaphore_mem>>) src(%dma_wait3A_576 : memref<128xf32, #tpu.memory_space<vmem>>) dst(%dma_wait3A_581 : memref<1049600xf32, #tpu.memory_space<vmem_shared>>)
    %dma_wait3A_582 = arith.constant 18 : i32
    %dma_wait3A_583 = arith.constant 2304 : i32
    %dma_wait3A_584 = tpu.memref_slice %arg6[%dma_wait3A_583] : memref<6272xf32, #tpu.memory_space<vmem>> -> memref<128xf32, #tpu.memory_space<vmem>>
    %dma_wait3A_585 = arith.constant 0 : i32
    %dma_wait3A_586 = tpu.memref_slice %arg7[%dma_wait3A_582, %dma_wait3A_585] : memref<49x128xi32, #tpu.memory_space<vmem>> -> memref<1x128xi32, #tpu.memory_space<vmem>>
    %dma_wait3A_587 = tpu.memref_squeeze %dma_wait3A_586 : memref<1x128xi32, #tpu.memory_space<vmem>> -> memref<128xi32, #tpu.memory_space<vmem>>
    %dma_wait3A_588 = arith.constant 0 : i32
    %dma_wait3A_589 = tpu.memref_slice %arg10[%dma_wait3A_588] : memref<1049600xf32, #tpu.memory_space<vmem_shared>> -> memref<1049600xf32, #tpu.memory_space<vmem_shared>>
    tpu.wait_indirect_dma semaphore(%arg13 : memref<!tpu.dma_semaphore, #tpu.memory_space<semaphore_mem>>) src(%dma_wait3A_584 : memref<128xf32, #tpu.memory_space<vmem>>) dst(%dma_wait3A_589 : memref<1049600xf32, #tpu.memory_space<vmem_shared>>)
    %dma_wait3A_590 = arith.constant 19 : i32
    %dma_wait3A_591 = arith.constant 2432 : i32
    %dma_wait3A_592 = tpu.memref_slice %arg6[%dma_wait3A_591] : memref<6272xf32, #tpu.memory_space<vmem>> -> memref<128xf32, #tpu.memory_space<vmem>>
    %dma_wait3A_593 = arith.constant 0 : i32
    %dma_wait3A_594 = tpu.memref_slice %arg7[%dma_wait3A_590, %dma_wait3A_593] : memref<49x128xi32, #tpu.memory_space<vmem>> -> memref<1x128xi32, #tpu.memory_space<vmem>>
    %dma_wait3A_595 = tpu.memref_squeeze %dma_wait3A_594 : memref<1x128xi32, #tpu.memory_space<vmem>> -> memref<128xi32, #tpu.memory_space<vmem>>
    %dma_wait3A_596 = arith.constant 0 : i32
    %dma_wait3A_597 = tpu.memref_slice %arg10[%dma_wait3A_596] : memref<1049600xf32, #tpu.memory_space<vmem_shared>> -> memref<1049600xf32, #tpu.memory_space<vmem_shared>>
    tpu.wait_indirect_dma semaphore(%arg13 : memref<!tpu.dma_semaphore, #tpu.memory_space<semaphore_mem>>) src(%dma_wait3A_592 : memref<128xf32, #tpu.memory_space<vmem>>) dst(%dma_wait3A_597 : memref<1049600xf32, #tpu.memory_space<vmem_shared>>)
    %dma_wait3A_598 = arith.constant 20 : i32
    %dma_wait3A_599 = arith.constant 2560 : i32
    %dma_wait3A_600 = tpu.memref_slice %arg6[%dma_wait3A_599] : memref<6272xf32, #tpu.memory_space<vmem>> -> memref<128xf32, #tpu.memory_space<vmem>>
    %dma_wait3A_601 = arith.constant 0 : i32
    %dma_wait3A_602 = tpu.memref_slice %arg7[%dma_wait3A_598, %dma_wait3A_601] : memref<49x128xi32, #tpu.memory_space<vmem>> -> memref<1x128xi32, #tpu.memory_space<vmem>>
    %dma_wait3A_603 = tpu.memref_squeeze %dma_wait3A_602 : memref<1x128xi32, #tpu.memory_space<vmem>> -> memref<128xi32, #tpu.memory_space<vmem>>
    %dma_wait3A_604 = arith.constant 0 : i32
    %dma_wait3A_605 = tpu.memref_slice %arg10[%dma_wait3A_604] : memref<1049600xf32, #tpu.memory_space<vmem_shared>> -> memref<1049600xf32, #tpu.memory_space<vmem_shared>>
    tpu.wait_indirect_dma semaphore(%arg13 : memref<!tpu.dma_semaphore, #tpu.memory_space<semaphore_mem>>) src(%dma_wait3A_600 : memref<128xf32, #tpu.memory_space<vmem>>) dst(%dma_wait3A_605 : memref<1049600xf32, #tpu.memory_space<vmem_shared>>)
    %dma_wait3A_606 = arith.constant 21 : i32
    %dma_wait3A_607 = arith.constant 2688 : i32
    %dma_wait3A_608 = tpu.memref_slice %arg6[%dma_wait3A_607] : memref<6272xf32, #tpu.memory_space<vmem>> -> memref<128xf32, #tpu.memory_space<vmem>>
    %dma_wait3A_609 = arith.constant 0 : i32
    %dma_wait3A_610 = tpu.memref_slice %arg7[%dma_wait3A_606, %dma_wait3A_609] : memref<49x128xi32, #tpu.memory_space<vmem>> -> memref<1x128xi32, #tpu.memory_space<vmem>>
    %dma_wait3A_611 = tpu.memref_squeeze %dma_wait3A_610 : memref<1x128xi32, #tpu.memory_space<vmem>> -> memref<128xi32, #tpu.memory_space<vmem>>
    %dma_wait3A_612 = arith.constant 0 : i32
    %dma_wait3A_613 = tpu.memref_slice %arg10[%dma_wait3A_612] : memref<1049600xf32, #tpu.memory_space<vmem_shared>> -> memref<1049600xf32, #tpu.memory_space<vmem_shared>>
    tpu.wait_indirect_dma semaphore(%arg13 : memref<!tpu.dma_semaphore, #tpu.memory_space<semaphore_mem>>) src(%dma_wait3A_608 : memref<128xf32, #tpu.memory_space<vmem>>) dst(%dma_wait3A_613 : memref<1049600xf32, #tpu.memory_space<vmem_shared>>)
    %dma_wait3A_614 = arith.constant 22 : i32
    %dma_wait3A_615 = arith.constant 2816 : i32
    %dma_wait3A_616 = tpu.memref_slice %arg6[%dma_wait3A_615] : memref<6272xf32, #tpu.memory_space<vmem>> -> memref<128xf32, #tpu.memory_space<vmem>>
    %dma_wait3A_617 = arith.constant 0 : i32
    %dma_wait3A_618 = tpu.memref_slice %arg7[%dma_wait3A_614, %dma_wait3A_617] : memref<49x128xi32, #tpu.memory_space<vmem>> -> memref<1x128xi32, #tpu.memory_space<vmem>>
    %dma_wait3A_619 = tpu.memref_squeeze %dma_wait3A_618 : memref<1x128xi32, #tpu.memory_space<vmem>> -> memref<128xi32, #tpu.memory_space<vmem>>
    %dma_wait3A_620 = arith.constant 0 : i32
    %dma_wait3A_621 = tpu.memref_slice %arg10[%dma_wait3A_620] : memref<1049600xf32, #tpu.memory_space<vmem_shared>> -> memref<1049600xf32, #tpu.memory_space<vmem_shared>>
    tpu.wait_indirect_dma semaphore(%arg13 : memref<!tpu.dma_semaphore, #tpu.memory_space<semaphore_mem>>) src(%dma_wait3A_616 : memref<128xf32, #tpu.memory_space<vmem>>) dst(%dma_wait3A_621 : memref<1049600xf32, #tpu.memory_space<vmem_shared>>)
    %dma_wait3A_622 = arith.constant 23 : i32
    %dma_wait3A_623 = arith.constant 2944 : i32
    %dma_wait3A_624 = tpu.memref_slice %arg6[%dma_wait3A_623] : memref<6272xf32, #tpu.memory_space<vmem>> -> memref<128xf32, #tpu.memory_space<vmem>>
    %dma_wait3A_625 = arith.constant 0 : i32
    %dma_wait3A_626 = tpu.memref_slice %arg7[%dma_wait3A_622, %dma_wait3A_625] : memref<49x128xi32, #tpu.memory_space<vmem>> -> memref<1x128xi32, #tpu.memory_space<vmem>>
    %dma_wait3A_627 = tpu.memref_squeeze %dma_wait3A_626 : memref<1x128xi32, #tpu.memory_space<vmem>> -> memref<128xi32, #tpu.memory_space<vmem>>
    %dma_wait3A_628 = arith.constant 0 : i32
    %dma_wait3A_629 = tpu.memref_slice %arg10[%dma_wait3A_628] : memref<1049600xf32, #tpu.memory_space<vmem_shared>> -> memref<1049600xf32, #tpu.memory_space<vmem_shared>>
    tpu.wait_indirect_dma semaphore(%arg13 : memref<!tpu.dma_semaphore, #tpu.memory_space<semaphore_mem>>) src(%dma_wait3A_624 : memref<128xf32, #tpu.memory_space<vmem>>) dst(%dma_wait3A_629 : memref<1049600xf32, #tpu.memory_space<vmem_shared>>)
    %dma_wait3A_630 = arith.constant 24 : i32
    %dma_wait3A_631 = arith.constant 3072 : i32
    %dma_wait3A_632 = tpu.memref_slice %arg6[%dma_wait3A_631] : memref<6272xf32, #tpu.memory_space<vmem>> -> memref<128xf32, #tpu.memory_space<vmem>>
    %dma_wait3A_633 = arith.constant 0 : i32
    %dma_wait3A_634 = tpu.memref_slice %arg7[%dma_wait3A_630, %dma_wait3A_633] : memref<49x128xi32, #tpu.memory_space<vmem>> -> memref<1x128xi32, #tpu.memory_space<vmem>>
    %dma_wait3A_635 = tpu.memref_squeeze %dma_wait3A_634 : memref<1x128xi32, #tpu.memory_space<vmem>> -> memref<128xi32, #tpu.memory_space<vmem>>
    %dma_wait3A_636 = arith.constant 0 : i32
    %dma_wait3A_637 = tpu.memref_slice %arg10[%dma_wait3A_636] : memref<1049600xf32, #tpu.memory_space<vmem_shared>> -> memref<1049600xf32, #tpu.memory_space<vmem_shared>>
    tpu.wait_indirect_dma semaphore(%arg13 : memref<!tpu.dma_semaphore, #tpu.memory_space<semaphore_mem>>) src(%dma_wait3A_632 : memref<128xf32, #tpu.memory_space<vmem>>) dst(%dma_wait3A_637 : memref<1049600xf32, #tpu.memory_space<vmem_shared>>)
    %dma_wait3A_638 = arith.constant 25 : i32
    %dma_wait3A_639 = arith.constant 3200 : i32
    %dma_wait3A_640 = tpu.memref_slice %arg6[%dma_wait3A_639] : memref<6272xf32, #tpu.memory_space<vmem>> -> memref<128xf32, #tpu.memory_space<vmem>>
    %dma_wait3A_641 = arith.constant 0 : i32
    %dma_wait3A_642 = tpu.memref_slice %arg7[%dma_wait3A_638, %dma_wait3A_641] : memref<49x128xi32, #tpu.memory_space<vmem>> -> memref<1x128xi32, #tpu.memory_space<vmem>>
    %dma_wait3A_643 = tpu.memref_squeeze %dma_wait3A_642 : memref<1x128xi32, #tpu.memory_space<vmem>> -> memref<128xi32, #tpu.memory_space<vmem>>
    %dma_wait3A_644 = arith.constant 0 : i32
    %dma_wait3A_645 = tpu.memref_slice %arg10[%dma_wait3A_644] : memref<1049600xf32, #tpu.memory_space<vmem_shared>> -> memref<1049600xf32, #tpu.memory_space<vmem_shared>>
    tpu.wait_indirect_dma semaphore(%arg13 : memref<!tpu.dma_semaphore, #tpu.memory_space<semaphore_mem>>) src(%dma_wait3A_640 : memref<128xf32, #tpu.memory_space<vmem>>) dst(%dma_wait3A_645 : memref<1049600xf32, #tpu.memory_space<vmem_shared>>)
    %dma_wait3A_646 = arith.constant 26 : i32
    %dma_wait3A_647 = arith.constant 3328 : i32
    %dma_wait3A_648 = tpu.memref_slice %arg6[%dma_wait3A_647] : memref<6272xf32, #tpu.memory_space<vmem>> -> memref<128xf32, #tpu.memory_space<vmem>>
    %dma_wait3A_649 = arith.constant 0 : i32
    %dma_wait3A_650 = tpu.memref_slice %arg7[%dma_wait3A_646, %dma_wait3A_649] : memref<49x128xi32, #tpu.memory_space<vmem>> -> memref<1x128xi32, #tpu.memory_space<vmem>>
    %dma_wait3A_651 = tpu.memref_squeeze %dma_wait3A_650 : memref<1x128xi32, #tpu.memory_space<vmem>> -> memref<128xi32, #tpu.memory_space<vmem>>
    %dma_wait3A_652 = arith.constant 0 : i32
    %dma_wait3A_653 = tpu.memref_slice %arg10[%dma_wait3A_652] : memref<1049600xf32, #tpu.memory_space<vmem_shared>> -> memref<1049600xf32, #tpu.memory_space<vmem_shared>>
    tpu.wait_indirect_dma semaphore(%arg13 : memref<!tpu.dma_semaphore, #tpu.memory_space<semaphore_mem>>) src(%dma_wait3A_648 : memref<128xf32, #tpu.memory_space<vmem>>) dst(%dma_wait3A_653 : memref<1049600xf32, #tpu.memory_space<vmem_shared>>)
    %dma_wait3A_654 = arith.constant 27 : i32
    %dma_wait3A_655 = arith.constant 3456 : i32
    %dma_wait3A_656 = tpu.memref_slice %arg6[%dma_wait3A_655] : memref<6272xf32, #tpu.memory_space<vmem>> -> memref<128xf32, #tpu.memory_space<vmem>>
    %dma_wait3A_657 = arith.constant 0 : i32
    %dma_wait3A_658 = tpu.memref_slice %arg7[%dma_wait3A_654, %dma_wait3A_657] : memref<49x128xi32, #tpu.memory_space<vmem>> -> memref<1x128xi32, #tpu.memory_space<vmem>>
    %dma_wait3A_659 = tpu.memref_squeeze %dma_wait3A_658 : memref<1x128xi32, #tpu.memory_space<vmem>> -> memref<128xi32, #tpu.memory_space<vmem>>
    %dma_wait3A_660 = arith.constant 0 : i32
    %dma_wait3A_661 = tpu.memref_slice %arg10[%dma_wait3A_660] : memref<1049600xf32, #tpu.memory_space<vmem_shared>> -> memref<1049600xf32, #tpu.memory_space<vmem_shared>>
    tpu.wait_indirect_dma semaphore(%arg13 : memref<!tpu.dma_semaphore, #tpu.memory_space<semaphore_mem>>) src(%dma_wait3A_656 : memref<128xf32, #tpu.memory_space<vmem>>) dst(%dma_wait3A_661 : memref<1049600xf32, #tpu.memory_space<vmem_shared>>)
    %dma_wait3A_662 = arith.constant 28 : i32
    %dma_wait3A_663 = arith.constant 3584 : i32
    %dma_wait3A_664 = tpu.memref_slice %arg6[%dma_wait3A_663] : memref<6272xf32, #tpu.memory_space<vmem>> -> memref<128xf32, #tpu.memory_space<vmem>>
    %dma_wait3A_665 = arith.constant 0 : i32
    %dma_wait3A_666 = tpu.memref_slice %arg7[%dma_wait3A_662, %dma_wait3A_665] : memref<49x128xi32, #tpu.memory_space<vmem>> -> memref<1x128xi32, #tpu.memory_space<vmem>>
    %dma_wait3A_667 = tpu.memref_squeeze %dma_wait3A_666 : memref<1x128xi32, #tpu.memory_space<vmem>> -> memref<128xi32, #tpu.memory_space<vmem>>
    %dma_wait3A_668 = arith.constant 0 : i32
    %dma_wait3A_669 = tpu.memref_slice %arg10[%dma_wait3A_668] : memref<1049600xf32, #tpu.memory_space<vmem_shared>> -> memref<1049600xf32, #tpu.memory_space<vmem_shared>>
    tpu.wait_indirect_dma semaphore(%arg13 : memref<!tpu.dma_semaphore, #tpu.memory_space<semaphore_mem>>) src(%dma_wait3A_664 : memref<128xf32, #tpu.memory_space<vmem>>) dst(%dma_wait3A_669 : memref<1049600xf32, #tpu.memory_space<vmem_shared>>)
    %dma_wait3A_670 = arith.constant 29 : i32
    %dma_wait3A_671 = arith.constant 3712 : i32
    %dma_wait3A_672 = tpu.memref_slice %arg6[%dma_wait3A_671] : memref<6272xf32, #tpu.memory_space<vmem>> -> memref<128xf32, #tpu.memory_space<vmem>>
    %dma_wait3A_673 = arith.constant 0 : i32
    %dma_wait3A_674 = tpu.memref_slice %arg7[%dma_wait3A_670, %dma_wait3A_673] : memref<49x128xi32, #tpu.memory_space<vmem>> -> memref<1x128xi32, #tpu.memory_space<vmem>>
    %dma_wait3A_675 = tpu.memref_squeeze %dma_wait3A_674 : memref<1x128xi32, #tpu.memory_space<vmem>> -> memref<128xi32, #tpu.memory_space<vmem>>
    %dma_wait3A_676 = arith.constant 0 : i32
    %dma_wait3A_677 = tpu.memref_slice %arg10[%dma_wait3A_676] : memref<1049600xf32, #tpu.memory_space<vmem_shared>> -> memref<1049600xf32, #tpu.memory_space<vmem_shared>>
    tpu.wait_indirect_dma semaphore(%arg13 : memref<!tpu.dma_semaphore, #tpu.memory_space<semaphore_mem>>) src(%dma_wait3A_672 : memref<128xf32, #tpu.memory_space<vmem>>) dst(%dma_wait3A_677 : memref<1049600xf32, #tpu.memory_space<vmem_shared>>)
    %dma_wait3A_678 = arith.constant 30 : i32
    %dma_wait3A_679 = arith.constant 3840 : i32
    %dma_wait3A_680 = tpu.memref_slice %arg6[%dma_wait3A_679] : memref<6272xf32, #tpu.memory_space<vmem>> -> memref<128xf32, #tpu.memory_space<vmem>>
    %dma_wait3A_681 = arith.constant 0 : i32
    %dma_wait3A_682 = tpu.memref_slice %arg7[%dma_wait3A_678, %dma_wait3A_681] : memref<49x128xi32, #tpu.memory_space<vmem>> -> memref<1x128xi32, #tpu.memory_space<vmem>>
    %dma_wait3A_683 = tpu.memref_squeeze %dma_wait3A_682 : memref<1x128xi32, #tpu.memory_space<vmem>> -> memref<128xi32, #tpu.memory_space<vmem>>
    %dma_wait3A_684 = arith.constant 0 : i32
    %dma_wait3A_685 = tpu.memref_slice %arg10[%dma_wait3A_684] : memref<1049600xf32, #tpu.memory_space<vmem_shared>> -> memref<1049600xf32, #tpu.memory_space<vmem_shared>>
    tpu.wait_indirect_dma semaphore(%arg13 : memref<!tpu.dma_semaphore, #tpu.memory_space<semaphore_mem>>) src(%dma_wait3A_680 : memref<128xf32, #tpu.memory_space<vmem>>) dst(%dma_wait3A_685 : memref<1049600xf32, #tpu.memory_space<vmem_shared>>)
    %dma_wait3A_686 = arith.constant 31 : i32
    %dma_wait3A_687 = arith.constant 3968 : i32
    %dma_wait3A_688 = tpu.memref_slice %arg6[%dma_wait3A_687] : memref<6272xf32, #tpu.memory_space<vmem>> -> memref<128xf32, #tpu.memory_space<vmem>>
    %dma_wait3A_689 = arith.constant 0 : i32
    %dma_wait3A_690 = tpu.memref_slice %arg7[%dma_wait3A_686, %dma_wait3A_689] : memref<49x128xi32, #tpu.memory_space<vmem>> -> memref<1x128xi32, #tpu.memory_space<vmem>>
    %dma_wait3A_691 = tpu.memref_squeeze %dma_wait3A_690 : memref<1x128xi32, #tpu.memory_space<vmem>> -> memref<128xi32, #tpu.memory_space<vmem>>
    %dma_wait3A_692 = arith.constant 0 : i32
    %dma_wait3A_693 = tpu.memref_slice %arg10[%dma_wait3A_692] : memref<1049600xf32, #tpu.memory_space<vmem_shared>> -> memref<1049600xf32, #tpu.memory_space<vmem_shared>>
    tpu.wait_indirect_dma semaphore(%arg13 : memref<!tpu.dma_semaphore, #tpu.memory_space<semaphore_mem>>) src(%dma_wait3A_688 : memref<128xf32, #tpu.memory_space<vmem>>) dst(%dma_wait3A_693 : memref<1049600xf32, #tpu.memory_space<vmem_shared>>)
    %dma_wait3A_694 = arith.constant 32 : i32
    %dma_wait3A_695 = arith.constant 4096 : i32
    %dma_wait3A_696 = tpu.memref_slice %arg6[%dma_wait3A_695] : memref<6272xf32, #tpu.memory_space<vmem>> -> memref<128xf32, #tpu.memory_space<vmem>>
    %dma_wait3A_697 = arith.constant 0 : i32
    %dma_wait3A_698 = tpu.memref_slice %arg7[%dma_wait3A_694, %dma_wait3A_697] : memref<49x128xi32, #tpu.memory_space<vmem>> -> memref<1x128xi32, #tpu.memory_space<vmem>>
    %dma_wait3A_699 = tpu.memref_squeeze %dma_wait3A_698 : memref<1x128xi32, #tpu.memory_space<vmem>> -> memref<128xi32, #tpu.memory_space<vmem>>
    %dma_wait3A_700 = arith.constant 0 : i32
    %dma_wait3A_701 = tpu.memref_slice %arg10[%dma_wait3A_700] : memref<1049600xf32, #tpu.memory_space<vmem_shared>> -> memref<1049600xf32, #tpu.memory_space<vmem_shared>>
    tpu.wait_indirect_dma semaphore(%arg13 : memref<!tpu.dma_semaphore, #tpu.memory_space<semaphore_mem>>) src(%dma_wait3A_696 : memref<128xf32, #tpu.memory_space<vmem>>) dst(%dma_wait3A_701 : memref<1049600xf32, #tpu.memory_space<vmem_shared>>)
    %dma_wait3A_702 = arith.constant 33 : i32
    %dma_wait3A_703 = arith.constant 4224 : i32
    %dma_wait3A_704 = tpu.memref_slice %arg6[%dma_wait3A_703] : memref<6272xf32, #tpu.memory_space<vmem>> -> memref<128xf32, #tpu.memory_space<vmem>>
    %dma_wait3A_705 = arith.constant 0 : i32
    %dma_wait3A_706 = tpu.memref_slice %arg7[%dma_wait3A_702, %dma_wait3A_705] : memref<49x128xi32, #tpu.memory_space<vmem>> -> memref<1x128xi32, #tpu.memory_space<vmem>>
    %dma_wait3A_707 = tpu.memref_squeeze %dma_wait3A_706 : memref<1x128xi32, #tpu.memory_space<vmem>> -> memref<128xi32, #tpu.memory_space<vmem>>
    %dma_wait3A_708 = arith.constant 0 : i32
    %dma_wait3A_709 = tpu.memref_slice %arg10[%dma_wait3A_708] : memref<1049600xf32, #tpu.memory_space<vmem_shared>> -> memref<1049600xf32, #tpu.memory_space<vmem_shared>>
    tpu.wait_indirect_dma semaphore(%arg13 : memref<!tpu.dma_semaphore, #tpu.memory_space<semaphore_mem>>) src(%dma_wait3A_704 : memref<128xf32, #tpu.memory_space<vmem>>) dst(%dma_wait3A_709 : memref<1049600xf32, #tpu.memory_space<vmem_shared>>)
    %dma_wait3A_710 = arith.constant 34 : i32
    %dma_wait3A_711 = arith.constant 4352 : i32
    %dma_wait3A_712 = tpu.memref_slice %arg6[%dma_wait3A_711] : memref<6272xf32, #tpu.memory_space<vmem>> -> memref<128xf32, #tpu.memory_space<vmem>>
    %dma_wait3A_713 = arith.constant 0 : i32
    %dma_wait3A_714 = tpu.memref_slice %arg7[%dma_wait3A_710, %dma_wait3A_713] : memref<49x128xi32, #tpu.memory_space<vmem>> -> memref<1x128xi32, #tpu.memory_space<vmem>>
    %dma_wait3A_715 = tpu.memref_squeeze %dma_wait3A_714 : memref<1x128xi32, #tpu.memory_space<vmem>> -> memref<128xi32, #tpu.memory_space<vmem>>
    %dma_wait3A_716 = arith.constant 0 : i32
    %dma_wait3A_717 = tpu.memref_slice %arg10[%dma_wait3A_716] : memref<1049600xf32, #tpu.memory_space<vmem_shared>> -> memref<1049600xf32, #tpu.memory_space<vmem_shared>>
    tpu.wait_indirect_dma semaphore(%arg13 : memref<!tpu.dma_semaphore, #tpu.memory_space<semaphore_mem>>) src(%dma_wait3A_712 : memref<128xf32, #tpu.memory_space<vmem>>) dst(%dma_wait3A_717 : memref<1049600xf32, #tpu.memory_space<vmem_shared>>)
    %dma_wait3A_718 = arith.constant 35 : i32
    %dma_wait3A_719 = arith.constant 4480 : i32
    %dma_wait3A_720 = tpu.memref_slice %arg6[%dma_wait3A_719] : memref<6272xf32, #tpu.memory_space<vmem>> -> memref<128xf32, #tpu.memory_space<vmem>>
    %dma_wait3A_721 = arith.constant 0 : i32
    %dma_wait3A_722 = tpu.memref_slice %arg7[%dma_wait3A_718, %dma_wait3A_721] : memref<49x128xi32, #tpu.memory_space<vmem>> -> memref<1x128xi32, #tpu.memory_space<vmem>>
    %dma_wait3A_723 = tpu.memref_squeeze %dma_wait3A_722 : memref<1x128xi32, #tpu.memory_space<vmem>> -> memref<128xi32, #tpu.memory_space<vmem>>
    %dma_wait3A_724 = arith.constant 0 : i32
    %dma_wait3A_725 = tpu.memref_slice %arg10[%dma_wait3A_724] : memref<1049600xf32, #tpu.memory_space<vmem_shared>> -> memref<1049600xf32, #tpu.memory_space<vmem_shared>>
    tpu.wait_indirect_dma semaphore(%arg13 : memref<!tpu.dma_semaphore, #tpu.memory_space<semaphore_mem>>) src(%dma_wait3A_720 : memref<128xf32, #tpu.memory_space<vmem>>) dst(%dma_wait3A_725 : memref<1049600xf32, #tpu.memory_space<vmem_shared>>)
    %dma_wait3A_726 = arith.constant 36 : i32
    %dma_wait3A_727 = arith.constant 4608 : i32
    %dma_wait3A_728 = tpu.memref_slice %arg6[%dma_wait3A_727] : memref<6272xf32, #tpu.memory_space<vmem>> -> memref<128xf32, #tpu.memory_space<vmem>>
    %dma_wait3A_729 = arith.constant 0 : i32
    %dma_wait3A_730 = tpu.memref_slice %arg7[%dma_wait3A_726, %dma_wait3A_729] : memref<49x128xi32, #tpu.memory_space<vmem>> -> memref<1x128xi32, #tpu.memory_space<vmem>>
    %dma_wait3A_731 = tpu.memref_squeeze %dma_wait3A_730 : memref<1x128xi32, #tpu.memory_space<vmem>> -> memref<128xi32, #tpu.memory_space<vmem>>
    %dma_wait3A_732 = arith.constant 0 : i32
    %dma_wait3A_733 = tpu.memref_slice %arg10[%dma_wait3A_732] : memref<1049600xf32, #tpu.memory_space<vmem_shared>> -> memref<1049600xf32, #tpu.memory_space<vmem_shared>>
    tpu.wait_indirect_dma semaphore(%arg13 : memref<!tpu.dma_semaphore, #tpu.memory_space<semaphore_mem>>) src(%dma_wait3A_728 : memref<128xf32, #tpu.memory_space<vmem>>) dst(%dma_wait3A_733 : memref<1049600xf32, #tpu.memory_space<vmem_shared>>)
    %dma_wait3A_734 = arith.constant 37 : i32
    %dma_wait3A_735 = arith.constant 4736 : i32
    %dma_wait3A_736 = tpu.memref_slice %arg6[%dma_wait3A_735] : memref<6272xf32, #tpu.memory_space<vmem>> -> memref<128xf32, #tpu.memory_space<vmem>>
    %dma_wait3A_737 = arith.constant 0 : i32
    %dma_wait3A_738 = tpu.memref_slice %arg7[%dma_wait3A_734, %dma_wait3A_737] : memref<49x128xi32, #tpu.memory_space<vmem>> -> memref<1x128xi32, #tpu.memory_space<vmem>>
    %dma_wait3A_739 = tpu.memref_squeeze %dma_wait3A_738 : memref<1x128xi32, #tpu.memory_space<vmem>> -> memref<128xi32, #tpu.memory_space<vmem>>
    %dma_wait3A_740 = arith.constant 0 : i32
    %dma_wait3A_741 = tpu.memref_slice %arg10[%dma_wait3A_740] : memref<1049600xf32, #tpu.memory_space<vmem_shared>> -> memref<1049600xf32, #tpu.memory_space<vmem_shared>>
    tpu.wait_indirect_dma semaphore(%arg13 : memref<!tpu.dma_semaphore, #tpu.memory_space<semaphore_mem>>) src(%dma_wait3A_736 : memref<128xf32, #tpu.memory_space<vmem>>) dst(%dma_wait3A_741 : memref<1049600xf32, #tpu.memory_space<vmem_shared>>)
    %dma_wait3A_742 = arith.constant 38 : i32
    %dma_wait3A_743 = arith.constant 4864 : i32
    %dma_wait3A_744 = tpu.memref_slice %arg6[%dma_wait3A_743] : memref<6272xf32, #tpu.memory_space<vmem>> -> memref<128xf32, #tpu.memory_space<vmem>>
    %dma_wait3A_745 = arith.constant 0 : i32
    %dma_wait3A_746 = tpu.memref_slice %arg7[%dma_wait3A_742, %dma_wait3A_745] : memref<49x128xi32, #tpu.memory_space<vmem>> -> memref<1x128xi32, #tpu.memory_space<vmem>>
    %dma_wait3A_747 = tpu.memref_squeeze %dma_wait3A_746 : memref<1x128xi32, #tpu.memory_space<vmem>> -> memref<128xi32, #tpu.memory_space<vmem>>
    %dma_wait3A_748 = arith.constant 0 : i32
    %dma_wait3A_749 = tpu.memref_slice %arg10[%dma_wait3A_748] : memref<1049600xf32, #tpu.memory_space<vmem_shared>> -> memref<1049600xf32, #tpu.memory_space<vmem_shared>>
    tpu.wait_indirect_dma semaphore(%arg13 : memref<!tpu.dma_semaphore, #tpu.memory_space<semaphore_mem>>) src(%dma_wait3A_744 : memref<128xf32, #tpu.memory_space<vmem>>) dst(%dma_wait3A_749 : memref<1049600xf32, #tpu.memory_space<vmem_shared>>)
    %dma_wait3A_750 = arith.constant 39 : i32
    %dma_wait3A_751 = arith.constant 4992 : i32
    %dma_wait3A_752 = tpu.memref_slice %arg6[%dma_wait3A_751] : memref<6272xf32, #tpu.memory_space<vmem>> -> memref<128xf32, #tpu.memory_space<vmem>>
    %dma_wait3A_753 = arith.constant 0 : i32
    %dma_wait3A_754 = tpu.memref_slice %arg7[%dma_wait3A_750, %dma_wait3A_753] : memref<49x128xi32, #tpu.memory_space<vmem>> -> memref<1x128xi32, #tpu.memory_space<vmem>>
    %dma_wait3A_755 = tpu.memref_squeeze %dma_wait3A_754 : memref<1x128xi32, #tpu.memory_space<vmem>> -> memref<128xi32, #tpu.memory_space<vmem>>
    %dma_wait3A_756 = arith.constant 0 : i32
    %dma_wait3A_757 = tpu.memref_slice %arg10[%dma_wait3A_756] : memref<1049600xf32, #tpu.memory_space<vmem_shared>> -> memref<1049600xf32, #tpu.memory_space<vmem_shared>>
    tpu.wait_indirect_dma semaphore(%arg13 : memref<!tpu.dma_semaphore, #tpu.memory_space<semaphore_mem>>) src(%dma_wait3A_752 : memref<128xf32, #tpu.memory_space<vmem>>) dst(%dma_wait3A_757 : memref<1049600xf32, #tpu.memory_space<vmem_shared>>)
    %dma_wait3A_758 = arith.constant 40 : i32
    %dma_wait3A_759 = arith.constant 5120 : i32
    %dma_wait3A_760 = tpu.memref_slice %arg6[%dma_wait3A_759] : memref<6272xf32, #tpu.memory_space<vmem>> -> memref<128xf32, #tpu.memory_space<vmem>>
    %dma_wait3A_761 = arith.constant 0 : i32
    %dma_wait3A_762 = tpu.memref_slice %arg7[%dma_wait3A_758, %dma_wait3A_761] : memref<49x128xi32, #tpu.memory_space<vmem>> -> memref<1x128xi32, #tpu.memory_space<vmem>>
    %dma_wait3A_763 = tpu.memref_squeeze %dma_wait3A_762 : memref<1x128xi32, #tpu.memory_space<vmem>> -> memref<128xi32, #tpu.memory_space<vmem>>
    %dma_wait3A_764 = arith.constant 0 : i32
    %dma_wait3A_765 = tpu.memref_slice %arg10[%dma_wait3A_764] : memref<1049600xf32, #tpu.memory_space<vmem_shared>> -> memref<1049600xf32, #tpu.memory_space<vmem_shared>>
    tpu.wait_indirect_dma semaphore(%arg13 : memref<!tpu.dma_semaphore, #tpu.memory_space<semaphore_mem>>) src(%dma_wait3A_760 : memref<128xf32, #tpu.memory_space<vmem>>) dst(%dma_wait3A_765 : memref<1049600xf32, #tpu.memory_space<vmem_shared>>)
    %dma_wait3A_766 = arith.constant 41 : i32
    %dma_wait3A_767 = arith.constant 5248 : i32
    %dma_wait3A_768 = tpu.memref_slice %arg6[%dma_wait3A_767] : memref<6272xf32, #tpu.memory_space<vmem>> -> memref<128xf32, #tpu.memory_space<vmem>>
    %dma_wait3A_769 = arith.constant 0 : i32
    %dma_wait3A_770 = tpu.memref_slice %arg7[%dma_wait3A_766, %dma_wait3A_769] : memref<49x128xi32, #tpu.memory_space<vmem>> -> memref<1x128xi32, #tpu.memory_space<vmem>>
    %dma_wait3A_771 = tpu.memref_squeeze %dma_wait3A_770 : memref<1x128xi32, #tpu.memory_space<vmem>> -> memref<128xi32, #tpu.memory_space<vmem>>
    %dma_wait3A_772 = arith.constant 0 : i32
    %dma_wait3A_773 = tpu.memref_slice %arg10[%dma_wait3A_772] : memref<1049600xf32, #tpu.memory_space<vmem_shared>> -> memref<1049600xf32, #tpu.memory_space<vmem_shared>>
    tpu.wait_indirect_dma semaphore(%arg13 : memref<!tpu.dma_semaphore, #tpu.memory_space<semaphore_mem>>) src(%dma_wait3A_768 : memref<128xf32, #tpu.memory_space<vmem>>) dst(%dma_wait3A_773 : memref<1049600xf32, #tpu.memory_space<vmem_shared>>)
    %dma_wait3A_774 = arith.constant 42 : i32
    %dma_wait3A_775 = arith.constant 5376 : i32
    %dma_wait3A_776 = tpu.memref_slice %arg6[%dma_wait3A_775] : memref<6272xf32, #tpu.memory_space<vmem>> -> memref<128xf32, #tpu.memory_space<vmem>>
    %dma_wait3A_777 = arith.constant 0 : i32
    %dma_wait3A_778 = tpu.memref_slice %arg7[%dma_wait3A_774, %dma_wait3A_777] : memref<49x128xi32, #tpu.memory_space<vmem>> -> memref<1x128xi32, #tpu.memory_space<vmem>>
    %dma_wait3A_779 = tpu.memref_squeeze %dma_wait3A_778 : memref<1x128xi32, #tpu.memory_space<vmem>> -> memref<128xi32, #tpu.memory_space<vmem>>
    %dma_wait3A_780 = arith.constant 0 : i32
    %dma_wait3A_781 = tpu.memref_slice %arg10[%dma_wait3A_780] : memref<1049600xf32, #tpu.memory_space<vmem_shared>> -> memref<1049600xf32, #tpu.memory_space<vmem_shared>>
    tpu.wait_indirect_dma semaphore(%arg13 : memref<!tpu.dma_semaphore, #tpu.memory_space<semaphore_mem>>) src(%dma_wait3A_776 : memref<128xf32, #tpu.memory_space<vmem>>) dst(%dma_wait3A_781 : memref<1049600xf32, #tpu.memory_space<vmem_shared>>)
    %dma_wait3A_782 = arith.constant 43 : i32
    %dma_wait3A_783 = arith.constant 5504 : i32
    %dma_wait3A_784 = tpu.memref_slice %arg6[%dma_wait3A_783] : memref<6272xf32, #tpu.memory_space<vmem>> -> memref<128xf32, #tpu.memory_space<vmem>>
    %dma_wait3A_785 = arith.constant 0 : i32
    %dma_wait3A_786 = tpu.memref_slice %arg7[%dma_wait3A_782, %dma_wait3A_785] : memref<49x128xi32, #tpu.memory_space<vmem>> -> memref<1x128xi32, #tpu.memory_space<vmem>>
    %dma_wait3A_787 = tpu.memref_squeeze %dma_wait3A_786 : memref<1x128xi32, #tpu.memory_space<vmem>> -> memref<128xi32, #tpu.memory_space<vmem>>
    %dma_wait3A_788 = arith.constant 0 : i32
    %dma_wait3A_789 = tpu.memref_slice %arg10[%dma_wait3A_788] : memref<1049600xf32, #tpu.memory_space<vmem_shared>> -> memref<1049600xf32, #tpu.memory_space<vmem_shared>>
    tpu.wait_indirect_dma semaphore(%arg13 : memref<!tpu.dma_semaphore, #tpu.memory_space<semaphore_mem>>) src(%dma_wait3A_784 : memref<128xf32, #tpu.memory_space<vmem>>) dst(%dma_wait3A_789 : memref<1049600xf32, #tpu.memory_space<vmem_shared>>)
    %dma_wait3A_790 = arith.constant 44 : i32
    %dma_wait3A_791 = arith.constant 5632 : i32
    %dma_wait3A_792 = tpu.memref_slice %arg6[%dma_wait3A_791] : memref<6272xf32, #tpu.memory_space<vmem>> -> memref<128xf32, #tpu.memory_space<vmem>>
    %dma_wait3A_793 = arith.constant 0 : i32
    %dma_wait3A_794 = tpu.memref_slice %arg7[%dma_wait3A_790, %dma_wait3A_793] : memref<49x128xi32, #tpu.memory_space<vmem>> -> memref<1x128xi32, #tpu.memory_space<vmem>>
    %dma_wait3A_795 = tpu.memref_squeeze %dma_wait3A_794 : memref<1x128xi32, #tpu.memory_space<vmem>> -> memref<128xi32, #tpu.memory_space<vmem>>
    %dma_wait3A_796 = arith.constant 0 : i32
    %dma_wait3A_797 = tpu.memref_slice %arg10[%dma_wait3A_796] : memref<1049600xf32, #tpu.memory_space<vmem_shared>> -> memref<1049600xf32, #tpu.memory_space<vmem_shared>>
    tpu.wait_indirect_dma semaphore(%arg13 : memref<!tpu.dma_semaphore, #tpu.memory_space<semaphore_mem>>) src(%dma_wait3A_792 : memref<128xf32, #tpu.memory_space<vmem>>) dst(%dma_wait3A_797 : memref<1049600xf32, #tpu.memory_space<vmem_shared>>)
    %dma_wait3A_798 = arith.constant 45 : i32
    %dma_wait3A_799 = arith.constant 5760 : i32
    %dma_wait3A_800 = tpu.memref_slice %arg6[%dma_wait3A_799] : memref<6272xf32, #tpu.memory_space<vmem>> -> memref<128xf32, #tpu.memory_space<vmem>>
    %dma_wait3A_801 = arith.constant 0 : i32
    %dma_wait3A_802 = tpu.memref_slice %arg7[%dma_wait3A_798, %dma_wait3A_801] : memref<49x128xi32, #tpu.memory_space<vmem>> -> memref<1x128xi32, #tpu.memory_space<vmem>>
    %dma_wait3A_803 = tpu.memref_squeeze %dma_wait3A_802 : memref<1x128xi32, #tpu.memory_space<vmem>> -> memref<128xi32, #tpu.memory_space<vmem>>
    %dma_wait3A_804 = arith.constant 0 : i32
    %dma_wait3A_805 = tpu.memref_slice %arg10[%dma_wait3A_804] : memref<1049600xf32, #tpu.memory_space<vmem_shared>> -> memref<1049600xf32, #tpu.memory_space<vmem_shared>>
    tpu.wait_indirect_dma semaphore(%arg13 : memref<!tpu.dma_semaphore, #tpu.memory_space<semaphore_mem>>) src(%dma_wait3A_800 : memref<128xf32, #tpu.memory_space<vmem>>) dst(%dma_wait3A_805 : memref<1049600xf32, #tpu.memory_space<vmem_shared>>)
    %dma_wait3A_806 = arith.constant 46 : i32
    %dma_wait3A_807 = arith.constant 5888 : i32
    %dma_wait3A_808 = tpu.memref_slice %arg6[%dma_wait3A_807] : memref<6272xf32, #tpu.memory_space<vmem>> -> memref<128xf32, #tpu.memory_space<vmem>>
    %dma_wait3A_809 = arith.constant 0 : i32
    %dma_wait3A_810 = tpu.memref_slice %arg7[%dma_wait3A_806, %dma_wait3A_809] : memref<49x128xi32, #tpu.memory_space<vmem>> -> memref<1x128xi32, #tpu.memory_space<vmem>>
    %dma_wait3A_811 = tpu.memref_squeeze %dma_wait3A_810 : memref<1x128xi32, #tpu.memory_space<vmem>> -> memref<128xi32, #tpu.memory_space<vmem>>
    %dma_wait3A_812 = arith.constant 0 : i32
    %dma_wait3A_813 = tpu.memref_slice %arg10[%dma_wait3A_812] : memref<1049600xf32, #tpu.memory_space<vmem_shared>> -> memref<1049600xf32, #tpu.memory_space<vmem_shared>>
    tpu.wait_indirect_dma semaphore(%arg13 : memref<!tpu.dma_semaphore, #tpu.memory_space<semaphore_mem>>) src(%dma_wait3A_808 : memref<128xf32, #tpu.memory_space<vmem>>) dst(%dma_wait3A_813 : memref<1049600xf32, #tpu.memory_space<vmem_shared>>)
    %dma_wait3A_814 = arith.constant 47 : i32
    %dma_wait3A_815 = arith.constant 6016 : i32
    %dma_wait3A_816 = tpu.memref_slice %arg6[%dma_wait3A_815] : memref<6272xf32, #tpu.memory_space<vmem>> -> memref<128xf32, #tpu.memory_space<vmem>>
    %dma_wait3A_817 = arith.constant 0 : i32
    %dma_wait3A_818 = tpu.memref_slice %arg7[%dma_wait3A_814, %dma_wait3A_817] : memref<49x128xi32, #tpu.memory_space<vmem>> -> memref<1x128xi32, #tpu.memory_space<vmem>>
    %dma_wait3A_819 = tpu.memref_squeeze %dma_wait3A_818 : memref<1x128xi32, #tpu.memory_space<vmem>> -> memref<128xi32, #tpu.memory_space<vmem>>
    %dma_wait3A_820 = arith.constant 0 : i32
    %dma_wait3A_821 = tpu.memref_slice %arg10[%dma_wait3A_820] : memref<1049600xf32, #tpu.memory_space<vmem_shared>> -> memref<1049600xf32, #tpu.memory_space<vmem_shared>>
    tpu.wait_indirect_dma semaphore(%arg13 : memref<!tpu.dma_semaphore, #tpu.memory_space<semaphore_mem>>) src(%dma_wait3A_816 : memref<128xf32, #tpu.memory_space<vmem>>) dst(%dma_wait3A_821 : memref<1049600xf32, #tpu.memory_space<vmem_shared>>)
    %dma_wait3A_822 = arith.constant 48 : i32
    %dma_wait3A_823 = arith.constant 6144 : i32
    %dma_wait3A_824 = tpu.memref_slice %arg6[%dma_wait3A_823] : memref<6272xf32, #tpu.memory_space<vmem>> -> memref<128xf32, #tpu.memory_space<vmem>>
    %dma_wait3A_825 = arith.constant 0 : i32
    %dma_wait3A_826 = tpu.memref_slice %arg7[%dma_wait3A_822, %dma_wait3A_825] : memref<49x128xi32, #tpu.memory_space<vmem>> -> memref<1x128xi32, #tpu.memory_space<vmem>>
    %dma_wait3A_827 = tpu.memref_squeeze %dma_wait3A_826 : memref<1x128xi32, #tpu.memory_space<vmem>> -> memref<128xi32, #tpu.memory_space<vmem>>
    %dma_wait3A_828 = arith.constant 0 : i32
    %dma_wait3A_829 = tpu.memref_slice %arg10[%dma_wait3A_828] : memref<1049600xf32, #tpu.memory_space<vmem_shared>> -> memref<1049600xf32, #tpu.memory_space<vmem_shared>>
    tpu.wait_indirect_dma semaphore(%arg13 : memref<!tpu.dma_semaphore, #tpu.memory_space<semaphore_mem>>) src(%dma_wait3A_824 : memref<128xf32, #tpu.memory_space<vmem>>) dst(%dma_wait3A_829 : memref<1049600xf32, #tpu.memory_space<vmem_shared>>)
    %barrier3A_830 = arith.constant 0 : index
    tpu.barrier barrier_id(%barrier3A_830)
    %mul3A_831 = arith.constant 65536 : i32
    %mul3A_832 = arith.muli %arg1, %mul3A_831 : i32
    %mul3A_833 = arith.constant 1048576 : i32
    %mul3A_834 = arith.muli %arg0, %mul3A_833 : i32
    %mul3A_835 = arith.constant 65536 : i32
    %mul3A_836 = arith.muli %arg1, %mul3A_835 : i32
    %add3A_837 = arith.addi %mul3A_834, %mul3A_836 : i32
    %dma_start3A_838 = tpu.memref_slice %arg10[%mul3A_832] : memref<1049600xf32, #tpu.memory_space<vmem_shared>> -> memref<16384xf32, #tpu.memory_space<vmem_shared>>
    %dma_start3A_839 = tpu.memref_slice %arg10[%mul3A_832] : memref<1049600xf32, #tpu.memory_space<vmem_shared>> -> memref<16384xf32, #tpu.memory_space<vmem_shared>>
    tpu.enqueue_dma source(%dma_start3A_839 : memref<16384xf32, #tpu.memory_space<vmem_shared>>) target(%arg8 : memref<16384xf32, #tpu.memory_space<vmem>>) target_semaphore(%arg14 : memref<!tpu.dma_semaphore, #tpu.memory_space<semaphore_mem>>)
    %dma_wait3A_840 = tpu.memref_slice %arg10[%mul3A_832] : memref<1049600xf32, #tpu.memory_space<vmem_shared>> -> memref<16384xf32, #tpu.memory_space<vmem_shared>>
    %dma_wait3A_841 = tpu.memref_slice %arg10[%mul3A_832] : memref<1049600xf32, #tpu.memory_space<vmem_shared>> -> memref<16384xf32, #tpu.memory_space<vmem_shared>>
    tpu.wait_dma2 semaphore(%arg14 : memref<!tpu.dma_semaphore, #tpu.memory_space<semaphore_mem>>) src(%dma_wait3A_841 : memref<16384xf32, #tpu.memory_space<vmem_shared>>) dst(%arg8 : memref<16384xf32, #tpu.memory_space<vmem>>)
    %add3A_842 = arith.constant 16384 : i32
    %add3A_843 = arith.addi %mul3A_832, %add3A_842 : i32
    %dma_start3A_844 = tpu.memref_slice %arg10[%add3A_843] : memref<1049600xf32, #tpu.memory_space<vmem_shared>> -> memref<16384xf32, #tpu.memory_space<vmem_shared>>
    %dma_start3A_845 = tpu.memref_slice %arg10[%add3A_843] : memref<1049600xf32, #tpu.memory_space<vmem_shared>> -> memref<16384xf32, #tpu.memory_space<vmem_shared>>
    tpu.enqueue_dma source(%dma_start3A_845 : memref<16384xf32, #tpu.memory_space<vmem_shared>>) target(%arg9 : memref<16384xf32, #tpu.memory_space<vmem>>) target_semaphore(%arg14 : memref<!tpu.dma_semaphore, #tpu.memory_space<semaphore_mem>>)
    %add3A_846 = arith.constant 0 : i32
    %add3A_847 = arith.addi %add3A_837, %add3A_846 : i32
    %dma_start3A_848 = tpu.memref_slice %arg4[%add3A_847] : memref<2097152xf32, #tpu.memory_space<hbm>> -> memref<16384xf32, #tpu.memory_space<hbm>>
    %dma_start3A_849 = tpu.memref_slice %arg4[%add3A_847] : memref<2097152xf32, #tpu.memory_space<hbm>> -> memref<16384xf32, #tpu.memory_space<hbm>>
    tpu.enqueue_dma source(%arg8 : memref<16384xf32, #tpu.memory_space<vmem>>) target(%dma_start3A_849 : memref<16384xf32, #tpu.memory_space<hbm>>) target_semaphore(%arg15 : memref<!tpu.dma_semaphore, #tpu.memory_space<semaphore_mem>>)
    %dma_wait3A_850 = tpu.memref_slice %arg10[%add3A_843] : memref<1049600xf32, #tpu.memory_space<vmem_shared>> -> memref<16384xf32, #tpu.memory_space<vmem_shared>>
    %dma_wait3A_851 = tpu.memref_slice %arg10[%add3A_843] : memref<1049600xf32, #tpu.memory_space<vmem_shared>> -> memref<16384xf32, #tpu.memory_space<vmem_shared>>
    tpu.wait_dma2 semaphore(%arg14 : memref<!tpu.dma_semaphore, #tpu.memory_space<semaphore_mem>>) src(%dma_wait3A_851 : memref<16384xf32, #tpu.memory_space<vmem_shared>>) dst(%arg9 : memref<16384xf32, #tpu.memory_space<vmem>>)
    %dma_wait3A_852 = tpu.memref_slice %arg4[%add3A_847] : memref<2097152xf32, #tpu.memory_space<hbm>> -> memref<16384xf32, #tpu.memory_space<hbm>>
    %dma_wait3A_853 = tpu.memref_slice %arg4[%add3A_847] : memref<2097152xf32, #tpu.memory_space<hbm>> -> memref<16384xf32, #tpu.memory_space<hbm>>
    tpu.wait_dma2 semaphore(%arg15 : memref<!tpu.dma_semaphore, #tpu.memory_space<semaphore_mem>>) src(%arg8 : memref<16384xf32, #tpu.memory_space<vmem>>) dst(%dma_wait3A_853 : memref<16384xf32, #tpu.memory_space<hbm>>)
    %add3A_854 = arith.constant 32768 : i32
    %add3A_855 = arith.addi %mul3A_832, %add3A_854 : i32
    %dma_start3A_856 = tpu.memref_slice %arg10[%add3A_855] : memref<1049600xf32, #tpu.memory_space<vmem_shared>> -> memref<16384xf32, #tpu.memory_space<vmem_shared>>
    %dma_start3A_857 = tpu.memref_slice %arg10[%add3A_855] : memref<1049600xf32, #tpu.memory_space<vmem_shared>> -> memref<16384xf32, #tpu.memory_space<vmem_shared>>
    tpu.enqueue_dma source(%dma_start3A_857 : memref<16384xf32, #tpu.memory_space<vmem_shared>>) target(%arg8 : memref<16384xf32, #tpu.memory_space<vmem>>) target_semaphore(%arg14 : memref<!tpu.dma_semaphore, #tpu.memory_space<semaphore_mem>>)
    %add3A_858 = arith.constant 16384 : i32
    %add3A_859 = arith.addi %add3A_837, %add3A_858 : i32
    %dma_start3A_860 = tpu.memref_slice %arg4[%add3A_859] : memref<2097152xf32, #tpu.memory_space<hbm>> -> memref<16384xf32, #tpu.memory_space<hbm>>
    %dma_start3A_861 = tpu.memref_slice %arg4[%add3A_859] : memref<2097152xf32, #tpu.memory_space<hbm>> -> memref<16384xf32, #tpu.memory_space<hbm>>
    tpu.enqueue_dma source(%arg9 : memref<16384xf32, #tpu.memory_space<vmem>>) target(%dma_start3A_861 : memref<16384xf32, #tpu.memory_space<hbm>>) target_semaphore(%arg15 : memref<!tpu.dma_semaphore, #tpu.memory_space<semaphore_mem>>)
    %dma_wait3A_862 = tpu.memref_slice %arg10[%add3A_855] : memref<1049600xf32, #tpu.memory_space<vmem_shared>> -> memref<16384xf32, #tpu.memory_space<vmem_shared>>
    %dma_wait3A_863 = tpu.memref_slice %arg10[%add3A_855] : memref<1049600xf32, #tpu.memory_space<vmem_shared>> -> memref<16384xf32, #tpu.memory_space<vmem_shared>>
    tpu.wait_dma2 semaphore(%arg14 : memref<!tpu.dma_semaphore, #tpu.memory_space<semaphore_mem>>) src(%dma_wait3A_863 : memref<16384xf32, #tpu.memory_space<vmem_shared>>) dst(%arg8 : memref<16384xf32, #tpu.memory_space<vmem>>)
    %dma_wait3A_864 = tpu.memref_slice %arg4[%add3A_859] : memref<2097152xf32, #tpu.memory_space<hbm>> -> memref<16384xf32, #tpu.memory_space<hbm>>
    %dma_wait3A_865 = tpu.memref_slice %arg4[%add3A_859] : memref<2097152xf32, #tpu.memory_space<hbm>> -> memref<16384xf32, #tpu.memory_space<hbm>>
    tpu.wait_dma2 semaphore(%arg15 : memref<!tpu.dma_semaphore, #tpu.memory_space<semaphore_mem>>) src(%arg9 : memref<16384xf32, #tpu.memory_space<vmem>>) dst(%dma_wait3A_865 : memref<16384xf32, #tpu.memory_space<hbm>>)
    %add3A_866 = arith.constant 49152 : i32
    %add3A_867 = arith.addi %mul3A_832, %add3A_866 : i32
    %dma_start3A_868 = tpu.memref_slice %arg10[%add3A_867] : memref<1049600xf32, #tpu.memory_space<vmem_shared>> -> memref<16384xf32, #tpu.memory_space<vmem_shared>>
    %dma_start3A_869 = tpu.memref_slice %arg10[%add3A_867] : memref<1049600xf32, #tpu.memory_space<vmem_shared>> -> memref<16384xf32, #tpu.memory_space<vmem_shared>>
    tpu.enqueue_dma source(%dma_start3A_869 : memref<16384xf32, #tpu.memory_space<vmem_shared>>) target(%arg9 : memref<16384xf32, #tpu.memory_space<vmem>>) target_semaphore(%arg14 : memref<!tpu.dma_semaphore, #tpu.memory_space<semaphore_mem>>)
    %add3A_870 = arith.constant 32768 : i32
    %add3A_871 = arith.addi %add3A_837, %add3A_870 : i32
    %dma_start3A_872 = tpu.memref_slice %arg4[%add3A_871] : memref<2097152xf32, #tpu.memory_space<hbm>> -> memref<16384xf32, #tpu.memory_space<hbm>>
    %dma_start3A_873 = tpu.memref_slice %arg4[%add3A_871] : memref<2097152xf32, #tpu.memory_space<hbm>> -> memref<16384xf32, #tpu.memory_space<hbm>>
    tpu.enqueue_dma source(%arg8 : memref<16384xf32, #tpu.memory_space<vmem>>) target(%dma_start3A_873 : memref<16384xf32, #tpu.memory_space<hbm>>) target_semaphore(%arg15 : memref<!tpu.dma_semaphore, #tpu.memory_space<semaphore_mem>>)
    %dma_wait3A_874 = tpu.memref_slice %arg10[%add3A_867] : memref<1049600xf32, #tpu.memory_space<vmem_shared>> -> memref<16384xf32, #tpu.memory_space<vmem_shared>>
    %dma_wait3A_875 = tpu.memref_slice %arg10[%add3A_867] : memref<1049600xf32, #tpu.memory_space<vmem_shared>> -> memref<16384xf32, #tpu.memory_space<vmem_shared>>
    tpu.wait_dma2 semaphore(%arg14 : memref<!tpu.dma_semaphore, #tpu.memory_space<semaphore_mem>>) src(%dma_wait3A_875 : memref<16384xf32, #tpu.memory_space<vmem_shared>>) dst(%arg9 : memref<16384xf32, #tpu.memory_space<vmem>>)
    %add3A_876 = arith.constant 49152 : i32
    %add3A_877 = arith.addi %add3A_837, %add3A_876 : i32
    %dma_start3A_878 = tpu.memref_slice %arg4[%add3A_877] : memref<2097152xf32, #tpu.memory_space<hbm>> -> memref<16384xf32, #tpu.memory_space<hbm>>
    %dma_start3A_879 = tpu.memref_slice %arg4[%add3A_877] : memref<2097152xf32, #tpu.memory_space<hbm>> -> memref<16384xf32, #tpu.memory_space<hbm>>
    tpu.enqueue_dma source(%arg9 : memref<16384xf32, #tpu.memory_space<vmem>>) target(%dma_start3A_879 : memref<16384xf32, #tpu.memory_space<hbm>>) target_semaphore(%arg15 : memref<!tpu.dma_semaphore, #tpu.memory_space<semaphore_mem>>)
    %dma_wait3A_880 = tpu.memref_slice %arg4[%add3A_871] : memref<2097152xf32, #tpu.memory_space<hbm>> -> memref<16384xf32, #tpu.memory_space<hbm>>
    %dma_wait3A_881 = tpu.memref_slice %arg4[%add3A_871] : memref<2097152xf32, #tpu.memory_space<hbm>> -> memref<16384xf32, #tpu.memory_space<hbm>>
    tpu.wait_dma2 semaphore(%arg15 : memref<!tpu.dma_semaphore, #tpu.memory_space<semaphore_mem>>) src(%arg8 : memref<16384xf32, #tpu.memory_space<vmem>>) dst(%dma_wait3A_881 : memref<16384xf32, #tpu.memory_space<hbm>>)
    %dma_wait3A_882 = tpu.memref_slice %arg4[%add3A_877] : memref<2097152xf32, #tpu.memory_space<hbm>> -> memref<16384xf32, #tpu.memory_space<hbm>>
    %dma_wait3A_883 = tpu.memref_slice %arg4[%add3A_877] : memref<2097152xf32, #tpu.memory_space<hbm>> -> memref<16384xf32, #tpu.memory_space<hbm>>
    tpu.wait_dma2 semaphore(%arg15 : memref<!tpu.dma_semaphore, #tpu.memory_space<semaphore_mem>>) src(%arg9 : memref<16384xf32, #tpu.memory_space<vmem>>) dst(%dma_wait3A_883 : memref<16384xf32, #tpu.memory_space<hbm>>)
    return
  }
}

module attributes {stable_mosaic.version = 14 : i64} {
  func.func @_conv_body(%arg0: i32, %arg1: memref<2x128x128xf32, #tpu.memory_space<vmem>>, %arg2: memref<32x128x128xf32, #tpu.memory_space<vmem>>, %arg3: memref<2x128x128xf32, #tpu.memory_space<vmem>>, %arg4: memref<32x128x128xf32, #tpu.memory_space<vmem>>) attributes {dimension_semantics = [#tpu.dimension_semantics<arbitrary>], iteration_bounds = array<i64: 4>, scalar_prefetch = 0 : i64, scratch_operands = 0 : i64, tpu.core_type = #tpu.core_type<tc>, window_params = [{transform_indices = @transform_0, window_bounds = array<i64: 2, 128, 128>}, {transform_indices = @transform_1, window_bounds = array<i64: 32, 128, 128>}, {transform_indices = @transform_2, window_bounds = array<i64: 2, 128, 128>}, {transform_indices = @transform_3, window_bounds = array<i64: 32, 128, 128>}]} {
    %eq3A = arith.constant 0 : i32
    %eq3A_0 = arith.cmpi eq, %arg0, %eq3A : i32
    %get3A = arith.constant 0 : index
    %get3A_1 = arith.constant 0 : index
    %get3A_2 = arith.constant 0 : index
    %get3A_3 = vector.load %arg1[%get3A, %get3A_1, %get3A_2] : memref<2x128x128xf32, #tpu.memory_space<vmem>>, vector<2x128x128xf32>
    %jit3A = arith.constant 0.000000e+00 : f32
    %broadcast_in_dim3A = vector.broadcast %jit3A : f32 to vector<2x128x128xf32>
    %select_n3A = arith.select %eq3A_0, %broadcast_in_dim3A, %get3A_3 : vector<2x128x128xf32>
    %eq3A_4 = arith.constant 3 : i32
    %eq3A_5 = arith.cmpi eq, %arg0, %eq3A_4 : i32
    %get3A_6 = arith.constant 0 : index
    %get3A_7 = arith.constant 0 : index
    %get3A_8 = arith.constant 0 : index
    %get3A_9 = vector.load %arg3[%get3A_6, %get3A_7, %get3A_8] : memref<2x128x128xf32, #tpu.memory_space<vmem>>, vector<2x128x128xf32>
    %jit3A_10 = arith.constant 0.000000e+00 : f32
    %broadcast_in_dim3A_11 = vector.broadcast %jit3A_10 : f32 to vector<2x128x128xf32>
    %select_n3A_12 = arith.select %eq3A_5, %broadcast_in_dim3A_11, %get3A_9 : vector<2x128x128xf32>
    %get3A_13 = arith.constant 0 : index
    %get3A_14 = arith.constant 0 : index
    %get3A_15 = arith.constant 0 : index
    %get3A_16 = vector.load %arg2[%get3A_13, %get3A_14, %get3A_15] : memref<32x128x128xf32, #tpu.memory_space<vmem>>, vector<32x128x128xf32>
    %concatenate3A = tpu.concatenate %select_n3A, %get3A_16, %select_n3A_12 in 0 : vector<2x128x128xf32>, vector<32x128x128xf32>, vector<2x128x128xf32> -> vector<36x128x128xf32>
    %slice3A = vector.extract_strided_slice %concatenate3A {offsets = [0, 0, 0], sizes = [32, 128, 128], strides = [1, 1, 1]} : vector<36x128x128xf32> to vector<32x128x128xf32>
    %slice3A_17 = vector.extract_strided_slice %concatenate3A {offsets = [1, 0, 0], sizes = [32, 128, 128], strides = [1, 1, 1]} : vector<36x128x128xf32> to vector<32x128x128xf32>
    %add3A = arith.addf %slice3A, %slice3A_17 : vector<32x128x128xf32>
    %slice3A_18 = vector.extract_strided_slice %concatenate3A {offsets = [2, 0, 0], sizes = [32, 128, 128], strides = [1, 1, 1]} : vector<36x128x128xf32> to vector<32x128x128xf32>
    %add3A_19 = arith.addf %add3A, %slice3A_18 : vector<32x128x128xf32>
    %slice3A_20 = vector.extract_strided_slice %concatenate3A {offsets = [3, 0, 0], sizes = [32, 128, 128], strides = [1, 1, 1]} : vector<36x128x128xf32> to vector<32x128x128xf32>
    %add3A_21 = arith.addf %add3A_19, %slice3A_20 : vector<32x128x128xf32>
    %slice3A_22 = vector.extract_strided_slice %concatenate3A {offsets = [4, 0, 0], sizes = [32, 128, 128], strides = [1, 1, 1]} : vector<36x128x128xf32> to vector<32x128x128xf32>
    %add3A_23 = arith.addf %add3A_21, %slice3A_22 : vector<32x128x128xf32>
    %jit3A_24 = arith.constant 0 : i32
    %convert_element_type3A = arith.sitofp %jit3A_24 : i32 to f32
    %pad3A = vector.broadcast %convert_element_type3A : f32 to vector<32x2x128xf32>
    %pad3A_25 = tpu.concatenate %pad3A, %add3A_23 in 1 : vector<32x2x128xf32>, vector<32x128x128xf32> -> vector<32x130x128xf32>
    %pad3A_26 = vector.broadcast %convert_element_type3A : f32 to vector<32x2x128xf32>
    %pad3A_27 = tpu.concatenate %pad3A_25, %pad3A_26 in 1 : vector<32x130x128xf32>, vector<32x2x128xf32> -> vector<32x132x128xf32>
    %slice3A_28 = vector.extract_strided_slice %pad3A_27 {offsets = [0, 0, 0], sizes = [32, 128, 128], strides = [1, 1, 1]} : vector<32x132x128xf32> to vector<32x128x128xf32>
    %slice3A_29 = vector.extract_strided_slice %pad3A_27 {offsets = [0, 1, 0], sizes = [32, 128, 128], strides = [1, 1, 1]} : vector<32x132x128xf32> to vector<32x128x128xf32>
    %add3A_30 = arith.addf %slice3A_28, %slice3A_29 : vector<32x128x128xf32>
    %slice3A_31 = vector.extract_strided_slice %pad3A_27 {offsets = [0, 2, 0], sizes = [32, 128, 128], strides = [1, 1, 1]} : vector<32x132x128xf32> to vector<32x128x128xf32>
    %add3A_32 = arith.addf %add3A_30, %slice3A_31 : vector<32x128x128xf32>
    %slice3A_33 = vector.extract_strided_slice %pad3A_27 {offsets = [0, 3, 0], sizes = [32, 128, 128], strides = [1, 1, 1]} : vector<32x132x128xf32> to vector<32x128x128xf32>
    %add3A_34 = arith.addf %add3A_32, %slice3A_33 : vector<32x128x128xf32>
    %slice3A_35 = vector.extract_strided_slice %pad3A_27 {offsets = [0, 4, 0], sizes = [32, 128, 128], strides = [1, 1, 1]} : vector<32x132x128xf32> to vector<32x128x128xf32>
    %add3A_36 = arith.addf %add3A_34, %slice3A_35 : vector<32x128x128xf32>
    %iota3A = tpu.iota {dimensions = array<i32: 0>} : vector<128x128xi32>
    %iota3A_37 = tpu.iota {dimensions = array<i32: 1>} : vector<128x128xi32>
    %sub3A = arith.subi %iota3A, %iota3A_37 : vector<128x128xi32>
    %abs3A = math.absi %sub3A : vector<128x128xi32>
    %le3A = arith.constant 2 : i32
    %le3A_38 = vector.broadcast %le3A : i32 to vector<128x128xi32>
    %le3A_39 = arith.cmpi sle, %abs3A, %le3A_38 : vector<128x128xi32>
    %convert_element_type3A_40 = arith.extui %le3A_39 : vector<128x128xi1> to vector<128x128xi32>
    %convert_element_type3A_41 = arith.sitofp %convert_element_type3A_40 : vector<128x128xi32> to vector<128x128xf32>
    %reshape3A = vector.shape_cast %add3A_36 : vector<32x128x128xf32> to vector<4096x128xf32>
    %dot_general3A = arith.constant dense<0.000000e+00> : vector<4096x128xf32>
    %dot_general3A_42 = tpu.matmul %reshape3A, %convert_element_type3A_41, %dot_general3A {dimension_numbers = #tpu.dot_dimension_numbers<[1], [0], [0], [1], [0, 0, 1, 1], [], []>, transpose_lhs_hint = false} : vector<4096x128xf32>, vector<128x128xf32>, vector<4096x128xf32> -> vector<4096x128xf32>
    %reshape3A_43 = vector.shape_cast %dot_general3A_42 : vector<4096x128xf32> to vector<32x128x128xf32>
    %swap3A = arith.constant 0 : index
    %swap3A_44 = arith.constant 0 : index
    %swap3A_45 = arith.constant 0 : index
    %swap3A_46 = vector.load %arg4[%swap3A, %swap3A_44, %swap3A_45] : memref<32x128x128xf32, #tpu.memory_space<vmem>>, vector<32x128x128xf32>
    tpu.vector_store %arg4[%swap3A, %swap3A_44, %swap3A_45], %reshape3A_43 {strides = array<i32>} : memref<32x128x128xf32, #tpu.memory_space<vmem>>, vector<32x128x128xf32>,
    return
  }
  func.func @transform_0(%arg0: i32) -> (i32, i32, i32) {
    %mul3A = arith.constant 16 : i32
    %mul3A_0 = arith.muli %mul3A, %arg0 : i32
    %sub3A = arith.constant 1 : i32
    %sub3A_1 = arith.subi %mul3A_0, %sub3A : i32
    %max3A = arith.constant 0 : i32
    %max3A_2 = arith.maxsi %sub3A_1, %max3A : i32
    %c0_i32 = arith.constant 0 : i32
    %c0_i32_3 = arith.constant 0 : i32
    %c0_i32_4 = arith.constant 0 : i32
    return %max3A_2, %c0_i32, %c0_i32_3 : i32, i32, i32
  }
  func.func @transform_1(%arg0: i32) -> (i32, i32, i32) {
    %c0_i32 = arith.constant 0 : i32
    %c0_i32_0 = arith.constant 0 : i32
    %c0_i32_1 = arith.constant 0 : i32
    return %arg0, %c0_i32, %c0_i32_0 : i32, i32, i32
  }
  func.func @transform_2(%arg0: i32) -> (i32, i32, i32) {
    %mul3A = arith.constant 16 : i32
    %mul3A_0 = arith.muli %mul3A, %arg0 : i32
    %add3A = arith.constant 16 : i32
    %add3A_1 = arith.addi %mul3A_0, %add3A : i32
    %min3A = arith.constant 63 : i32
    %min3A_2 = arith.minsi %add3A_1, %min3A : i32
    %c0_i32 = arith.constant 0 : i32
    %c0_i32_3 = arith.constant 0 : i32
    %c0_i32_4 = arith.constant 0 : i32
    return %min3A_2, %c0_i32, %c0_i32_3 : i32, i32, i32
  }
  func.func @transform_3(%arg0: i32) -> (i32, i32, i32) {
    %c0_i32 = arith.constant 0 : i32
    %c0_i32_0 = arith.constant 0 : i32
    %c0_i32_1 = arith.constant 0 : i32
    return %arg0, %c0_i32, %c0_i32_0 : i32, i32, i32
  }
}

</mosaic_0001>

<sc_bundles>
// kernel: kernel.4.cloned.1.call-start
scs
__scs_entry_jumppad:
0x0: {  	(pc) =	sbr.rel $0x88, $3  }
0x1: {  	(tag) =	ssettag $0x0;
	lr =	simm.s32 $0x1  }
0x2: {  	[smem:$0x3F9F] =	sst lr;
	_ =	strace $0xD0000000  }
0x3: {  	_ = 	snop  }
0x4: {  	_ = 	snop  }
0x5: {  	_ = 	snop  }
0x6: {  	_ = 	snop  }
0x7: {  	_ = 	snop  }
__scs_overlays_trampoline_lowered:
0x8: {  	[smem:$0x3FAE] =	sst s0  }
0x9: {  	[smem:$0x3FAF] =	sst s1  }
0xa: {  	[smem:$0x3FB0] =	sst s2  }
0xb: {  	[smem:$0x3FB1] =	sst s3  }
0xc: {  	[smem:$0x3FB2] =	sst s4  }
0xd: {  	[smem:$0x3FB3] =	sst s5  }
0xe: {  	[smem:$0x3FB4] =	sst s6  }
0xf: {  	[smem:$0x3FB5] =	sst s7  }
0x10: {  	[smem:$0x3FB6] =	sst s8  }
0x11: {  	[smem:$0x3FB7] =	sst s9;
	s0 =	simm.s32 @!p0 $0x0  }
0x12: {  	s1 =	sld [smem:$0x3F9D];
	s0 =	simm.s32 @p0 $0x1  }
0x13: {  	[smem:$0x3FB8] =	sst s0;
	s0 =	simm.s32 @!p1 $0x0  }
0x14: {  	s2 =	sld [smem:$0x3F9C];
	s0 =	simm.s32 @p1 $0x1  }
0x15: {  	[smem:$0x3FB9] =	sst s0;
	s0 =	simm.s32 @!p2 $0x0  }
0x16: {  	s3 =	sld [smem:$0x3FDB];
	s0 =	simm.s32 @p2 $0x1  }
0x17: {  	s4 =	simm.s32 $0x1BF5;
	[smem:$0x3FBB] =	sst s0  }
0x18: {  	s0 =	sld [smem:$0x3F9E];
	_ =	swait.ge [sflag:s4], $0x0  }
0x19: {  	s7 =	sld [smem:$0x3F9F]  }
0x1a: {  	s8 =	sadd.s32 $0xFFFFE003, lr  }
0x1b: {  	s9 =	sadd.s32 $0xFFFFFEF7, lr;
	s5 =	simm.s32 $0xFFFFFFFF;
	p2 =	slt.u32 s8, $0xFFFFF086  }
0x1c: {  	p1 =	slt.u32 s9, $0xF7A;
	s5 =	simm.s32 @!p2 $0x0  }
0x1d: {  	s5 =	simm.s32 @p1 $0x1;
	p0 =	seq.s32 s7, s2  }
0x1e: {  	s7 =	smul.u32 @!p0 $0xF7A, s2;
	p2 =	seq.s32 @!p0 s5, $0x0  }
0x1f: {  	s9 =	smul.u32 $0xF7A, s1;
	s8 =	simm.s32 @!p0 $0x1BF5;
	p2 =	por !p2, p0  }
0x20: {  	[sflag:s8] =	ssyncset.s32 @!p0 $0xFFFFF086;
	s6 =	sadd.s32 @!p0 s3, s7;
	s7 =	simm.s32 @!p0 $0x108  }
0x21: {  	s3 =	sadd.s32 s3, s9;
	s6 =	sadd.s32 @!p0 $0x88, s6;
	s7 =	simm.s32 @p2 $0x1082  }
0x22: {  	[simem:s7], [sflag:s8] =	dma.local @!p0 [hbm:s6], $0xF7A  }
0x23: {  	s9 =	sor.u32 $0xD0000000, s2;
	s6 =	simm.s32 $0x108;
	_ =	swait.ge @!p0 [sflag:s8], $0x0  }
0x24: {  	s3 =	sadd.s32 $0x88, s3;
	s6 =	simm.s32 @!p1 $0x1082;
	[sflag:s4] =	ssyncset.s32 $0xFFFFF086  }
0x25: {  	[simem:s6], [sflag:s4] =	dma.local [hbm:s3], $0xF7A  }
0x26: {  	[smem:$0x3F9F] =	sst s1;
	(tag) =	ssettag s2;
	_ =	strace s9  }
0x27: {  	s1 =	sld [smem:$0x3FAF]  }
0x28: {  	s2 =	sld [smem:$0x3FB0]  }
0x29: {  	s4 =	sld [smem:$0x3FB2]  }
0x2a: {  	p0 =	seq.s32 s5, $0x0;
	s5 =	sld [smem:$0x3FB3]  }
0x2b: {  	s6 =	sld [smem:$0x3FB4]  }
0x2c: {  	s7 =	sld [smem:$0x3FB5]  }
0x2d: {  	s3 =	simm.s32 $0x108;
	s8 =	sld [smem:$0x3FB6]  }
0x2e: {  	s3 =	simm.s32 @!p0 $0x1082;
	s9 =	sld [smem:$0x3FB7]  }
0x2f: {  	lr =	sadd.s32 s0, s3;
	s0 =	sld [smem:$0x3FAE]  }
0x30: {  	s3 =	sld [smem:$0x3FB1]  }
0x31: {  	[smem:$0x3FBA] =	sst s10  }
0x32: {  	s10 =	sld [smem:$0x3FB8];
	_ =	sdelay $0x3  }
0x33: {  	p0 =	seq.s32 s10, $0x1;
	s10 =	sld [smem:$0x3FBA];
	_ =	sdelay $0x3  }
0x34: {  	[smem:$0x3FBA] =	sst s10  }
0x35: {  	s10 =	sld [smem:$0x3FB9];
	_ =	sdelay $0x3  }
0x36: {  	p1 =	seq.s32 s10, $0x1;
	s10 =	sld [smem:$0x3FBA];
	_ =	sdelay $0x3  }
0x37: {  	[smem:$0x3FBA] =	sst s10  }
0x38: {  	s10 =	sld [smem:$0x3FBB]  }
0x39: {  	_ = 	snop;
	(pc) =	sbr.ind lr, $3  }
0x3a: {  	_ = 	snop  }
0x3b: {  	_ = 	snop  }
0x3c: {  	p2 =	seq.s32 s10, $0x1;
	s10 =	sld [smem:$0x3FBA]  }
0x3d: {  	_ =	shalt  }
0x3e: {  	_ =	shalt  }
0x3f: {  	_ =	shalt  }
0x40: {  	_ =	shalt  }
0x41: {  	_ =	shalt  }
0x42: {  	_ =	shalt  }
0x43: {  	_ =	shalt  }
0x44: {  	_ =	shalt  }
0x45: {  	_ =	shalt  }
0x46: {  	_ =	shalt  }
0x47: {  	_ =	shalt  }
0x48: {  	_ =	shalt  }
0x49: {  	_ =	shalt  }
0x4a: {  	_ =	shalt  }
0x4b: {  	_ =	shalt  }
0x4c: {  	_ =	shalt  }
0x4d: {  	_ =	shalt  }
0x4e: {  	_ =	shalt  }
0x4f: {  	_ =	shalt  }
0x50: {  	_ =	shalt  }
0x51: {  	_ =	shalt  }
0x52: {  	_ =	shalt  }
0x53: {  	_ =	shalt  }
0x54: {  	_ =	shalt  }
0x55: {  	_ =	shalt  }
0x56: {  	_ =	shalt  }
0x57: {  	_ =	shalt  }
0x58: {  	_ =	shalt  }
0x59: {  	_ =	shalt  }
0x5a: {  	_ =	shalt  }
0x5b: {  	_ =	shalt  }
0x5c: {  	_ =	shalt  }
0x5d: {  	_ =	shalt  }
0x5e: {  	_ =	shalt  }
0x5f: {  	_ =	shalt  }
0x60: {  	_ =	shalt  }
0x61: {  	_ =	shalt  }
0x62: {  	_ =	shalt  }
0x63: {  	_ =	shalt  }
0x64: {  	_ =	shalt  }
0x65: {  	_ =	shalt  }
0x66: {  	_ =	shalt  }
0x67: {  	_ =	shalt  }
0x68: {  	_ =	shalt  }
0x69: {  	_ =	shalt  }
0x6a: {  	_ =	shalt  }
0x6b: {  	_ =	shalt  }
0x6c: {  	_ =	shalt  }
0x6d: {  	_ =	shalt  }
0x6e: {  	_ =	shalt  }
0x6f: {  	_ =	shalt  }
0x70: {  	_ =	shalt  }
0x71: {  	_ =	shalt  }
0x72: {  	_ =	shalt  }
0x73: {  	_ =	shalt  }
0x74: {  	_ =	shalt  }
0x75: {  	_ =	shalt  }
0x76: {  	_ =	shalt  }
0x77: {  	_ =	shalt  }
0x78: {  	_ =	shalt  }
0x79: {  	_ =	shalt  }
0x7a: {  	_ =	shalt  }
0x7b: {  	_ =	shalt  }
0x7c: {  	_ =	shalt  }
0x7d: {  	_ =	shalt  }
0x7e: {  	_ =	shalt  }
0x7f: {  	_ =	shalt  }
0x80: {  	_ =	shalt  }
0x81: {  	_ =	shalt  }
0x82: {  	_ =	shalt  }
0x83: {  	_ =	shalt  }
0x84: {  	_ =	shalt  }
0x85: {  	_ =	shalt  }
0x86: {  	_ =	shalt  }
0x87: {  	_ =	shalt  }
.Lfunc_end0:
.L_simem_size_0:
called_computation_lowered:
.L_overlay_start_0:
0x88: {  	s2 =	sld [smem:$0x3FD9]  }
0x89: {  	s3 =	sld [smem:$0x3FFE];
	_ =	sdelay $0x1  }
0x8a: {  	s1 =	srdreg.scid  }
0x8b: {  	s0 =	sand.u32 $0x1, s1  }
0x8c: {  	s17 =	sshll.u32 s0, $0xA;
	s2 =	sadd.s32 s3, s2  }
0x8d: {  	s2 =	sadd.s32 s2, s17  }
0x8e: {  	[smem:$0x3FC6] =	sst s2  }
0x8f: {  	_ = 	snop  }
0x90: {  	s2 =	sld [smem:$0x3FD0];
	(tm) =	ssettm $0x1  }
0x91: {  	s18 =	sld [smem:$0x3FFB];
	_ =	sdelay $0x3  }
0x92: {  	_ =	strace s18  }
0x93: {  	s3 =	sld [smem:$0x3FFC];
	_ =	sdelay $0x3  }
0x94: {  	_ =	strace s3  }
0x95: {  	s3 =	sld [smem:$0x3FFD];
	_ =	sdelay $0x3  }
0x96: {  	_ =	strace s3  }
0x97: {  	_ =	strace $0x8FFFFFFF  }
0x98: {  	s19 =	sld [smem:$0x3FDB];
	_ =	sdelay $0x1  }
0x99: {  	s4 =	simm.s32 $_scs_section_size  }
0x9a: {  	s5 =	simm.s32 $_size__tile_overlayer_lowered;
	s6 =	simm.s32 $_tile_overlayer_lowered  }
0x9b: {  	s22 =	simm.s32 $0x1BFF;
	s21 =	sshll.u32 s6, $0x1;
	s3 =	sadd.s32 s4, s19  }
0x9c: {  	s7 =	simm.s32 $0x0;
	s20 =	sshll.u32 s5, $0x1;
	s5 =	sadd.s32 s21, s3  }
0x9d: {  	[timem:s7], [sflag:s22] =	dma.local [hbm:s5], s20  }
0x9e: {  	_ =	swait.ge [sflag:s22], s20  }
0x9f: {  	s4 =	ssub.s32 $0x0, s20;
	[sflag:s22] =	ssyncset.done $0x0  }
0xa0: {  	[sflag:s22] =	ssyncadd.s32 s4;
	_ =	sdelay $0x1  }
0xa1: {  	s23 =	simm.s32 $0x1B8B  }
0xa2: {  	_ =	swait.ge [sflag:s23], $0x1  }
0xa3: {  	[sflag:s23] =	ssyncset.done $0x0  }
0xa4: {  	s25 =	simm.s32 $0x1B8E;
	s24 =	sld [smem:$0x3FFE];
	[sflag:s23] =	ssyncadd.s32 $0xFFFFFFFF  }
0xa5: {  	s26 =	simm.s32 $execute0_lowered;
	[smem:$0x3FD2] =	sst s25  }
0xa6: {  	s5 =	sshll.u32 s26, $0x1;
	_ =	strace $0x80000046;
	[dreg:$0x1] =	wrdreg $0xFFFFFFFF  }
0xa7: {  	s28 =	simm.s32 $_size_execute0_lowered;
	s3 =	sadd.s32 s3, s5;
	[dreg:$0x0] =	wrdreg $0x0  }
0xa8: {  	s5 =	sshll.u32 s28, $0x1;
	[dreg:$0x2] =	wrdreg s3  }
0xa9: {  	[dreg:$0x3] =	wrdreg s5  }
0xaa: {  	[dreg:$0x4] =	wrdreg $0xC0  }
0xab: {  	_ =	task [dreg:s7], $0x5FFFF  }
0xac: {  	[dreg:$0x1] =	wrdreg $0xFFFFFFFF  }
0xad: {  	[dreg:$0x0] =	wrdreg $0x60  }
0xae: {  	[dreg:$0x2] =	wrdreg s24  }
0xaf: {  	[dreg:$0x3] =	wrdreg s2  }
0xb0: {  	[dreg:$0x4] =	wrdreg $0xCD000  }
0xb1: {  	[dreg:$0x5] =	wrdreg $0x9  }
0xb2: {  	_ =	task.clear_ibuf [dreg:s7], $0x6FFFF;
	_ =	strace $0x90000046  }
0xb3: {  	s29 =	simm.s32 $0x9;
	_ =	strace $0x80000048  }
0xb4: {  	_ =	swait.ge [sflag:s29], $0x1  }
0xb5: {  	[sflag:s29] =	ssyncadd.s32 $0xFFFFFFFF  }
0xb6: {  	_ =	strace $0x90000048  }
0xb7: {  	_ =	sfence  }
0xb8: {  	s30 =	sld [smem:$0x0];
	_ =	sdelay $0x2  }
0xb9: {  	s31 =	sshll.u32 s1, $0xD;
	s1 =	sshrl.u32 s1, $0x2  }
0xba: {  	s3 =	sand.u32 $0x4000, s31;
	s1 =	sadd.s32 s1, s30  }
0xbb: {  	s0 =	sor.u32 s3, s0;
	s1 =	sshll.u32 s1, $0x11  }
0xbc: {  	s0 =	sor.u32 s1, s0  }
0xbd: {  	s0 =	sadd.s32 $0x8F2B, s0  }
0xbe: {  	[sflag:s0] =	ssyncadd.remote.s32 $0x1  }
0xbf: {  	_ =	sfence.sel $0xFFFF  }
0xc0: {  	[dreg:$0x0] =	wrdreg $0xFFFFFFFF;
	(pc) =	sbr.abs _section_cstart, $3  }
0xc1: {  	[dreg:$0x1] =	wrdreg $0xFFFFFFFF  }
0xc2: {  	_ =	task.clear_ibuf [dreg:s7], $0x2FFFF;
	_ =	strace $0x9FFFFFFF  }
0xc3: {  	(tm) =	ssettm $0x7FFFFFFF  }
tec
execute0_lowered:
.L_overlay_start_1:
0x0: {  	(tag) =	ssettag $0x1  }
0x1: {  	s4 =	rddreg [dreg:$0x0]  }
0x2: {  	s10 =	rddreg [dreg:$0x1];
	s0 =	srdreg.scid  }
0x3: {  	s8 =	stileid.u32;
	s2 =	rddreg [dreg:$0x2]  }
0x4: {  	s3 =	simm.s32 $0x0;
	s15 =	simm.s32 $0x1880;
	s16 =	simm.s32 $0x4D00  }
0x5: {  	s17 =	simm.s32 $0x1;
	s18 =	simm.s32 $0x2;
	s19 =	simm.s32 $0x80  }
0x6: {  	s23 =	simm.s32 $0x3000;
	s28 =	simm.s32 $0x4;
	s29 =	simm.s32 $0x8D00  }
0x7: {  	s30 =	simm.s32 $0x5;
	s31 =	simm.s32 $0x0;
	s1 =	sand.u32 $0x1, s0  }
0x8: {  	s24 =	smul.u32 $0x1880, s8;
	[smem:$0x7FF] =	sst s3;
	s26 =	sshll.u32 s8, $0x10  }
0x9: {  	s5 =	ssub.s32 $0x2, s1;
	_ =	strace $0x80000047;
	s1 =	sshll.u32 s1, $0x14  }
0xa: {  	s6 =	sshrl.u32 s5, $0x1;
	s7 =	smin.u32 s24, $0x16E20;
	s8 =	sor.u32 s26, s1  }
0xb: {  	s14 =	ssub.s32 s5, s6;
	s0 =	ssub.s32 s24, s7;
	s25 =	sshrl.u32 s7, $0x3  }
0xc: {  	s5 =	sadd.s32 s26, s2;
	s11 =	sshrl.u32 s8, $0x3;
	s24 =	simm.s32 $0x4900  }
0xd: {  	s26 =	simm.s32 $0x3;
	s4 =	sadd.s32 s4, s25;
	s7 =	sadd.s32 $0x4000, s5  }
0xe: {  	s8 =	sadd.s32 $0x8000, s5;
	s9 =	sadd.s32 $0xC000, s5;
	s10 =	sadd.s32 s10, s11  }
0xf: {  	v2 =	vimm.f32 $0.0e+00;
	s14 =	smax.u32 s14, $0x1;
	s25 =	simm.s32 $0x3080;
	s6 =	sadd.s32 $0x3200, s4  }
0x10: {  	v3 =	vlaneseq.u32;
	v0 =	vmov s1;
	v1 =	vmov s0;
	s11 =	sadd.s32 $0x800, s10;
	s12 =	sadd.s32 $0x1000, s10;
	s13 =	sadd.s32 $0x1800, s10  }
.LBB2_1:
0x11: {  	[tilespmem:s3], [sflag:$0x1] =	stream.linear.gather [hbm4b:s4+s3], $0x1880, $0x38;
	[tilespmem:$0x1CD40] =	vst v63  }
0x12: {  	s1 =	simm.s32 $0x100;
	s0 =	simm.s32 $0x0  }
0x13: {  	[tilespmem:s15], [sflag:$0x1] =	stream.linear.gather [hbm4b:s6+s3], $0x1880, $0x38;
	[tilespmem:$0x1CD40] =	vst v63  }
.LBB2_2:
0x14: {  	p0 =	sne.s32 s1, $0xFF00;
	[tilespmem:s0+$0x4D30] =	vst v2;
	s20 =	smov.u32 s1;
	s1 =	sadd.s32 $0x100, s1  }
.Ltmp0:
0x15: {  	[tilespmem:s0+$0x4D20] =	vst v2;
	(pc) =	sbr.rel @p0 .LBB2_2-.Ltmp0, $3  }
0x16: {  	[tilespmem:s0+$0x4D00] =	vst v2  }
0x17: {  	[tilespmem:s0+$0x4D10] =	vst v2;
	_ =	sdelay $0x1  }
0x18: {  	s0 =	sshra.s32 s20, $0x2  }
0x19: {  	[tilespmem:s0+$0x4D30] =	vst v2  }
0x1a: {  	[tilespmem:s0+$0x4D20] =	vst v2  }
0x1b: {  	[tilespmem:s0+$0x4D00] =	vst v2  }
0x1c: {  	[tilespmem:s0+$0x4D10] =	vst v2  }
0x1d: {  	[spmem:s5] =	stream.linear.scatter [tilespmem:s16], [sflag:$0x2], $0x4000, $0x38;
	[tilespmem:$0x1CD40] =	vst v63  }
0x1e: {  	_ = 	snop  }
0x1f: {  	[spmem:s7] =	stream.linear.scatter [tilespmem:s16], [sflag:$0x2], $0x4000, $0x38;
	[tilespmem:$0x1CD40] =	vst v63  }
0x20: {  	_ = 	snop  }
0x21: {  	[spmem:s8] =	stream.linear.scatter [tilespmem:s16], [sflag:$0x2], $0x4000, $0x38;
	[tilespmem:$0x1CD40] =	vst v63  }
0x22: {  	_ = 	snop  }
0x23: {  	[spmem:s9] =	stream.linear.scatter [tilespmem:s16], [sflag:$0x2], $0x4000, $0x38;
	[tilespmem:$0x1CD40] =	vst v63  }
0x24: {  	_ =	swait.ge [sflag:s17], $0x1880  }
0x25: {  	[sflag:s17] =	ssyncset.done $0x0  }
0x26: {  	[sflag:s17] =	ssyncadd.s32 $0xFFFFE780  }
0x27: {  	_ =	swait.ge [sflag:s17], $0x1880  }
0x28: {  	[sflag:s17] =	ssyncset.done $0x0  }
0x29: {  	s0 =	simm.s32 $0x40;
	[sflag:s17] =	ssyncadd.s32 $0xFFFFE780  }
0x2a: {  	v4 =	vld [tilespmem:s0+$0xFFFFFFC0];
	_ =	sdelay $0x3  }
0x2b: {  	s1 =	simm.s32 $0x0  }
0x2c: {  	v5 =	vor.u32 s1, v3;
	v4 =	vsub.s32 v4, v0  }
0x2d: {  	vm1 =	vge.u32 v5, v1;
	v5 =	vand.u32 $0x38F, v5;
	vm0 =	vlt.u32 v4, $0x100000  }
0x2e: {  	v5 =	vor.u32 $0x100000, v5;
	vm0 =	vmand vm1, vm0  }
0x2f: {  	s1 =	simm.s32 $0x3140;
	v4 =	vsel vm0, v4, v5  }
0x30: {  	[tilespmem:s1+$0xFFFFFFC0] =	vst v4  }
0x31: {  	v4 =	vld [tilespmem:s0+$0xFFFFFFD0];
	_ =	sdelay $0x3  }
0x32: {  	s20 =	simm.s32 $0x10  }
0x33: {  	v5 =	vor.u32 s20, v3;
	v4 =	vsub.s32 v4, v0  }
0x34: {  	vm15 =	vge.u32 v5, v1;
	v5 =	vand.u32 $0x39F, v5;
	vm14 =	vlt.u32 v4, $0x100000  }
0x35: {  	v5 =	vor.u32 $0x100000, v5;
	vm0 =	vmand vm15, vm14  }
0x36: {  	v4 =	vsel vm0, v4, v5  }
0x37: {  	[tilespmem:s1+$0xFFFFFFD0] =	vst v4  }
0x38: {  	v4 =	vld [tilespmem:s0+$0xFFFFFFE0];
	_ =	sdelay $0x3  }
0x39: {  	s21 =	simm.s32 $0x20  }
0x3a: {  	v5 =	vor.u32 s21, v3;
	v4 =	vsub.s32 v4, v0  }
0x3b: {  	vm5 =	vge.u32 v5, v1;
	v5 =	vand.u32 $0x3AF, v5;
	vm4 =	vlt.u32 v4, $0x100000  }
0x3c: {  	v5 =	vor.u32 $0x100000, v5;
	vm0 =	vmand vm5, vm4  }
0x3d: {  	v4 =	vsel vm0, v4, v5  }
0x3e: {  	[tilespmem:s1+$0xFFFFFFE0] =	vst v4  }
0x3f: {  	v4 =	vld [tilespmem:s0+$0xFFFFFFF0];
	_ =	sdelay $0x3  }
0x40: {  	s22 =	simm.s32 $0x30  }
0x41: {  	v5 =	vor.u32 s22, v3;
	v4 =	vsub.s32 v4, v0  }
0x42: {  	vm7 =	vge.u32 v5, v1;
	v5 =	vand.u32 $0x3BF, v5;
	vm6 =	vlt.u32 v4, $0x100000  }
0x43: {  	v5 =	vor.u32 $0x100000, v5;
	vm0 =	vmand vm7, vm6  }
0x44: {  	v4 =	vsel vm0, v4, v5  }
0x45: {  	[tilespmem:s1+$0xFFFFFFF0] =	vst v4  }
0x46: {  	v4 =	vld [tilespmem:s0+$0x0];
	_ =	sdelay $0x3  }
0x47: {  	s21 =	simm.s32 $0x40  }
0x48: {  	v5 =	vor.u32 s21, v3;
	v4 =	vsub.s32 v4, v0  }
0x49: {  	vm9 =	vge.u32 v5, v1;
	v5 =	vand.u32 $0x3CF, v5;
	vm8 =	vlt.u32 v4, $0x100000  }
0x4a: {  	v5 =	vor.u32 $0x100000, v5;
	vm0 =	vmand vm9, vm8  }
0x4b: {  	v4 =	vsel vm0, v4, v5  }
0x4c: {  	[tilespmem:s1+$0x0] =	vst v4  }
0x4d: {  	v4 =	vld [tilespmem:s0+$0x10];
	_ =	sdelay $0x3  }
0x4e: {  	s22 =	simm.s32 $0x50  }
0x4f: {  	v5 =	vor.u32 s22, v3;
	v4 =	vsub.s32 v4, v0  }
0x50: {  	vm11 =	vge.u32 v5, v1;
	v5 =	vand.u32 $0x3DF, v5;
	vm10 =	vlt.u32 v4, $0x100000  }
0x51: {  	v5 =	vor.u32 $0x100000, v5;
	vm0 =	vmand vm11, vm10  }
0x52: {  	v4 =	vsel vm0, v4, v5  }
0x53: {  	[tilespmem:s1+$0x10] =	vst v4  }
0x54: {  	v4 =	vld [tilespmem:s0+$0x20];
	_ =	sdelay $0x3  }
0x55: {  	s21 =	simm.s32 $0x60  }
0x56: {  	v5 =	vor.u32 s21, v3;
	v4 =	vsub.s32 v4, v0  }
0x57: {  	vm13 =	vge.u32 v5, v1;
	v5 =	vand.u32 $0x3EF, v5;
	vm12 =	vlt.u32 v4, $0x100000  }
0x58: {  	v5 =	vor.u32 $0x100000, v5;
	vm0 =	vmand vm13, vm12  }
0x59: {  	v4 =	vsel vm0, v4, v5  }
0x5a: {  	[tilespmem:s1+$0x20] =	vst v4  }
0x5b: {  	v4 =	vld [tilespmem:s0+$0x30];
	_ =	sdelay $0x3  }
0x5c: {  	s22 =	simm.s32 $0x70  }
0x5d: {  	v5 =	vor.u32 s22, v3;
	v4 =	vsub.s32 v4, v0  }
0x5e: {  	vm15 =	vge.u32 v5, v1;
	v5 =	vand.u32 $0x3FF, v5;
	vm14 =	vlt.u32 v4, $0x100000  }
0x5f: {  	v5 =	vor.u32 $0x100000, v5;
	vm0 =	vmand vm15, vm14  }
0x60: {  	v4 =	vsel vm0, v4, v5  }
0x61: {  	s0 =	simm.s32 $0xC0;
	[tilespmem:s1+$0x30] =	vst v4  }
0x62: {  	s20 =	simm.s32 $0xF0;
	s21 =	simm.s32 $0x170;
	v4 =	vld [tilespmem:s0+$0xFFFFFFC0]  }
.LBB2_4:
0x63: {  	p0 =	sne.s32 s21, $0x1870;
	_ =	sdelay $0x2  }
0x64: {  	s22 =	sadd.s32 $0xFFFFFF90, s20  }
0x65: {  	v5 =	vor.u32 s22, v3;
	v4 =	vsub.s32 v4, v0  }
0x66: {  	vm1 =	vge.u32 v5, v1;
	v5 =	vand.u32 $0x38F, v5;
	vm0 =	vlt.u32 v4, $0x100000  }
0x67: {  	v5 =	vor.u32 $0x100000, v5;
	vm0 =	vmand vm1, vm0  }
0x68: {  	s1 =	sadd.s32 $0x80, s1;
	v4 =	vsel vm0, v4, v5  }
0x69: {  	[tilespmem:s1+$0xFFFFFFC0] =	vst v4  }
0x6a: {  	v4 =	vld [tilespmem:s0+$0xFFFFFFD0];
	_ =	sdelay $0x3  }
0x6b: {  	s22 =	sadd.s32 $0xFFFFFFA0, s20  }
0x6c: {  	v5 =	vor.u32 s22, v3;
	v4 =	vsub.s32 v4, v0  }
0x6d: {  	vm1 =	vge.u32 v5, v1;
	v5 =	vand.u32 $0x39F, v5;
	vm0 =	vlt.u32 v4, $0x100000  }
0x6e: {  	v5 =	vor.u32 $0x100000, v5;
	vm0 =	vmand vm1, vm0  }
0x6f: {  	v4 =	vsel vm0, v4, v5  }
0x70: {  	[tilespmem:s1+$0xFFFFFFD0] =	vst v4  }
0x71: {  	v4 =	vld [tilespmem:s0+$0xFFFFFFE0];
	_ =	sdelay $0x3  }
0x72: {  	s22 =	sadd.s32 $0xFFFFFFB0, s20  }
0x73: {  	v5 =	vor.u32 s22, v3;
	v4 =	vsub.s32 v4, v0  }
0x74: {  	vm1 =	vge.u32 v5, v1;
	v5 =	vand.u32 $0x3AF, v5;
	vm0 =	vlt.u32 v4, $0x100000  }
0x75: {  	v5 =	vor.u32 $0x100000, v5;
	vm0 =	vmand vm1, vm0  }
0x76: {  	v4 =	vsel vm0, v4, v5  }
0x77: {  	[tilespmem:s1+$0xFFFFFFE0] =	vst v4  }
0x78: {  	v4 =	vld [tilespmem:s0+$0xFFFFFFF0];
	_ =	sdelay $0x3  }
0x79: {  	s22 =	sadd.s32 $0xFFFFFFC0, s20  }
0x7a: {  	v5 =	vor.u32 s22, v3;
	v4 =	vsub.s32 v4, v0  }
0x7b: {  	vm1 =	vge.u32 v5, v1;
	v5 =	vand.u32 $0x3BF, v5;
	vm0 =	vlt.u32 v4, $0x100000  }
0x7c: {  	v5 =	vor.u32 $0x100000, v5;
	vm0 =	vmand vm1, vm0  }
0x7d: {  	v4 =	vsel vm0, v4, v5  }
0x7e: {  	[tilespmem:s1+$0xFFFFFFF0] =	vst v4  }
0x7f: {  	v4 =	vld [tilespmem:s0+$0x0];
	_ =	sdelay $0x3  }
0x80: {  	s22 =	sadd.s32 $0xFFFFFFD0, s20  }
0x81: {  	v5 =	vor.u32 s22, v3;
	v4 =	vsub.s32 v4, v0  }
0x82: {  	vm1 =	vge.u32 v5, v1;
	v5 =	vand.u32 $0x3CF, v5;
	vm0 =	vlt.u32 v4, $0x100000  }
0x83: {  	v5 =	vor.u32 $0x100000, v5;
	vm0 =	vmand vm1, vm0  }
0x84: {  	v4 =	vsel vm0, v4, v5  }
0x85: {  	[tilespmem:s1+$0x0] =	vst v4  }
0x86: {  	v4 =	vld [tilespmem:s0+$0x10];
	_ =	sdelay $0x3  }
0x87: {  	s22 =	sadd.s32 $0xFFFFFFE0, s20  }
0x88: {  	v5 =	vor.u32 s22, v3;
	v4 =	vsub.s32 v4, v0  }
0x89: {  	vm1 =	vge.u32 v5, v1;
	v5 =	vand.u32 $0x3DF, v5;
	vm0 =	vlt.u32 v4, $0x100000  }
0x8a: {  	v5 =	vor.u32 $0x100000, v5;
	vm0 =	vmand vm1, vm0  }
0x8b: {  	v4 =	vsel vm0, v4, v5  }
0x8c: {  	[tilespmem:s1+$0x10] =	vst v4  }
0x8d: {  	v4 =	vld [tilespmem:s0+$0x20];
	_ =	sdelay $0x3  }
0x8e: {  	s22 =	sadd.s32 $0xFFFFFFF0, s20  }
0x8f: {  	v5 =	vor.u32 s22, v3;
	v4 =	vsub.s32 v4, v0  }
0x90: {  	vm1 =	vge.u32 v5, v1;
	v5 =	vand.u32 $0x3EF, v5;
	vm0 =	vlt.u32 v4, $0x100000  }
0x91: {  	v5 =	vor.u32 $0x100000, v5;
	vm0 =	vmand vm1, vm0  }
0x92: {  	v4 =	vsel vm0, v4, v5  }
0x93: {  	[tilespmem:s1+$0x20] =	vst v4  }
0x94: {  	v4 =	vld [tilespmem:s0+$0x30];
	_ =	sdelay $0x4  }
0x95: {  	v5 =	vor.u32 s20, v3;
	s20 =	smov.u32 s21;
	v4 =	vsub.s32 v4, v0  }
.Ltmp1:
0x96: {  	vm1 =	vge.u32 v5, v1;
	v5 =	vand.u32 $0x3FF, v5;
	vm0 =	vlt.u32 v4, $0x100000;
	(pc) =	sbr.rel @p0 .LBB2_4-.Ltmp1, $4  }
0x97: {  	v5 =	vor.u32 $0x100000, v5;
	vm0 =	vmand vm1, vm0  }
0x98: {  	v4 =	vsel vm0, v4, v5  }
0x99: {  	s0 =	sadd.s32 $0x80, s0;
	[tilespmem:s1+$0x30] =	vst v4  }
0x9a: {  	s21 =	sadd.s32 $0x80, s21;
	v4 =	vld [tilespmem:s0+$0xFFFFFFC0]  }
0x9b: {  	_ =	sdelay $0x2  }
0x9c: {  	s21 =	sadd.s32 $0xFFFFFF90, s20  }
0x9d: {  	v5 =	vor.u32 s21, v3;
	v4 =	vsub.s32 v4, v0  }
0x9e: {  	vm1 =	vge.u32 v5, v1;
	v5 =	vand.u32 $0x38F, v5;
	vm0 =	vlt.u32 v4, $0x100000  }
0x9f: {  	v5 =	vor.u32 $0x100000, v5;
	vm0 =	vmand vm1, vm0  }
0xa0: {  	s1 =	sadd.s32 $0x80, s1;
	v4 =	vsel vm0, v4, v5  }
0xa1: {  	[tilespmem:s1+$0xFFFFFFC0] =	vst v4  }
0xa2: {  	v4 =	vld [tilespmem:s0+$0xFFFFFFD0];
	_ =	sdelay $0x3  }
0xa3: {  	s22 =	sadd.s32 $0xFFFFFFA0, s20  }
0xa4: {  	v5 =	vor.u32 s22, v3;
	v4 =	vsub.s32 v4, v0  }
0xa5: {  	vm15 =	vge.u32 v5, v1;
	v5 =	vand.u32 $0x39F, v5;
	vm14 =	vlt.u32 v4, $0x100000  }
0xa6: {  	v5 =	vor.u32 $0x100000, v5;
	vm0 =	vmand vm15, vm14  }
0xa7: {  	v4 =	vsel vm0, v4, v5  }
0xa8: {  	[tilespmem:s1+$0xFFFFFFD0] =	vst v4  }
0xa9: {  	v4 =	vld [tilespmem:s0+$0xFFFFFFE0];
	_ =	sdelay $0x3  }
0xaa: {  	s22 =	sadd.s32 $0xFFFFFFB0, s20  }
0xab: {  	v5 =	vor.u32 s22, v3;
	v4 =	vsub.s32 v4, v0  }
0xac: {  	vm5 =	vge.u32 v5, v1;
	v5 =	vand.u32 $0x3AF, v5;
	vm4 =	vlt.u32 v4, $0x100000  }
0xad: {  	v5 =	vor.u32 $0x100000, v5;
	vm0 =	vmand vm5, vm4  }
0xae: {  	v4 =	vsel vm0, v4, v5  }
0xaf: {  	[tilespmem:s1+$0xFFFFFFE0] =	vst v4  }
0xb0: {  	v4 =	vld [tilespmem:s0+$0xFFFFFFF0];
	_ =	sdelay $0x3  }
0xb1: {  	s22 =	sadd.s32 $0xFFFFFFC0, s20  }
0xb2: {  	v5 =	vor.u32 s22, v3;
	v4 =	vsub.s32 v4, v0  }
0xb3: {  	vm7 =	vge.u32 v5, v1;
	v5 =	vand.u32 $0x3BF, v5;
	vm6 =	vlt.u32 v4, $0x100000  }
0xb4: {  	v5 =	vor.u32 $0x100000, v5;
	vm0 =	vmand vm7, vm6  }
0xb5: {  	v4 =	vsel vm0, v4, v5  }
0xb6: {  	[tilespmem:s1+$0xFFFFFFF0] =	vst v4  }
0xb7: {  	v4 =	vld [tilespmem:s0+$0x0];
	_ =	sdelay $0x3  }
0xb8: {  	s22 =	sadd.s32 $0xFFFFFFD0, s20  }
0xb9: {  	v5 =	vor.u32 s22, v3;
	v4 =	vsub.s32 v4, v0  }
0xba: {  	vm9 =	vge.u32 v5, v1;
	v5 =	vand.u32 $0x3CF, v5;
	vm8 =	vlt.u32 v4, $0x100000  }
0xbb: {  	v5 =	vor.u32 $0x100000, v5;
	vm0 =	vmand vm9, vm8  }
0xbc: {  	v4 =	vsel vm0, v4, v5  }
0xbd: {  	[tilespmem:s1+$0x0] =	vst v4  }
0xbe: {  	v4 =	vld [tilespmem:s0+$0x10];
	_ =	sdelay $0x3  }
0xbf: {  	s22 =	sadd.s32 $0xFFFFFFE0, s20  }
0xc0: {  	v5 =	vor.u32 s22, v3;
	v4 =	vsub.s32 v4, v0  }
0xc1: {  	vm11 =	vge.u32 v5, v1;
	v5 =	vand.u32 $0x3DF, v5;
	vm10 =	vlt.u32 v4, $0x100000  }
0xc2: {  	v5 =	vor.u32 $0x100000, v5;
	vm0 =	vmand vm11, vm10  }
0xc3: {  	v4 =	vsel vm0, v4, v5  }
0xc4: {  	[tilespmem:s1+$0x10] =	vst v4  }
0xc5: {  	v4 =	vld [tilespmem:s0+$0x20];
	_ =	sdelay $0x3  }
0xc6: {  	s22 =	sadd.s32 $0xFFFFFFF0, s20  }
0xc7: {  	v5 =	vor.u32 s22, v3;
	v4 =	vsub.s32 v4, v0  }
0xc8: {  	vm13 =	vge.u32 v5, v1;
	v5 =	vand.u32 $0x3EF, v5;
	vm12 =	vlt.u32 v4, $0x100000  }
0xc9: {  	v5 =	vor.u32 $0x100000, v5;
	vm0 =	vmand vm13, vm12  }
0xca: {  	v4 =	vsel vm0, v4, v5  }
0xcb: {  	[tilespmem:s1+$0x20] =	vst v4  }
0xcc: {  	v4 =	vld [tilespmem:s0+$0x30];
	_ =	sdelay $0x4  }
0xcd: {  	v5 =	vor.u32 s20, v3;
	v4 =	vsub.s32 v4, v0  }
0xce: {  	vm15 =	vge.u32 v5, v1;
	v5 =	vand.u32 $0x3FF, v5;
	vm14 =	vlt.u32 v4, $0x100000  }
0xcf: {  	v5 =	vor.u32 $0x100000, v5;
	vm0 =	vmand vm15, vm14  }
0xd0: {  	v4 =	vsel vm0, v4, v5  }
0xd1: {  	[tilespmem:s1+$0x30] =	vst v4  }
0xd2: {  	_ =	swait.ge [sflag:s18], $0x4000  }
0xd3: {  	[sflag:s18] =	ssyncset.done $0x0  }
0xd4: {  	[sflag:s18] =	ssyncadd.s32 $0xFFFFC000  }
0xd5: {  	_ =	swait.ge [sflag:s18], $0x4000  }
0xd6: {  	[sflag:s18] =	ssyncset.done $0x0  }
0xd7: {  	[sflag:s18] =	ssyncadd.s32 $0xFFFFC000  }
0xd8: {  	_ =	swait.ge [sflag:s18], $0x4000  }
0xd9: {  	[sflag:s18] =	ssyncset.done $0x0  }
0xda: {  	[sflag:s18] =	ssyncadd.s32 $0xFFFFC000  }
0xdb: {  	_ =	swait.ge [sflag:s18], $0x4000  }
0xdc: {  	[sflag:s18] =	ssyncset.done $0x0  }
0xdd: {  	[sflag:s18] =	ssyncadd.s32 $0xFFFFC000  }
0xde: {  	s20 =	simm.s32 $0x3100;
	[bflag:$0x0] =	sbarrier.arrive $0xFFFF  }
0xdf: {  	[spmem:s2] =	stream.indirect.scatter.add.f32 [tilespmem:s15], [sflag:$0x3], $0x1, s20, s19, $0xb8;
	[tilespmem:$0x1CD40] =	vst v63  }
0xe0: {  	s21 =	simm.s32 $0x3180;
	s22 =	simm.s32 $0x1900  }
0xe1: {  	[spmem:s2] =	stream.indirect.scatter.add.f32 [tilespmem:s22], [sflag:$0x3], $0x1, s21, s19, $0xb8;
	[tilespmem:$0x1CD40] =	vst v63  }
0xe2: {  	s1 =	simm.s32 $0x3200;
	s20 =	simm.s32 $0x1980  }
0xe3: {  	[spmem:s2] =	stream.indirect.scatter.add.f32 [tilespmem:s20], [sflag:$0x3], $0x1, s1, s19, $0xb8;
	[tilespmem:$0x1CD40] =	vst v63  }
0xe4: {  	s21 =	simm.s32 $0x3280;
	s22 =	simm.s32 $0x1A00  }
0xe5: {  	[spmem:s2] =	stream.indirect.scatter.add.f32 [tilespmem:s22], [sflag:$0x3], $0x1, s21, s19, $0xb8;
	[tilespmem:$0x1CD40] =	vst v63  }
0xe6: {  	s1 =	simm.s32 $0x3300;
	s20 =	simm.s32 $0x1A80  }
0xe7: {  	[spmem:s2] =	stream.indirect.scatter.add.f32 [tilespmem:s20], [sflag:$0x3], $0x1, s1, s19, $0xb8;
	[tilespmem:$0x1CD40] =	vst v63  }
0xe8: {  	s21 =	simm.s32 $0x3380;
	s22 =	simm.s32 $0x1B00  }
0xe9: {  	[spmem:s2] =	stream.indirect.scatter.add.f32 [tilespmem:s22], [sflag:$0x3], $0x1, s21, s19, $0xb8;
	[tilespmem:$0x1CD40] =	vst v63  }
0xea: {  	s1 =	simm.s32 $0x3400;
	s20 =	simm.s32 $0x1B80  }
0xeb: {  	[spmem:s2] =	stream.indirect.scatter.add.f32 [tilespmem:s20], [sflag:$0x3], $0x1, s1, s19, $0xb8;
	[tilespmem:$0x1CD40] =	vst v63  }
0xec: {  	s21 =	simm.s32 $0x3480;
	s22 =	simm.s32 $0x1C00  }
0xed: {  	[spmem:s2] =	stream.indirect.scatter.add.f32 [tilespmem:s22], [sflag:$0x3], $0x1, s21, s19, $0xb8;
	[tilespmem:$0x1CD40] =	vst v63  }
0xee: {  	s1 =	simm.s32 $0x3500;
	s20 =	simm.s32 $0x1C80  }
0xef: {  	[spmem:s2] =	stream.indirect.scatter.add.f32 [tilespmem:s20], [sflag:$0x3], $0x1, s1, s19, $0xb8;
	[tilespmem:$0x1CD40] =	vst v63  }
0xf0: {  	s21 =	simm.s32 $0x3580;
	s22 =	simm.s32 $0x1D00  }
0xf1: {  	[spmem:s2] =	stream.indirect.scatter.add.f32 [tilespmem:s22], [sflag:$0x3], $0x1, s21, s19, $0xb8;
	[tilespmem:$0x1CD40] =	vst v63  }
0xf2: {  	s1 =	simm.s32 $0x3600;
	s20 =	simm.s32 $0x1D80  }
0xf3: {  	[spmem:s2] =	stream.indirect.scatter.add.f32 [tilespmem:s20], [sflag:$0x3], $0x1, s1, s19, $0xb8;
	[tilespmem:$0x1CD40] =	vst v63  }
0xf4: {  	s21 =	simm.s32 $0x3680;
	s22 =	simm.s32 $0x1E00  }
0xf5: {  	[spmem:s2] =	stream.indirect.scatter.add.f32 [tilespmem:s22], [sflag:$0x3], $0x1, s21, s19, $0xb8;
	[tilespmem:$0x1CD40] =	vst v63  }
0xf6: {  	s1 =	simm.s32 $0x3700;
	s20 =	simm.s32 $0x1E80  }
0xf7: {  	[spmem:s2] =	stream.indirect.scatter.add.f32 [tilespmem:s20], [sflag:$0x3], $0x1, s1, s19, $0xb8;
	[tilespmem:$0x1CD40] =	vst v63  }
0xf8: {  	s21 =	simm.s32 $0x3780;
	s22 =	simm.s32 $0x1F00  }
0xf9: {  	[spmem:s2] =	stream.indirect.scatter.add.f32 [tilespmem:s22], [sflag:$0x3], $0x1, s21, s19, $0xb8;
	[tilespmem:$0x1CD40] =	vst v63  }
0xfa: {  	s1 =	simm.s32 $0x3800;
	s20 =	simm.s32 $0x1F80  }
0xfb: {  	[spmem:s2] =	stream.indirect.scatter.add.f32 [tilespmem:s20], [sflag:$0x3], $0x1, s1, s19, $0xb8;
	[tilespmem:$0x1CD40] =	vst v63  }
0xfc: {  	s21 =	simm.s32 $0x3880;
	s22 =	simm.s32 $0x2000  }
0xfd: {  	[spmem:s2] =	stream.indirect.scatter.add.f32 [tilespmem:s22], [sflag:$0x3], $0x1, s21, s19, $0xb8;
	[tilespmem:$0x1CD40] =	vst v63  }
0xfe: {  	s1 =	simm.s32 $0x3900;
	s20 =	simm.s32 $0x2080  }
0xff: {  	[spmem:s2] =	stream.indirect.scatter.add.f32 [tilespmem:s20], [sflag:$0x3], $0x1, s1, s19, $0xb8;
	[tilespmem:$0x1CD40] =	vst v63  }
0x100: {  	s21 =	simm.s32 $0x3980;
	s22 =	simm.s32 $0x2100  }
0x101: {  	[spmem:s2] =	stream.indirect.scatter.add.f32 [tilespmem:s22], [sflag:$0x3], $0x1, s21, s19, $0xb8;
	[tilespmem:$0x1CD40] =	vst v63  }
0x102: {  	s1 =	simm.s32 $0x3A00;
	s20 =	simm.s32 $0x2180  }
0x103: {  	[spmem:s2] =	stream.indirect.scatter.add.f32 [tilespmem:s20], [sflag:$0x3], $0x1, s1, s19, $0xb8;
	[tilespmem:$0x1CD40] =	vst v63  }
0x104: {  	s21 =	simm.s32 $0x3A80;
	s22 =	simm.s32 $0x2200  }
0x105: {  	[spmem:s2] =	stream.indirect.scatter.add.f32 [tilespmem:s22], [sflag:$0x3], $0x1, s21, s19, $0xb8;
	[tilespmem:$0x1CD40] =	vst v63  }
0x106: {  	s1 =	simm.s32 $0x3B00;
	s20 =	simm.s32 $0x2280  }
0x107: {  	[spmem:s2] =	stream.indirect.scatter.add.f32 [tilespmem:s20], [sflag:$0x3], $0x1, s1, s19, $0xb8;
	[tilespmem:$0x1CD40] =	vst v63  }
0x108: {  	s21 =	simm.s32 $0x3B80;
	s22 =	simm.s32 $0x2300  }
0x109: {  	[spmem:s2] =	stream.indirect.scatter.add.f32 [tilespmem:s22], [sflag:$0x3], $0x1, s21, s19, $0xb8;
	[tilespmem:$0x1CD40] =	vst v63  }
0x10a: {  	s1 =	simm.s32 $0x3C00;
	s20 =	simm.s32 $0x2380  }
0x10b: {  	[spmem:s2] =	stream.indirect.scatter.add.f32 [tilespmem:s20], [sflag:$0x3], $0x1, s1, s19, $0xb8;
	[tilespmem:$0x1CD40] =	vst v63  }
0x10c: {  	s21 =	simm.s32 $0x3C80;
	s22 =	simm.s32 $0x2400  }
0x10d: {  	[spmem:s2] =	stream.indirect.scatter.add.f32 [tilespmem:s22], [sflag:$0x3], $0x1, s21, s19, $0xb8;
	[tilespmem:$0x1CD40] =	vst v63  }
0x10e: {  	s1 =	simm.s32 $0x3D00;
	s20 =	simm.s32 $0x2480  }
0x10f: {  	[spmem:s2] =	stream.indirect.scatter.add.f32 [tilespmem:s20], [sflag:$0x3], $0x1, s1, s19, $0xb8;
	[tilespmem:$0x1CD40] =	vst v63  }
0x110: {  	s21 =	simm.s32 $0x3D80;
	s22 =	simm.s32 $0x2500  }
0x111: {  	[spmem:s2] =	stream.indirect.scatter.add.f32 [tilespmem:s22], [sflag:$0x3], $0x1, s21, s19, $0xb8;
	[tilespmem:$0x1CD40] =	vst v63  }
0x112: {  	s1 =	simm.s32 $0x3E00;
	s20 =	simm.s32 $0x2580  }
0x113: {  	[spmem:s2] =	stream.indirect.scatter.add.f32 [tilespmem:s20], [sflag:$0x3], $0x1, s1, s19, $0xb8;
	[tilespmem:$0x1CD40] =	vst v63  }
0x114: {  	s21 =	simm.s32 $0x3E80;
	s22 =	simm.s32 $0x2600  }
0x115: {  	[spmem:s2] =	stream.indirect.scatter.add.f32 [tilespmem:s22], [sflag:$0x3], $0x1, s21, s19, $0xb8;
	[tilespmem:$0x1CD40] =	vst v63  }
0x116: {  	s1 =	simm.s32 $0x3F00;
	s20 =	simm.s32 $0x2680  }
0x117: {  	[spmem:s2] =	stream.indirect.scatter.add.f32 [tilespmem:s20], [sflag:$0x3], $0x1, s1, s19, $0xb8;
	[tilespmem:$0x1CD40] =	vst v63  }
0x118: {  	s21 =	simm.s32 $0x3F80;
	s22 =	simm.s32 $0x2700  }
0x119: {  	[spmem:s2] =	stream.indirect.scatter.add.f32 [tilespmem:s22], [sflag:$0x3], $0x1, s21, s19, $0xb8;
	[tilespmem:$0x1CD40] =	vst v63  }
0x11a: {  	s1 =	simm.s32 $0x4000;
	s20 =	simm.s32 $0x2780  }
0x11b: {  	[spmem:s2] =	stream.indirect.scatter.add.f32 [tilespmem:s20], [sflag:$0x3], $0x1, s1, s19, $0xb8;
	[tilespmem:$0x1CD40] =	vst v63  }
0x11c: {  	s21 =	simm.s32 $0x4080;
	s22 =	simm.s32 $0x2800  }
0x11d: {  	[spmem:s2] =	stream.indirect.scatter.add.f32 [tilespmem:s22], [sflag:$0x3], $0x1, s21, s19, $0xb8;
	[tilespmem:$0x1CD40] =	vst v63  }
0x11e: {  	s1 =	simm.s32 $0x4100;
	s20 =	simm.s32 $0x2880  }
0x11f: {  	[spmem:s2] =	stream.indirect.scatter.add.f32 [tilespmem:s20], [sflag:$0x3], $0x1, s1, s19, $0xb8;
	[tilespmem:$0x1CD40] =	vst v63  }
0x120: {  	s21 =	simm.s32 $0x4180;
	s22 =	simm.s32 $0x2900  }
0x121: {  	[spmem:s2] =	stream.indirect.scatter.add.f32 [tilespmem:s22], [sflag:$0x3], $0x1, s21, s19, $0xb8;
	[tilespmem:$0x1CD40] =	vst v63  }
0x122: {  	s1 =	simm.s32 $0x4200;
	s20 =	simm.s32 $0x2980  }
0x123: {  	[spmem:s2] =	stream.indirect.scatter.add.f32 [tilespmem:s20], [sflag:$0x3], $0x1, s1, s19, $0xb8;
	[tilespmem:$0x1CD40] =	vst v63  }
0x124: {  	s21 =	simm.s32 $0x4280;
	s22 =	simm.s32 $0x2A00  }
0x125: {  	[spmem:s2] =	stream.indirect.scatter.add.f32 [tilespmem:s22], [sflag:$0x3], $0x1, s21, s19, $0xb8;
	[tilespmem:$0x1CD40] =	vst v63  }
0x126: {  	s1 =	simm.s32 $0x4300;
	s20 =	simm.s32 $0x2A80  }
0x127: {  	[spmem:s2] =	stream.indirect.scatter.add.f32 [tilespmem:s20], [sflag:$0x3], $0x1, s1, s19, $0xb8;
	[tilespmem:$0x1CD40] =	vst v63  }
0x128: {  	s21 =	simm.s32 $0x4380;
	s22 =	simm.s32 $0x2B00  }
0x129: {  	[spmem:s2] =	stream.indirect.scatter.add.f32 [tilespmem:s22], [sflag:$0x3], $0x1, s21, s19, $0xb8;
	[tilespmem:$0x1CD40] =	vst v63  }
0x12a: {  	s1 =	simm.s32 $0x4400;
	s20 =	simm.s32 $0x2B80  }
0x12b: {  	[spmem:s2] =	stream.indirect.scatter.add.f32 [tilespmem:s20], [sflag:$0x3], $0x1, s1, s19, $0xb8;
	[tilespmem:$0x1CD40] =	vst v63  }
0x12c: {  	s21 =	simm.s32 $0x4480;
	s22 =	simm.s32 $0x2C00  }
0x12d: {  	[spmem:s2] =	stream.indirect.scatter.add.f32 [tilespmem:s22], [sflag:$0x3], $0x1, s21, s19, $0xb8;
	[tilespmem:$0x1CD40] =	vst v63  }
0x12e: {  	s1 =	simm.s32 $0x4500;
	s20 =	simm.s32 $0x2C80  }
0x12f: {  	[spmem:s2] =	stream.indirect.scatter.add.f32 [tilespmem:s20], [sflag:$0x3], $0x1, s1, s19, $0xb8;
	[tilespmem:$0x1CD40] =	vst v63  }
0x130: {  	s21 =	simm.s32 $0x4580;
	s22 =	simm.s32 $0x2D00  }
0x131: {  	[spmem:s2] =	stream.indirect.scatter.add.f32 [tilespmem:s22], [sflag:$0x3], $0x1, s21, s19, $0xb8;
	[tilespmem:$0x1CD40] =	vst v63  }
0x132: {  	s1 =	simm.s32 $0x4600;
	s20 =	simm.s32 $0x2D80  }
0x133: {  	[spmem:s2] =	stream.indirect.scatter.add.f32 [tilespmem:s20], [sflag:$0x3], $0x1, s1, s19, $0xb8;
	[tilespmem:$0x1CD40] =	vst v63  }
0x134: {  	s21 =	simm.s32 $0x4680;
	s22 =	simm.s32 $0x2E00  }
0x135: {  	[spmem:s2] =	stream.indirect.scatter.add.f32 [tilespmem:s22], [sflag:$0x3], $0x1, s21, s19, $0xb8;
	[tilespmem:$0x1CD40] =	vst v63  }
0x136: {  	s1 =	simm.s32 $0x4700;
	s20 =	simm.s32 $0x2E80  }
0x137: {  	[spmem:s2] =	stream.indirect.scatter.add.f32 [tilespmem:s20], [sflag:$0x3], $0x1, s1, s19, $0xb8;
	[tilespmem:$0x1CD40] =	vst v63  }
0x138: {  	s21 =	simm.s32 $0x4780;
	s22 =	simm.s32 $0x2F00  }
0x139: {  	[spmem:s2] =	stream.indirect.scatter.add.f32 [tilespmem:s22], [sflag:$0x3], $0x1, s21, s19, $0xb8;
	[tilespmem:$0x1CD40] =	vst v63  }
0x13a: {  	s20 =	simm.s32 $0x4800;
	s21 =	simm.s32 $0x2F80  }
0x13b: {  	[spmem:s2] =	stream.indirect.scatter.add.f32 [tilespmem:s21], [sflag:$0x3], $0x1, s20, s19, $0xb8;
	[tilespmem:$0x1CD40] =	vst v63  }
0x13c: {  	s22 =	simm.s32 $0x4880  }
0x13d: {  	[spmem:s2] =	stream.indirect.scatter.add.f32 [tilespmem:s23], [sflag:$0x3], $0x1, s22, s19, $0xb8;
	[tilespmem:$0x1CD40] =	vst v63  }
0x13e: {  	_ = 	snop  }
0x13f: {  	[spmem:s2] =	stream.indirect.scatter.add.f32 [tilespmem:s25], [sflag:$0x3], $0x1, s24, s19, $0xb8;
	[tilespmem:$0x1CD40] =	vst v63  }
0x140: {  	_ =	swait.ge [sflag:s26], $0x80  }
0x141: {  	[sflag:s26] =	ssyncset.done $0x0  }
0x142: {  	[sflag:s26] =	ssyncadd.s32 $0xFFFFFF80  }
0x143: {  	_ =	swait.ge [sflag:s26], $0x80  }
0x144: {  	[sflag:s26] =	ssyncset.done $0x0  }
0x145: {  	[sflag:s26] =	ssyncadd.s32 $0xFFFFFF80  }
0x146: {  	_ =	swait.ge [sflag:s26], $0x80  }
0x147: {  	[sflag:s26] =	ssyncset.done $0x0  }
0x148: {  	[sflag:s26] =	ssyncadd.s32 $0xFFFFFF80  }
0x149: {  	_ =	swait.ge [sflag:s26], $0x80  }
0x14a: {  	[sflag:s26] =	ssyncset.done $0x0  }
0x14b: {  	[sflag:s26] =	ssyncadd.s32 $0xFFFFFF80  }
0x14c: {  	_ =	swait.ge [sflag:s26], $0x80  }
0x14d: {  	[sflag:s26] =	ssyncset.done $0x0  }
0x14e: {  	[sflag:s26] =	ssyncadd.s32 $0xFFFFFF80  }
0x14f: {  	_ =	swait.ge [sflag:s26], $0x80  }
0x150: {  	[sflag:s26] =	ssyncset.done $0x0  }
0x151: {  	[sflag:s26] =	ssyncadd.s32 $0xFFFFFF80  }
0x152: {  	_ =	swait.ge [sflag:s26], $0x80  }
0x153: {  	[sflag:s26] =	ssyncset.done $0x0  }
0x154: {  	[sflag:s26] =	ssyncadd.s32 $0xFFFFFF80  }
0x155: {  	_ =	swait.ge [sflag:s26], $0x80  }
0x156: {  	[sflag:s26] =	ssyncset.done $0x0  }
0x157: {  	[sflag:s26] =	ssyncadd.s32 $0xFFFFFF80  }
0x158: {  	_ =	swait.ge [sflag:s26], $0x80  }
0x159: {  	[sflag:s26] =	ssyncset.done $0x0  }
0x15a: {  	[sflag:s26] =	ssyncadd.s32 $0xFFFFFF80  }
0x15b: {  	_ =	swait.ge [sflag:s26], $0x80  }
0x15c: {  	[sflag:s26] =	ssyncset.done $0x0  }
0x15d: {  	[sflag:s26] =	ssyncadd.s32 $0xFFFFFF80  }
0x15e: {  	_ =	swait.ge [sflag:s26], $0x80  }
0x15f: {  	[sflag:s26] =	ssyncset.done $0x0  }
0x160: {  	[sflag:s26] =	ssyncadd.s32 $0xFFFFFF80  }
0x161: {  	_ =	swait.ge [sflag:s26], $0x80  }
0x162: {  	[sflag:s26] =	ssyncset.done $0x0  }
0x163: {  	[sflag:s26] =	ssyncadd.s32 $0xFFFFFF80  }
0x164: {  	_ =	swait.ge [sflag:s26], $0x80  }
0x165: {  	[sflag:s26] =	ssyncset.done $0x0  }
0x166: {  	[sflag:s26] =	ssyncadd.s32 $0xFFFFFF80  }
0x167: {  	_ =	swait.ge [sflag:s26], $0x80  }
0x168: {  	[sflag:s26] =	ssyncset.done $0x0  }
0x169: {  	[sflag:s26] =	ssyncadd.s32 $0xFFFFFF80  }
0x16a: {  	_ =	swait.ge [sflag:s26], $0x80  }
0x16b: {  	[sflag:s26] =	ssyncset.done $0x0  }
0x16c: {  	[sflag:s26] =	ssyncadd.s32 $0xFFFFFF80  }
0x16d: {  	_ =	swait.ge [sflag:s26], $0x80  }
0x16e: {  	[sflag:s26] =	ssyncset.done $0x0  }
0x16f: {  	[sflag:s26] =	ssyncadd.s32 $0xFFFFFF80  }
0x170: {  	_ =	swait.ge [sflag:s26], $0x80  }
0x171: {  	[sflag:s26] =	ssyncset.done $0x0  }
0x172: {  	[sflag:s26] =	ssyncadd.s32 $0xFFFFFF80  }
0x173: {  	_ =	swait.ge [sflag:s26], $0x80  }
0x174: {  	[sflag:s26] =	ssyncset.done $0x0  }
0x175: {  	[sflag:s26] =	ssyncadd.s32 $0xFFFFFF80  }
0x176: {  	_ =	swait.ge [sflag:s26], $0x80  }
0x177: {  	[sflag:s26] =	ssyncset.done $0x0  }
0x178: {  	[sflag:s26] =	ssyncadd.s32 $0xFFFFFF80  }
0x179: {  	_ =	swait.ge [sflag:s26], $0x80  }
0x17a: {  	[sflag:s26] =	ssyncset.done $0x0  }
0x17b: {  	[sflag:s26] =	ssyncadd.s32 $0xFFFFFF80  }
0x17c: {  	_ =	swait.ge [sflag:s26], $0x80  }
0x17d: {  	[sflag:s26] =	ssyncset.done $0x0  }
0x17e: {  	[sflag:s26] =	ssyncadd.s32 $0xFFFFFF80  }
0x17f: {  	_ =	swait.ge [sflag:s26], $0x80  }
0x180: {  	[sflag:s26] =	ssyncset.done $0x0  }
0x181: {  	[sflag:s26] =	ssyncadd.s32 $0xFFFFFF80  }
0x182: {  	_ =	swait.ge [sflag:s26], $0x80  }
0x183: {  	[sflag:s26] =	ssyncset.done $0x0  }
0x184: {  	[sflag:s26] =	ssyncadd.s32 $0xFFFFFF80  }
0x185: {  	_ =	swait.ge [sflag:s26], $0x80  }
0x186: {  	[sflag:s26] =	ssyncset.done $0x0  }
0x187: {  	[sflag:s26] =	ssyncadd.s32 $0xFFFFFF80  }
0x188: {  	_ =	swait.ge [sflag:s26], $0x80  }
0x189: {  	[sflag:s26] =	ssyncset.done $0x0  }
0x18a: {  	[sflag:s26] =	ssyncadd.s32 $0xFFFFFF80  }
0x18b: {  	_ =	swait.ge [sflag:s26], $0x80  }
0x18c: {  	[sflag:s26] =	ssyncset.done $0x0  }
0x18d: {  	[sflag:s26] =	ssyncadd.s32 $0xFFFFFF80  }
0x18e: {  	_ =	swait.ge [sflag:s26], $0x80  }
0x18f: {  	[sflag:s26] =	ssyncset.done $0x0  }
0x190: {  	[sflag:s26] =	ssyncadd.s32 $0xFFFFFF80  }
0x191: {  	_ =	swait.ge [sflag:s26], $0x80  }
0x192: {  	[sflag:s26] =	ssyncset.done $0x0  }
0x193: {  	[sflag:s26] =	ssyncadd.s32 $0xFFFFFF80  }
0x194: {  	_ =	swait.ge [sflag:s26], $0x80  }
0x195: {  	[sflag:s26] =	ssyncset.done $0x0  }
0x196: {  	[sflag:s26] =	ssyncadd.s32 $0xFFFFFF80  }
0x197: {  	_ =	swait.ge [sflag:s26], $0x80  }
0x198: {  	[sflag:s26] =	ssyncset.done $0x0  }
0x199: {  	[sflag:s26] =	ssyncadd.s32 $0xFFFFFF80  }
0x19a: {  	_ =	swait.ge [sflag:s26], $0x80  }
0x19b: {  	[sflag:s26] =	ssyncset.done $0x0  }
0x19c: {  	[sflag:s26] =	ssyncadd.s32 $0xFFFFFF80  }
0x19d: {  	_ =	swait.ge [sflag:s26], $0x80  }
0x19e: {  	[sflag:s26] =	ssyncset.done $0x0  }
0x19f: {  	[sflag:s26] =	ssyncadd.s32 $0xFFFFFF80  }
0x1a0: {  	_ =	swait.ge [sflag:s26], $0x80  }
0x1a1: {  	[sflag:s26] =	ssyncset.done $0x0  }
0x1a2: {  	[sflag:s26] =	ssyncadd.s32 $0xFFFFFF80  }
0x1a3: {  	_ =	swait.ge [sflag:s26], $0x80  }
0x1a4: {  	[sflag:s26] =	ssyncset.done $0x0  }
0x1a5: {  	[sflag:s26] =	ssyncadd.s32 $0xFFFFFF80  }
0x1a6: {  	_ =	swait.ge [sflag:s26], $0x80  }
0x1a7: {  	[sflag:s26] =	ssyncset.done $0x0  }
0x1a8: {  	[sflag:s26] =	ssyncadd.s32 $0xFFFFFF80  }
0x1a9: {  	_ =	swait.ge [sflag:s26], $0x80  }
0x1aa: {  	[sflag:s26] =	ssyncset.done $0x0  }
0x1ab: {  	[sflag:s26] =	ssyncadd.s32 $0xFFFFFF80  }
0x1ac: {  	_ =	swait.ge [sflag:s26], $0x80  }
0x1ad: {  	[sflag:s26] =	ssyncset.done $0x0  }
0x1ae: {  	[sflag:s26] =	ssyncadd.s32 $0xFFFFFF80  }
0x1af: {  	_ =	swait.ge [sflag:s26], $0x80  }
0x1b0: {  	[sflag:s26] =	ssyncset.done $0x0  }
0x1b1: {  	[sflag:s26] =	ssyncadd.s32 $0xFFFFFF80  }
0x1b2: {  	_ =	swait.ge [sflag:s26], $0x80  }
0x1b3: {  	[sflag:s26] =	ssyncset.done $0x0  }
0x1b4: {  	[sflag:s26] =	ssyncadd.s32 $0xFFFFFF80  }
0x1b5: {  	_ =	swait.ge [sflag:s26], $0x80  }
0x1b6: {  	[sflag:s26] =	ssyncset.done $0x0  }
0x1b7: {  	[sflag:s26] =	ssyncadd.s32 $0xFFFFFF80  }
0x1b8: {  	_ =	swait.ge [sflag:s26], $0x80  }
0x1b9: {  	[sflag:s26] =	ssyncset.done $0x0  }
0x1ba: {  	[sflag:s26] =	ssyncadd.s32 $0xFFFFFF80  }
0x1bb: {  	_ =	swait.ge [sflag:s26], $0x80  }
0x1bc: {  	[sflag:s26] =	ssyncset.done $0x0  }
0x1bd: {  	[sflag:s26] =	ssyncadd.s32 $0xFFFFFF80  }
0x1be: {  	_ =	swait.ge [sflag:s26], $0x80  }
0x1bf: {  	[sflag:s26] =	ssyncset.done $0x0  }
0x1c0: {  	[sflag:s26] =	ssyncadd.s32 $0xFFFFFF80  }
0x1c1: {  	_ =	swait.ge [sflag:s26], $0x80  }
0x1c2: {  	[sflag:s26] =	ssyncset.done $0x0  }
0x1c3: {  	[sflag:s26] =	ssyncadd.s32 $0xFFFFFF80  }
0x1c4: {  	_ =	swait.ge [sflag:s26], $0x80  }
0x1c5: {  	[sflag:s26] =	ssyncset.done $0x0  }
0x1c6: {  	[sflag:s26] =	ssyncadd.s32 $0xFFFFFF80  }
0x1c7: {  	_ =	swait.ge [sflag:s26], $0x80  }
0x1c8: {  	[sflag:s26] =	ssyncset.done $0x0  }
0x1c9: {  	[sflag:s26] =	ssyncadd.s32 $0xFFFFFF80  }
0x1ca: {  	_ =	swait.ge [sflag:s26], $0x80  }
0x1cb: {  	[sflag:s26] =	ssyncset.done $0x0  }
0x1cc: {  	[sflag:s26] =	ssyncadd.s32 $0xFFFFFF80  }
0x1cd: {  	_ =	swait.ge [sflag:s26], $0x80  }
0x1ce: {  	[sflag:s26] =	ssyncset.done $0x0  }
0x1cf: {  	[sflag:s26] =	ssyncadd.s32 $0xFFFFFF80  }
0x1d0: {  	_ =	swait.ge [sflag:s26], $0x80  }
0x1d1: {  	[sflag:s26] =	ssyncset.done $0x0  }
0x1d2: {  	[sflag:s26] =	ssyncadd.s32 $0xFFFFFF80  }
0x1d3: {  	[bflag:$0x0] =	sbarrier.arrive $0xFFFF  }
0x1d4: {  	[tilespmem:s16], [sflag:$0x4] =	stream.linear.gather [spmem:s5], $0x4000, $0x38;
	[tilespmem:$0x1CD40] =	vst v63  }
0x1d5: {  	_ =	swait.ge [sflag:s28], $0x4000  }
0x1d6: {  	[sflag:s28] =	ssyncset.done $0x0  }
0x1d7: {  	[sflag:s28] =	ssyncadd.s32 $0xFFFFC000  }
0x1d8: {  	[tilespmem:s29], [sflag:$0x4] =	stream.linear.gather [spmem:s7], $0x4000, $0x38;
	[tilespmem:$0x1CD40] =	vst v63  }
0x1d9: {  	_ = 	snop  }
0x1da: {  	[hbm4b:s10+s3] =	stream.linear.scatter [tilespmem:s16], [sflag:$0x5], $0x4000, $0x38;
	[tilespmem:$0x1CD40] =	vst v63  }
0x1db: {  	_ =	swait.ge [sflag:s28], $0x4000  }
0x1dc: {  	[sflag:s28] =	ssyncset.done $0x0  }
0x1dd: {  	[sflag:s28] =	ssyncadd.s32 $0xFFFFC000  }
0x1de: {  	_ =	swait.ge [sflag:s30], $0x4000  }
0x1df: {  	[sflag:s30] =	ssyncset.done $0x0  }
0x1e0: {  	[sflag:s30] =	ssyncadd.s32 $0xFFFFC000  }
0x1e1: {  	[tilespmem:s16], [sflag:$0x4] =	stream.linear.gather [spmem:s8], $0x4000, $0x38;
	[tilespmem:$0x1CD40] =	vst v63  }
0x1e2: {  	_ = 	snop  }
0x1e3: {  	[hbm4b:s11+s3] =	stream.linear.scatter [tilespmem:s29], [sflag:$0x5], $0x4000, $0x38;
	[tilespmem:$0x1CD40] =	vst v63  }
0x1e4: {  	_ =	swait.ge [sflag:s28], $0x4000  }
0x1e5: {  	[sflag:s28] =	ssyncset.done $0x0  }
0x1e6: {  	[sflag:s28] =	ssyncadd.s32 $0xFFFFC000  }
0x1e7: {  	_ =	swait.ge [sflag:s30], $0x4000  }
0x1e8: {  	[sflag:s30] =	ssyncset.done $0x0  }
0x1e9: {  	[sflag:s30] =	ssyncadd.s32 $0xFFFFC000  }
0x1ea: {  	[tilespmem:s29], [sflag:$0x4] =	stream.linear.gather [spmem:s9], $0x4000, $0x38;
	[tilespmem:$0x1CD40] =	vst v63  }
0x1eb: {  	_ = 	snop  }
0x1ec: {  	[hbm4b:s12+s3] =	stream.linear.scatter [tilespmem:s16], [sflag:$0x5], $0x4000, $0x38;
	[tilespmem:$0x1CD40] =	vst v63  }
0x1ed: {  	_ =	swait.ge [sflag:s28], $0x4000  }
0x1ee: {  	[sflag:s28] =	ssyncset.done $0x0  }
0x1ef: {  	s31 =	sadd.s32 $0x1, s31;
	[sflag:s28] =	ssyncadd.s32 $0xFFFFC000  }
0x1f0: {  	[hbm4b:s13+s3] =	stream.linear.scatter [tilespmem:s29], [sflag:$0x5], $0x4000, $0x38;
	[tilespmem:$0x1CD40] =	vst v63  }
0x1f1: {  	p0 =	sne.s32 s31, s14;
	_ =	swait.ge [sflag:s30], $0x4000  }
.Ltmp2:
0x1f2: {  	[sflag:s30] =	ssyncset.done $0x0;
	(pc) =	sbr.rel @p0 .LBB2_1-.Ltmp2, $4  }
0x1f3: {  	[sflag:s30] =	ssyncadd.s32 $0xFFFFC000  }
0x1f4: {  	_ =	swait.ge [sflag:s30], $0x4000  }
0x1f5: {  	[sflag:s30] =	ssyncset.done $0x0  }
0x1f6: {  	[sflag:s30] =	ssyncadd.s32 $0xFFFFC000  }
0x1f7: {  	_ =	sfence.sel $0x180000  }
0x1f8: {  	[bflag:$0x0] =	sbarrier.arrive $0xFFFF  }
0x1f9: {  	_ =	strace $0x90000047  }
0x1fa: {  	s0 =	stileid.u32;
	[bflag:$0x2] =	sbarrier.arrive $0xFFFF  }
0x1fb: {  	p0 =	sne.s32 s0, $0x0;
	s0 =	rddreg [dreg:$0x3]  }
0x1fc: {  	s0 =	sadd.s32 @!p0 $0x100000, s0  }
0x1fd: {  	[sflag:s0] =	ssyncadd.tile.s32 @!p0 $0x1;
	_ =	shalt  }
.Lfunc_end2:
_tile_overlayer_lowered:
.L_overlay_start_2:
0x1fe: {  	(tag) =	ssettag $0x2  }
0x1ff: {  	s0 =	rddreg [dreg:$0x0];
	s2 =	stileid.u32  }
0x200: {  	s1 =	rddreg [dreg:$0x1];
	p0 =	sne.s32 s2, $0x0  }
0x201: {  	s3 =	rddreg [dreg:$0x2];
	[bflag:$0x3] =	sbarrier.arrive $0xFFFF;
	s2 =	simm.s32 @!p0 $0x1C06  }
0x202: {  	[timem:s3], [sflag:s2] =	dma.local @!p0 [hbm:s0], s1  }
0x203: {  	s0 =	simm.s32 @!p0 $0x6  }
0x204: {  	_ =	swait.ge @!p0 [sflag:s0], s1  }
0x205: {  	s1 =	ssub.s32 @!p0 $0x0, s1;
	[sflag:s0] =	ssyncset.done @!p0 $0x0  }
0x206: {  	[sflag:s0] =	ssyncadd.s32 @!p0 s1  }
0x207: {  	[bflag:$0x3] =	sbarrier.arrive $0xFFFF  }
0x208: {  	_ =	shalt  }

</sc_bundles>
